<compile_context>
chip_gen: v7x
topology: tpu7x:2x2x1
jax: 0.10.2.dev20260603
libtpu: 0.0.44.dev20260713+nightly
codegen_flags: <defaults>
</compile_context>

<pallas_src>
import functools

import jax
import jax.numpy as jnp
import numpy as np
from jax import lax
from jax.experimental import pallas as pl
from jax.experimental.pallas import tpu as pltpu
from jax.experimental.pallas import tpu_sc as plsc

_NUM_CLASSES = 80
_IOU_THR = 0.65
_SCORE_THR = 0.01
_MAX_DET = 100
_MAX_PER_CLASS = 100
_K = 512
_N = 4096 + 1024 + 256
_KSLOT = 128
_NCHUNK = 42

_SC_CORES = 2
_SC_SUBCORES = 16
_SC_LANES = 16
_NW = _SC_CORES * _SC_SUBCORES
_ROWS = 8 * _NUM_CLASSES
_ROWS_PER_W = _ROWS // _NW
_UNROLL = 8


def _grid_consts(img_hw):
    h, _ = img_hw
    gxs, gys, sts = [], [], []
    for sx in (64, 32, 16):
        gx, gy = np.meshgrid(np.arange(sx), np.arange(sx))
        gxs.append(gx.reshape(-1))
        gys.append(gy.reshape(-1))
        sts.append(np.full(sx * sx, float(h) / float(sx)))
    gx = np.concatenate(gxs).astype(np.float32).reshape(1, _N)
    gy = np.concatenate(gys).astype(np.float32).reshape(1, _N)
    st = np.concatenate(sts).astype(np.float32).reshape(1, _N)
    return jnp.asarray(gx), jnp.asarray(gy), jnp.asarray(st)



_BG = 2


def _stage1_body(pt_ref, gx_ref, gy_ref, st_ref,
                 d_ref, val_ref, x1_ref, y1_ref, x2_ref, y2_ref,
                 *, img_h, img_w):
    pt = pt_ref[...]
    gx = gx_ref[...]
    gy = gy_ref[...]
    st = st_ref[...]

    tx = pt[:, 0:1, :]
    ty = pt[:, 1:2, :]
    tw = pt[:, 2:3, :]
    th = pt[:, 3:4, :]
    conf_l = pt[:, 4:5, :]
    cls_l = pt[:, 5:5 + _NUM_CLASSES, :]

    fw = jnp.float32(img_w)
    fh = jnp.float32(img_h)
    bxy_x = (tx + gx) * st / fh
    bxy_y = (ty + gy) * st / fh
    bwh_x = jnp.exp(tw) * st / fh
    bwh_y = jnp.exp(th) * st / fh
    x1 = (bxy_x - bwh_x / 2.0) * fw
    y1 = (bxy_y - bwh_y / 2.0) * fh
    x2 = x1 + bwh_x * fw
    y2 = y1 + bwh_y * fh

    scores = jax.nn.sigmoid(conf_l) * jax.nn.sigmoid(cls_l)
    shp = (_BG, _NUM_CLASSES, _N)

    si = lax.bitcast_convert_type(scores, jnp.int32)
    iota_i = lax.broadcasted_iota(jnp.int32, shp, 2)

    def bs_val(_, lohi):
        lo, hi = lohi
        mid = lo + (hi - lo + 1) // 2
        c = jnp.sum((si >= mid).astype(jnp.int32), axis=2, keepdims=True)
        ok = c >= _K
        return jnp.where(ok, mid, lo), jnp.where(ok, hi, mid - 1)

    lo0 = jnp.zeros((_BG, _NUM_CLASSES, 1), jnp.int32)
    hi0 = jnp.full((_BG, _NUM_CLASSES, 1), np.int32(0x3F800000))
    v512, _ = lax.fori_loop(0, 31, bs_val, (lo0, hi0))

    gt = si > v512
    tie = si == v512
    cnt_gt = jnp.sum(gt.astype(jnp.int32), axis=2, keepdims=True)
    cnt_ge = cnt_gt + jnp.sum(tie.astype(jnp.int32), axis=2, keepdims=True)

    def bs_idx(_, lohi):
        lo, hi = lohi
        mid = (lo + hi) // 2
        c = cnt_gt + jnp.sum((tie & (iota_i < mid)).astype(jnp.int32),
                             axis=2, keepdims=True)
        ok = c >= _K
        return jnp.where(ok, lo, mid + 1), jnp.where(ok, mid, hi)

    def tie_search():
        lo0i = jnp.zeros((_BG, _NUM_CLASSES, 1), jnp.int32)
        hi0i = jnp.full((_BG, _NUM_CLASSES, 1), np.int32(_N))
        _, idx_thr = lax.fori_loop(0, 13, bs_idx, (lo0i, hi0i))
        return idx_thr

    any_ties = jnp.any(cnt_ge != _K)
    idx_thr = lax.cond(
        any_ties, tie_search,
        lambda: jnp.full((_BG, _NUM_CLASSES, 1), np.int32(_N)))

    topmask = gt | (tie & (iota_i < idx_thr))

    mask_f = topmask.astype(jnp.float32)
    nrows = _BG * _NUM_CLASSES * _NCHUNK
    m2 = mask_f.astype(jnp.bfloat16).reshape(nrows, 128)
    li = lax.broadcasted_iota(jnp.int32, (128, 128), 0)
    lj = lax.broadcasted_iota(jnp.int32, (128, 128), 1)
    u_incl = (li <= lj).astype(jnp.bfloat16)
    within = lax.dot_general(m2, u_incl, (((1,), (0,)), ((), ())),
                             preferred_element_type=jnp.float32)
    t = within[:, 127:128].reshape(_BG * _NUM_CLASSES, _NCHUNK)
    ci = lax.broadcasted_iota(jnp.int32, (_NCHUNK, _NCHUNK), 0)
    cj = lax.broadcasted_iota(jnp.int32, (_NCHUNK, _NCHUNK), 1)
    u_strict = (ci < cj).astype(jnp.bfloat16)
    offs = lax.dot_general(t.astype(jnp.bfloat16), u_strict,
                           (((1,), (0,)), ((), ())),
                           preferred_element_type=jnp.float32)
    w3 = within.reshape(_BG * _NUM_CLASSES, _NCHUNK, 128)
    m3 = mask_f.reshape(_BG * _NUM_CLASSES, _NCHUNK, 128)
    d3 = w3 - m3 + offs.reshape(_BG * _NUM_CLASSES, _NCHUNK, 1)
    d_i = d3.reshape(shp).astype(jnp.int32)

    d_ref[...] = jnp.where(topmask, d_i, -1)
    val_ref[...] = jnp.where(scores > _SCORE_THR, scores, -1.0)
    x1_ref[...] = x1
    y1_ref[...] = y1
    x2_ref[...] = x2
    y2_ref[...] = y2



def _sc_compact_body(d_hbm, val_hbm, x1_hbm, y1_hbm, x2_hbm, y2_hbm,
                     os_hbm, ox1_hbm, oy1_hbm, ox2_hbm, oy2_hbm,
                     d_v, val_v, x1_v, y1_v, x2_v, y2_v, src_v,
                     os_v, ox1_v, oy1_v, ox2_v, oy2_v, *, rows_per_w):
    wid = lax.axis_index("s") * _SC_CORES + lax.axis_index("c")
    base = wid * rows_per_w
    b = base // _NUM_CLASSES
    pltpu.sync_copy(x1_hbm.at[pl.ds(b * _N, _N)], x1_v)
    pltpu.sync_copy(y1_hbm.at[pl.ds(b * _N, _N)], y1_v)
    pltpu.sync_copy(x2_hbm.at[pl.ds(b * _N, _N)], x2_v)
    pltpu.sync_copy(y2_hbm.at[pl.ds(b * _N, _N)], y2_v)

    lane = lax.broadcasted_iota(jnp.int32, (_SC_LANES,), 0)

    def row_body(rr, carry):
        r = base + rr
        pltpu.sync_copy(d_hbm.at[pl.ds(r * _N, _N)], d_v)
        pltpu.sync_copy(val_hbm.at[pl.ds(r * _N, _N)], val_v)

        def scatter_chunk(k, c2):
            for u in range(_UNROLL):
                kk = k * _UNROLL + u
                dv = d_v[pl.ds(kk * _SC_LANES, _SC_LANES)]
                msk = dv >= 0
                idx = jnp.where(msk, dv, 0)
                plsc.store_scatter(src_v, [idx], lane + kk * _SC_LANES,
                                   mask=msk)
            return c2

        lax.fori_loop(0, _N // _SC_LANES // _UNROLL, scatter_chunk, 0)

        def gather_chunk(q, c2):
            for u in range(_UNROLL):
                qq = q * _UNROLL + u
                sl = pl.ds(qq * _SC_LANES, _SC_LANES)
                osl = pl.ds(rr * _K + qq * _SC_LANES, _SC_LANES)
                idx = src_v[sl]
                os_v[osl] = plsc.load_gather(val_v, [idx])
                ox1_v[osl] = plsc.load_gather(x1_v, [idx])
                oy1_v[osl] = plsc.load_gather(y1_v, [idx])
                ox2_v[osl] = plsc.load_gather(x2_v, [idx])
                oy2_v[osl] = plsc.load_gather(y2_v, [idx])
            return c2

        lax.fori_loop(0, _K // _SC_LANES // _UNROLL, gather_chunk, 0)
        return carry

    lax.fori_loop(0, rows_per_w, row_body, 0)

    osl_all = pl.ds(base * _K, rows_per_w * _K)
    pltpu.sync_copy(os_v, os_hbm.at[osl_all])
    pltpu.sync_copy(ox1_v, ox1_hbm.at[osl_all])
    pltpu.sync_copy(oy1_v, oy1_hbm.at[osl_all])
    pltpu.sync_copy(ox2_v, ox2_hbm.at[osl_all])
    pltpu.sync_copy(oy2_v, oy2_hbm.at[osl_all])


def _sc_compact(d_rows, val_rows, x1o, y1o, x2o, y2o, nrows):
    rows_per_w = nrows // _NW
    mesh = plsc.VectorSubcoreMesh(core_axis_name="c", subcore_axis_name="s")
    out = jax.ShapeDtypeStruct((nrows * _K,), jnp.float32)
    body = functools.partial(_sc_compact_body, rows_per_w=rows_per_w)
    fn = functools.partial(
        pl.kernel,
        out_type=[out] * 5,
        mesh=mesh,
        compiler_params=pltpu.CompilerParams(needs_layout_passes=False),
        scratch_types=[
            pltpu.VMEM((_N,), jnp.int32),
            pltpu.VMEM((_N,), jnp.float32),
            pltpu.VMEM((_N,), jnp.float32),
            pltpu.VMEM((_N,), jnp.float32),
            pltpu.VMEM((_N,), jnp.float32),
            pltpu.VMEM((_N,), jnp.float32),
            pltpu.VMEM((_K,), jnp.int32),
            pltpu.VMEM((rows_per_w * _K,), jnp.float32),
            pltpu.VMEM((rows_per_w * _K,), jnp.float32),
            pltpu.VMEM((rows_per_w * _K,), jnp.float32),
            pltpu.VMEM((rows_per_w * _K,), jnp.float32),
            pltpu.VMEM((rows_per_w * _K,), jnp.float32),
        ],
    )(body)
    return fn(d_rows.reshape(-1), val_rows.reshape(-1), x1o.reshape(-1),
              y1o.reshape(-1), x2o.reshape(-1), y2o.reshape(-1))



def _stage3_body(csa_ref, cx1a_ref, cy1a_ref, cx2a_ref, cy2a_ref,
                 csb_ref, cx1b_ref, cy1b_ref, cx2b_ref, cy2b_ref, out_ref):
    cat = lambda a, b: jnp.concatenate([a[...], b[...]], axis=0)
    sc0 = cat(csa_ref, csb_ref)
    x1 = cat(cx1a_ref, cx1b_ref)
    y1 = cat(cy1a_ref, cy1b_ref)
    x2 = cat(cx2a_ref, cx2b_ref)
    y2 = cat(cy2a_ref, cy2b_ref)
    a2 = (x2 - x1) * (y2 - y1)

    iota_f = lax.broadcasted_iota(jnp.int32, (_ROWS, _K), 1).astype(jnp.float32)
    slot_io = lax.broadcasted_iota(jnp.int32, (1, _KSLOT), 1)

    ks0 = jnp.full((_ROWS, _KSLOT), -1.0, jnp.float32)
    zeros_k = jnp.zeros((_ROWS, _KSLOT), jnp.float32)

    def nms_body(i, state):
        sc, ks, kx1, ky1, kx2, ky2 = state
        m = jnp.max(sc, axis=1, keepdims=True)
        eqm = sc == m
        idxf = jnp.min(jnp.where(eqm, iota_f, 3e7), axis=1, keepdims=True)
        oneh = iota_f == idxf
        bx1 = jnp.sum(jnp.where(oneh, x1, 0.0), axis=1, keepdims=True)
        by1 = jnp.sum(jnp.where(oneh, y1, 0.0), axis=1, keepdims=True)
        bx2 = jnp.sum(jnp.where(oneh, x2, 0.0), axis=1, keepdims=True)
        by2 = jnp.sum(jnp.where(oneh, y2, 0.0), axis=1, keepdims=True)
        valid = m > 0.0
        xx1 = jnp.maximum(bx1, x1)
        yy1 = jnp.maximum(by1, y1)
        xx2 = jnp.minimum(bx2, x2)
        yy2 = jnp.minimum(by2, y2)
        inter = jnp.maximum(xx2 - xx1, 0.0) * jnp.maximum(yy2 - yy1, 0.0)
        a1 = (bx2 - bx1) * (by2 - by1)
        iou = inter / (a1 + a2 - inter + 1e-9)
        supp = (iou > _IOU_THR) | oneh
        sc2 = jnp.where(supp, -1.0, sc)
        hit = slot_io == i
        ks = jnp.where(hit, jnp.where(valid, m, -1.0), ks)
        kx1 = jnp.where(hit, jnp.where(valid, bx1, 0.0), kx1)
        ky1 = jnp.where(hit, jnp.where(valid, by1, 0.0), ky1)
        kx2 = jnp.where(hit, jnp.where(valid, bx2, 0.0), kx2)
        ky2 = jnp.where(hit, jnp.where(valid, by2, 0.0), ky2)
        return (sc2, ks, kx1, ky1, kx2, ky2)

    _, ks, kx1, ky1, kx2, ky2 = lax.fori_loop(
        0, _MAX_PER_CLASS, nms_body,
        (sc0, ks0, zeros_k, zeros_k, zeros_k, zeros_k))

    b3 = (8, _NUM_CLASSES, _KSLOT)
    ks3 = ks.reshape(b3)
    kx13 = kx1.reshape(b3)
    ky13 = ky1.reshape(b3)
    kx23 = kx2.reshape(b3)
    ky23 = ky2.reshape(b3)
    flat3 = (lax.broadcasted_iota(jnp.int32, b3, 1) * _KSLOT
             + lax.broadcasted_iota(jnp.int32, b3, 2)).astype(jnp.float32)
    li8 = lax.broadcasted_iota(jnp.int32, (1, 1, 8), 2)
    row_io = lax.broadcasted_iota(jnp.int32, (1, _MAX_DET, 1), 1)
    obuf0 = jnp.zeros((8, _MAX_DET, 8), jnp.float32)

    def merge_body(j, state):
        cur, obuf = state
        m = jnp.max(cur, axis=(1, 2), keepdims=True)
        eqm = cur == m
        fidx = jnp.min(jnp.where(eqm, flat3, 3e7), axis=(1, 2), keepdims=True)
        oneh = flat3 == fidx
        bx1 = jnp.sum(jnp.where(oneh, kx13, 0.0), axis=(1, 2), keepdims=True)
        by1 = jnp.sum(jnp.where(oneh, ky13, 0.0), axis=(1, 2), keepdims=True)
        bx2 = jnp.sum(jnp.where(oneh, kx23, 0.0), axis=(1, 2), keepdims=True)
        by2 = jnp.sum(jnp.where(oneh, ky23, 0.0), axis=(1, 2), keepdims=True)
        cls = jnp.floor(fidx / _KSLOT)
        valid = m > _SCORE_THR
        s_out = jnp.where(valid, m, -1.0)
        c_out = jnp.where(valid, cls, -1.0)
        row = jnp.where(li8 == 0, bx1,
              jnp.where(li8 == 1, by1,
              jnp.where(li8 == 2, bx2,
              jnp.where(li8 == 3, by2,
              jnp.where(li8 == 4, s_out, c_out)))))
        obuf = jnp.where(row_io == j, row, obuf)
        return (jnp.where(oneh, -2.0, cur), obuf)

    _, obuf = lax.fori_loop(0, _MAX_DET, merge_body, (ks3, obuf0))
    out_ref[...] = obuf[:, :, 0:6]



@jax.jit
def kernel(images, predictions_0, predictions_1, predictions_2):
    b = predictions_0.shape[0]
    img_h, img_w = images.shape[1], images.shape[2]
    flat = [p.reshape(b, -1, 5 + _NUM_CLASSES)
            for p in (predictions_0, predictions_1, predictions_2)]
    preds = jnp.concatenate(flat, axis=1)
    pt = jnp.transpose(preds, (0, 2, 1))
    gx, gy, st = _grid_consts((img_h, img_w))

    s1 = functools.partial(_stage1_body, img_h=img_h, img_w=img_w)
    hb = b // 2
    hrows = hb * _NUM_CLASSES

    def stage1_half(pt_half):
        return pl.pallas_call(
            s1,
            grid=(hb // _BG,),
            in_specs=[
                pl.BlockSpec((_BG, 5 + _NUM_CLASSES, _N), lambda i: (i, 0, 0)),
                pl.BlockSpec((1, 1, _N), lambda i: (0, 0, 0)),
                pl.BlockSpec((1, 1, _N), lambda i: (0, 0, 0)),
                pl.BlockSpec((1, 1, _N), lambda i: (0, 0, 0)),
            ],
            out_specs=[
                pl.BlockSpec((_BG, _NUM_CLASSES, _N), lambda i: (i, 0, 0)),
                pl.BlockSpec((_BG, _NUM_CLASSES, _N), lambda i: (i, 0, 0)),
                pl.BlockSpec((_BG, 1, _N), lambda i: (i, 0, 0)),
                pl.BlockSpec((_BG, 1, _N), lambda i: (i, 0, 0)),
                pl.BlockSpec((_BG, 1, _N), lambda i: (i, 0, 0)),
                pl.BlockSpec((_BG, 1, _N), lambda i: (i, 0, 0)),
            ],
            out_shape=[
                jax.ShapeDtypeStruct((hb, _NUM_CLASSES, _N), jnp.int32),
                jax.ShapeDtypeStruct((hb, _NUM_CLASSES, _N), jnp.float32),
                jax.ShapeDtypeStruct((hb, 1, _N), jnp.float32),
                jax.ShapeDtypeStruct((hb, 1, _N), jnp.float32),
                jax.ShapeDtypeStruct((hb, 1, _N), jnp.float32),
                jax.ShapeDtypeStruct((hb, 1, _N), jnp.float32),
            ],
        )(pt_half, gx.reshape(1, 1, _N), gy.reshape(1, 1, _N),
          st.reshape(1, 1, _N))

    halves = []
    for h in range(2):
        d, val, x1o, y1o, x2o, y2o = stage1_half(pt[h * hb:(h + 1) * hb])
        halves.append(_sc_compact(d, val, x1o, y1o, x2o, y2o, hrows))

    def r2(a):
        return a.reshape(hrows, _K)

    out = pl.pallas_call(
        _stage3_body,
        out_shape=jax.ShapeDtypeStruct((b, _MAX_DET, 6), jnp.float32),
    )(*[r2(a) for a in halves[0]], *[r2(a) for a in halves[1]])
    return out

# --- scband reference (transcript-rebuilt; emitter-appended) ---
"""Pipeline reference for scband-yolo-xprediction-decoder-38414187495570 (READ-ONLY COPY).

The authoritative reference and input builder live on the scoring server;
editing this copy changes nothing except your own understanding.
"""

import jax, jax.numpy as jnp
import numpy as np

NUM_CLASSES = 80
IOU_THR = 0.65
SCORE_THR = 0.01
MAX_DET = 100
MAX_PER_CLASS = 100
PRE_NMS_TOPK = 512


def setup_inputs(seed: int = 0):
    key = jax.random.key(seed)
    k1, k2, k3, k4 = jax.random.split(key, 4)
    images = jax.random.uniform(k1, (8, 512, 512, 3), dtype=jnp.float32)
    predictions_0 = jax.random.normal(k2, (8, 64, 64, 5 + NUM_CLASSES), dtype=jnp.float32)
    predictions_1 = jax.random.normal(k3, (8, 32, 32, 5 + NUM_CLASSES), dtype=jnp.float32)
    predictions_2 = jax.random.normal(k4, (8, 16, 16, 5 + NUM_CLASSES), dtype=jnp.float32)
    return {"images": images, "predictions_0": predictions_0, "predictions_1": predictions_1, "predictions_2": predictions_2}


def _decode(images, preds):
    H = images.shape[1]
    W = images.shape[2]
    image_shape = jnp.array([H, W], dtype=jnp.float32)
    B = preds[0].shape[0]
    grids = []
    strides = []
    flat = []
    for p in preds:
        sx, sy = p.shape[1], p.shape[2]
        gx, gy = jnp.meshgrid(jnp.arange(sy), jnp.arange(sx))
        grid = jnp.stack((gx, gy), 2).reshape(1, -1, 2).astype(jnp.float32)
        grids.append(grid)
        strides.append(jnp.ones((1, grid.shape[1], 1), dtype=jnp.float32) * image_shape[0] / float(sx))
        flat.append(p.reshape(B, -1, 5 + NUM_CLASSES))
    predictions = jnp.concatenate(flat, axis=1)
    g = jnp.concatenate(grids, axis=1)
    s = jnp.concatenate(strides, axis=1)
    box_xy = (predictions[..., :2] + g) * s / image_shape
    box_wh = jnp.exp(predictions[..., 2:4]) * s / image_shape
    conf = jax.nn.sigmoid(predictions[..., 4:5])
    cls_probs = jax.nn.sigmoid(predictions[..., 5:])
    scores = conf * cls_probs
    x = box_xy[..., 0] - box_wh[..., 0] / 2.0
    y = box_xy[..., 1] - box_wh[..., 1] / 2.0
    x1 = x * W
    y1 = y * H
    x2 = x1 + box_wh[..., 0] * W
    y2 = y1 + box_wh[..., 1] * H
    boxes = jnp.stack([x1, y1, x2, y2], axis=-1)
    return boxes, scores


def _iou_one_to_many(box, boxes):
    x1 = jnp.maximum(box[0], boxes[:, 0])
    y1 = jnp.maximum(box[1], boxes[:, 1])
    x2 = jnp.minimum(box[2], boxes[:, 2])
    y2 = jnp.minimum(box[3], boxes[:, 3])
    inter = jnp.maximum(x2 - x1, 0.0) * jnp.maximum(y2 - y1, 0.0)
    a1 = (box[2] - box[0]) * (box[3] - box[1])
    a2 = (boxes[:, 2] - boxes[:, 0]) * (boxes[:, 3] - boxes[:, 1])
    return inter / (a1 + a2 - inter + 1e-9)


def _nms_single_class(boxes, scores):
    sc, idx = jax.lax.top_k(scores, PRE_NMS_TOPK)
    bx = boxes[idx]
    sc = jnp.where(sc > SCORE_THR, sc, -1.0)

    def body(i, state):
        sc_cur, keep_b, keep_s = state
        best = jnp.argmax(sc_cur)
        best_score = sc_cur[best]
        best_box = bx[best]
        valid = best_score > 0.0
        keep_b = keep_b.at[i].set(jnp.where(valid, best_box, jnp.zeros(4, dtype=boxes.dtype)))
        keep_s = keep_s.at[i].set(jnp.where(valid, best_score, -1.0))
        ious = _iou_one_to_many(best_box, bx)
        sc_cur = jnp.where(ious > IOU_THR, -1.0, sc_cur)
        sc_cur = sc_cur.at[best].set(-1.0)
        return (sc_cur, keep_b, keep_s)

    init = (sc, jnp.zeros((MAX_PER_CLASS, 4), dtype=boxes.dtype), jnp.full((MAX_PER_CLASS,), -1.0, dtype=scores.dtype))
    _, keep_b, keep_s = jax.lax.fori_loop(0, MAX_PER_CLASS, body, init)
    return keep_b, keep_s


def _multiclass_nms(boxes, scores):
    keep_b, keep_s = jax.vmap(lambda s: _nms_single_class(boxes, s), in_axes=1)(scores)
    class_ids = jnp.broadcast_to(jnp.arange(NUM_CLASSES, dtype=jnp.float32)[:, None], (NUM_CLASSES, MAX_PER_CLASS))
    flat_b = keep_b.reshape(-1, 4)
    flat_s = keep_s.reshape(-1)
    flat_c = class_ids.reshape(-1)
    top_s, top_i = jax.lax.top_k(flat_s, MAX_DET)
    out_b = flat_b[top_i]
    out_c = flat_c[top_i]
    valid = top_s > SCORE_THR
    out = jnp.concatenate([out_b, jnp.where(valid, top_s, -1.0)[:, None], jnp.where(valid, out_c, -1.0)[:, None]], axis=-1)
    return out


def reference(images, predictions_0, predictions_1, predictions_2):
    boxes, scores = _decode(images, [predictions_0, predictions_1, predictions_2])
    return jax.vmap(_multiclass_nms)(boxes, scores)

if __name__ == "__main__":
    import jax
    _d = setup_inputs()
    print(jax.jit(kernel)(*tuple(_d.values())))

</pallas_src>

<mosaic_0001>
#map = affine_map<(d0, d1) -> (0)>
module attributes {stable_mosaic.version = 14 : i64} {
  func.func @_sc_compact_body(%arg0: i32, %arg1: i32, %arg2: memref<1720320xi32, #tpu.memory_space<hbm>>, %arg3: memref<1720320xf32, #tpu.memory_space<hbm>>, %arg4: memref<21504xf32, #tpu.memory_space<hbm>>, %arg5: memref<21504xf32, #tpu.memory_space<hbm>>, %arg6: memref<21504xf32, #tpu.memory_space<hbm>>, %arg7: memref<21504xf32, #tpu.memory_space<hbm>>, %arg8: memref<163840xf32, #tpu.memory_space<hbm>>, %arg9: memref<163840xf32, #tpu.memory_space<hbm>>, %arg10: memref<163840xf32, #tpu.memory_space<hbm>>, %arg11: memref<163840xf32, #tpu.memory_space<hbm>>, %arg12: memref<163840xf32, #tpu.memory_space<hbm>>, %arg13: memref<5376xi32, #tpu.memory_space<vmem>>, %arg14: memref<5376xf32, #tpu.memory_space<vmem>>, %arg15: memref<5376xf32, #tpu.memory_space<vmem>>, %arg16: memref<5376xf32, #tpu.memory_space<vmem>>, %arg17: memref<5376xf32, #tpu.memory_space<vmem>>, %arg18: memref<5376xf32, #tpu.memory_space<vmem>>, %arg19: memref<512xi32, #tpu.memory_space<vmem>>, %arg20: memref<5120xf32, #tpu.memory_space<vmem>>, %arg21: memref<5120xf32, #tpu.memory_space<vmem>>, %arg22: memref<5120xf32, #tpu.memory_space<vmem>>, %arg23: memref<5120xf32, #tpu.memory_space<vmem>>, %arg24: memref<5120xf32, #tpu.memory_space<vmem>>) attributes {dimension_semantics = [#tpu.dimension_semantics<core_parallel>, #tpu.dimension_semantics<subcore_parallel>], iteration_bounds = array<i64: 2, 16>, scalar_prefetch = 0 : i64, scratch_operands = 12 : i64, tpu.core_type = #tpu.core_type<sc_vector_subcore>, window_params = [{transform_indices = #map}, {transform_indices = #map}, {transform_indices = #map}, {transform_indices = #map}, {transform_indices = #map}, {transform_indices = #map}, {transform_indices = #map}, {transform_indices = #map}, {transform_indices = #map}, {transform_indices = #map}, {transform_indices = #map}]} {
    %mul3A = arith.constant 2 : i32
    %mul3A_0 = arith.muli %arg1, %mul3A : i32
    %add3A = arith.addi %mul3A_0, %arg0 : i32
    %mul3A_1 = arith.constant 10 : i32
    %mul3A_2 = arith.muli %add3A, %mul3A_1 : i32
    %jit3A = arith.constant 80 : i32
    %div3A = arith.divsi %mul3A_2, %jit3A : i32
    %sign3A = arith.constant 0 : i32
    %sign3A_3 = arith.cmpi sgt, %mul3A_2, %sign3A : i32
    %sign3A_4 = arith.extui %sign3A_3 : i1 to i32
    %sign3A_5 = arith.constant 0 : i32
    %sign3A_6 = arith.cmpi slt, %mul3A_2, %sign3A_5 : i32
    %sign3A_7 = arith.extui %sign3A_6 : i1 to i32
    %sign3A_8 = arith.subi %sign3A_4, %sign3A_7 : i32
    %sign3A_9 = arith.constant 0 : i32
    %sign3A_10 = arith.cmpi sgt, %jit3A, %sign3A_9 : i32
    %sign3A_11 = arith.extui %sign3A_10 : i1 to i32
    %sign3A_12 = arith.constant 0 : i32
    %sign3A_13 = arith.cmpi slt, %jit3A, %sign3A_12 : i32
    %sign3A_14 = arith.extui %sign3A_13 : i1 to i32
    %sign3A_15 = arith.subi %sign3A_11, %sign3A_14 : i32
    %ne3A = arith.cmpi ne, %sign3A_8, %sign3A_15 : i32
    %rem3A = arith.remsi %mul3A_2, %jit3A : i32
    %ne3A_16 = arith.constant 0 : i32
    %ne3A_17 = arith.cmpi ne, %rem3A, %ne3A_16 : i32
    %and3A = arith.andi %ne3A, %ne3A_17 : i1
    %sub3A = arith.constant 1 : i32
    %sub3A_18 = arith.subi %div3A, %sub3A : i32
    %select_n3A = arith.select %and3A, %sub3A_18, %div3A : i32
    %mul3A_19 = arith.constant 5376 : i32
    %mul3A_20 = arith.muli %select_n3A, %mul3A_19 : i32
    "tpu.region"() ({
      %run_scoped3A = tpu.sem_alloc : memref<!tpu.dma_semaphore, #tpu.memory_space<semaphore_mem>>
      %dma_start3A = tpu.memref_slice %arg4[%mul3A_20] : memref<21504xf32, #tpu.memory_space<hbm>> -> memref<5376xf32, #tpu.memory_space<hbm>>
      %dma_start3A_34 = tpu.memref_slice %arg4[%mul3A_20] : memref<21504xf32, #tpu.memory_space<hbm>> -> memref<5376xf32, #tpu.memory_space<hbm>>
      tpu.enqueue_dma source(%dma_start3A_34 : memref<5376xf32, #tpu.memory_space<hbm>>) target(%arg15 : memref<5376xf32, #tpu.memory_space<vmem>>) target_semaphore(%run_scoped3A : memref<!tpu.dma_semaphore, #tpu.memory_space<semaphore_mem>>)
      %dma_wait3A = tpu.memref_slice %arg4[%mul3A_20] : memref<21504xf32, #tpu.memory_space<hbm>> -> memref<5376xf32, #tpu.memory_space<hbm>>
      %dma_wait3A_35 = tpu.memref_slice %arg4[%mul3A_20] : memref<21504xf32, #tpu.memory_space<hbm>> -> memref<5376xf32, #tpu.memory_space<hbm>>
      tpu.wait_dma2 semaphore(%run_scoped3A : memref<!tpu.dma_semaphore, #tpu.memory_space<semaphore_mem>>) src(%dma_wait3A_35 : memref<5376xf32, #tpu.memory_space<hbm>>) dst(%arg15 : memref<5376xf32, #tpu.memory_space<vmem>>)
      tpu.yield
    }) : () -> ()
    %mul3A_21 = arith.constant 5376 : i32
    %mul3A_22 = arith.muli %select_n3A, %mul3A_21 : i32
    "tpu.region"() ({
      %run_scoped3A = tpu.sem_alloc : memref<!tpu.dma_semaphore, #tpu.memory_space<semaphore_mem>>
      %dma_start3A = tpu.memref_slice %arg5[%mul3A_22] : memref<21504xf32, #tpu.memory_space<hbm>> -> memref<5376xf32, #tpu.memory_space<hbm>>
      %dma_start3A_34 = tpu.memref_slice %arg5[%mul3A_22] : memref<21504xf32, #tpu.memory_space<hbm>> -> memref<5376xf32, #tpu.memory_space<hbm>>
      tpu.enqueue_dma source(%dma_start3A_34 : memref<5376xf32, #tpu.memory_space<hbm>>) target(%arg16 : memref<5376xf32, #tpu.memory_space<vmem>>) target_semaphore(%run_scoped3A : memref<!tpu.dma_semaphore, #tpu.memory_space<semaphore_mem>>)
      %dma_wait3A = tpu.memref_slice %arg5[%mul3A_22] : memref<21504xf32, #tpu.memory_space<hbm>> -> memref<5376xf32, #tpu.memory_space<hbm>>
      %dma_wait3A_35 = tpu.memref_slice %arg5[%mul3A_22] : memref<21504xf32, #tpu.memory_space<hbm>> -> memref<5376xf32, #tpu.memory_space<hbm>>
      tpu.wait_dma2 semaphore(%run_scoped3A : memref<!tpu.dma_semaphore, #tpu.memory_space<semaphore_mem>>) src(%dma_wait3A_35 : memref<5376xf32, #tpu.memory_space<hbm>>) dst(%arg16 : memref<5376xf32, #tpu.memory_space<vmem>>)
      tpu.yield
    }) : () -> ()
    %mul3A_23 = arith.constant 5376 : i32
    %mul3A_24 = arith.muli %select_n3A, %mul3A_23 : i32
    "tpu.region"() ({
      %run_scoped3A = tpu.sem_alloc : memref<!tpu.dma_semaphore, #tpu.memory_space<semaphore_mem>>
      %dma_start3A = tpu.memref_slice %arg6[%mul3A_24] : memref<21504xf32, #tpu.memory_space<hbm>> -> memref<5376xf32, #tpu.memory_space<hbm>>
      %dma_start3A_34 = tpu.memref_slice %arg6[%mul3A_24] : memref<21504xf32, #tpu.memory_space<hbm>> -> memref<5376xf32, #tpu.memory_space<hbm>>
      tpu.enqueue_dma source(%dma_start3A_34 : memref<5376xf32, #tpu.memory_space<hbm>>) target(%arg17 : memref<5376xf32, #tpu.memory_space<vmem>>) target_semaphore(%run_scoped3A : memref<!tpu.dma_semaphore, #tpu.memory_space<semaphore_mem>>)
      %dma_wait3A = tpu.memref_slice %arg6[%mul3A_24] : memref<21504xf32, #tpu.memory_space<hbm>> -> memref<5376xf32, #tpu.memory_space<hbm>>
      %dma_wait3A_35 = tpu.memref_slice %arg6[%mul3A_24] : memref<21504xf32, #tpu.memory_space<hbm>> -> memref<5376xf32, #tpu.memory_space<hbm>>
      tpu.wait_dma2 semaphore(%run_scoped3A : memref<!tpu.dma_semaphore, #tpu.memory_space<semaphore_mem>>) src(%dma_wait3A_35 : memref<5376xf32, #tpu.memory_space<hbm>>) dst(%arg17 : memref<5376xf32, #tpu.memory_space<vmem>>)
      tpu.yield
    }) : () -> ()
    %mul3A_25 = arith.constant 5376 : i32
    %mul3A_26 = arith.muli %select_n3A, %mul3A_25 : i32
    "tpu.region"() ({
      %run_scoped3A = tpu.sem_alloc : memref<!tpu.dma_semaphore, #tpu.memory_space<semaphore_mem>>
      %dma_start3A = tpu.memref_slice %arg7[%mul3A_26] : memref<21504xf32, #tpu.memory_space<hbm>> -> memref<5376xf32, #tpu.memory_space<hbm>>
      %dma_start3A_34 = tpu.memref_slice %arg7[%mul3A_26] : memref<21504xf32, #tpu.memory_space<hbm>> -> memref<5376xf32, #tpu.memory_space<hbm>>
      tpu.enqueue_dma source(%dma_start3A_34 : memref<5376xf32, #tpu.memory_space<hbm>>) target(%arg18 : memref<5376xf32, #tpu.memory_space<vmem>>) target_semaphore(%run_scoped3A : memref<!tpu.dma_semaphore, #tpu.memory_space<semaphore_mem>>)
      %dma_wait3A = tpu.memref_slice %arg7[%mul3A_26] : memref<21504xf32, #tpu.memory_space<hbm>> -> memref<5376xf32, #tpu.memory_space<hbm>>
      %dma_wait3A_35 = tpu.memref_slice %arg7[%mul3A_26] : memref<21504xf32, #tpu.memory_space<hbm>> -> memref<5376xf32, #tpu.memory_space<hbm>>
      tpu.wait_dma2 semaphore(%run_scoped3A : memref<!tpu.dma_semaphore, #tpu.memory_space<semaphore_mem>>) src(%dma_wait3A_35 : memref<5376xf32, #tpu.memory_space<hbm>>) dst(%arg18 : memref<5376xf32, #tpu.memory_space<vmem>>)
      tpu.yield
    }) : () -> ()
    %iota3A = tpu.iota {dimensions = array<i32: 0>} : vector<16xi32>
    %scan3A = arith.constant 0 : i32
    %scan3A_27 = arith.constant 0 : i32
    %scan3A_28 = arith.constant 10 : i32
    %scan3A_29 = arith.addi %scan3A_27, %scan3A_28 : i32
    %scan3A_30 = arith.constant 1 : i32
    scf.for %scan3A_34 = %scan3A_27 to %scan3A_29 step %scan3A_30  : i32 {
      %add3A_35 = arith.addi %mul3A_2, %scan3A_34 : i32
      %mul3A_36 = arith.constant 5376 : i32
      %mul3A_37 = arith.muli %add3A_35, %mul3A_36 : i32
      "tpu.region"() ({
        %run_scoped3A = tpu.sem_alloc : memref<!tpu.dma_semaphore, #tpu.memory_space<semaphore_mem>>
        %dma_start3A = tpu.memref_slice %arg2[%mul3A_37] : memref<1720320xi32, #tpu.memory_space<hbm>> -> memref<5376xi32, #tpu.memory_space<hbm>>
        %dma_start3A_52 = tpu.memref_slice %arg2[%mul3A_37] : memref<1720320xi32, #tpu.memory_space<hbm>> -> memref<5376xi32, #tpu.memory_space<hbm>>
        tpu.enqueue_dma source(%dma_start3A_52 : memref<5376xi32, #tpu.memory_space<hbm>>) target(%arg13 : memref<5376xi32, #tpu.memory_space<vmem>>) target_semaphore(%run_scoped3A : memref<!tpu.dma_semaphore, #tpu.memory_space<semaphore_mem>>)
        %dma_wait3A = tpu.memref_slice %arg2[%mul3A_37] : memref<1720320xi32, #tpu.memory_space<hbm>> -> memref<5376xi32, #tpu.memory_space<hbm>>
        %dma_wait3A_53 = tpu.memref_slice %arg2[%mul3A_37] : memref<1720320xi32, #tpu.memory_space<hbm>> -> memref<5376xi32, #tpu.memory_space<hbm>>
        tpu.wait_dma2 semaphore(%run_scoped3A : memref<!tpu.dma_semaphore, #tpu.memory_space<semaphore_mem>>) src(%dma_wait3A_53 : memref<5376xi32, #tpu.memory_space<hbm>>) dst(%arg13 : memref<5376xi32, #tpu.memory_space<vmem>>)
        tpu.yield
      }) : () -> ()
      %mul3A_38 = arith.constant 5376 : i32
      %mul3A_39 = arith.muli %add3A_35, %mul3A_38 : i32
      "tpu.region"() ({
        %run_scoped3A = tpu.sem_alloc : memref<!tpu.dma_semaphore, #tpu.memory_space<semaphore_mem>>
        %dma_start3A = tpu.memref_slice %arg3[%mul3A_39] : memref<1720320xf32, #tpu.memory_space<hbm>> -> memref<5376xf32, #tpu.memory_space<hbm>>
        %dma_start3A_52 = tpu.memref_slice %arg3[%mul3A_39] : memref<1720320xf32, #tpu.memory_space<hbm>> -> memref<5376xf32, #tpu.memory_space<hbm>>
        tpu.enqueue_dma source(%dma_start3A_52 : memref<5376xf32, #tpu.memory_space<hbm>>) target(%arg14 : memref<5376xf32, #tpu.memory_space<vmem>>) target_semaphore(%run_scoped3A : memref<!tpu.dma_semaphore, #tpu.memory_space<semaphore_mem>>)
        %dma_wait3A = tpu.memref_slice %arg3[%mul3A_39] : memref<1720320xf32, #tpu.memory_space<hbm>> -> memref<5376xf32, #tpu.memory_space<hbm>>
        %dma_wait3A_53 = tpu.memref_slice %arg3[%mul3A_39] : memref<1720320xf32, #tpu.memory_space<hbm>> -> memref<5376xf32, #tpu.memory_space<hbm>>
        tpu.wait_dma2 semaphore(%run_scoped3A : memref<!tpu.dma_semaphore, #tpu.memory_space<semaphore_mem>>) src(%dma_wait3A_53 : memref<5376xf32, #tpu.memory_space<hbm>>) dst(%arg14 : memref<5376xf32, #tpu.memory_space<vmem>>)
        tpu.yield
      }) : () -> ()
      %scan3A_40 = arith.constant 0 : i32
      %scan3A_41 = arith.constant 0 : i32
      %scan3A_42 = arith.constant 42 : i32
      %scan3A_43 = arith.addi %scan3A_41, %scan3A_42 : i32
      %scan3A_44 = arith.constant 1 : i32
      scf.for %scan3A_52 = %scan3A_41 to %scan3A_43 step %scan3A_44  : i32 {
        %mul3A_53 = arith.constant 8 : i32
        %mul3A_54 = arith.muli %scan3A_52, %mul3A_53 : i32
        %add3A_55 = arith.constant 0 : i32
        %add3A_56 = arith.addi %mul3A_54, %add3A_55 : i32
        %mul3A_57 = arith.constant 16 : i32
        %mul3A_58 = arith.muli %add3A_56, %mul3A_57 : i32
        %get3A = arith.index_cast %mul3A_58 : i32 to index
        %get3A_59 = tpu.vector_load %arg13[%get3A] {strides = array<i32>} : memref<5376xi32, #tpu.memory_space<vmem>>, vector<16xi32>,
        %ge3A = arith.constant 0 : i32
        %ge3A_60 = vector.broadcast %ge3A : i32 to vector<16xi32>
        %ge3A_61 = arith.cmpi sge, %get3A_59, %ge3A_60 : vector<16xi32>
        %jit3A_62 = arith.constant 0 : i32
        %broadcast_in_dim3A = vector.broadcast %jit3A_62 : i32 to vector<16xi32>
        %select_n3A_63 = arith.select %ge3A_61, %get3A_59, %broadcast_in_dim3A : vector<16xi1>, vector<16xi32>
        %mul3A_64 = arith.constant 16 : i32
        %mul3A_65 = arith.muli %add3A_56, %mul3A_64 : i32
        %add3A_66 = vector.broadcast %mul3A_65 : i32 to vector<16xi32>
        %add3A_67 = arith.addi %iota3A, %add3A_66 : vector<16xi32>
        tpu.vector_store_idx %arg19[%select_n3A_63], %add3A_67 masked %ge3A_61 : memref<512xi32, #tpu.memory_space<vmem>>[vector<16xi32>], vector<16xi32>, vector<16xi1>
        %mul3A_68 = arith.constant 8 : i32
        %mul3A_69 = arith.muli %scan3A_52, %mul3A_68 : i32
        %add3A_70 = arith.constant 1 : i32
        %add3A_71 = arith.addi %mul3A_69, %add3A_70 : i32
        %mul3A_72 = arith.constant 16 : i32
        %mul3A_73 = arith.muli %add3A_71, %mul3A_72 : i32
        %get3A_74 = arith.index_cast %mul3A_73 : i32 to index
        %get3A_75 = tpu.vector_load %arg13[%get3A_74] {strides = array<i32>} : memref<5376xi32, #tpu.memory_space<vmem>>, vector<16xi32>,
        %ge3A_76 = arith.constant 0 : i32
        %ge3A_77 = vector.broadcast %ge3A_76 : i32 to vector<16xi32>
        %ge3A_78 = arith.cmpi sge, %get3A_75, %ge3A_77 : vector<16xi32>
        %jit3A_79 = arith.constant 0 : i32
        %broadcast_in_dim3A_80 = vector.broadcast %jit3A_79 : i32 to vector<16xi32>
        %select_n3A_81 = arith.select %ge3A_78, %get3A_75, %broadcast_in_dim3A_80 : vector<16xi1>, vector<16xi32>
        %mul3A_82 = arith.constant 16 : i32
        %mul3A_83 = arith.muli %add3A_71, %mul3A_82 : i32
        %add3A_84 = vector.broadcast %mul3A_83 : i32 to vector<16xi32>
        %add3A_85 = arith.addi %iota3A, %add3A_84 : vector<16xi32>
        tpu.vector_store_idx %arg19[%select_n3A_81], %add3A_85 masked %ge3A_78 : memref<512xi32, #tpu.memory_space<vmem>>[vector<16xi32>], vector<16xi32>, vector<16xi1>
        %mul3A_86 = arith.constant 8 : i32
        %mul3A_87 = arith.muli %scan3A_52, %mul3A_86 : i32
        %add3A_88 = arith.constant 2 : i32
        %add3A_89 = arith.addi %mul3A_87, %add3A_88 : i32
        %mul3A_90 = arith.constant 16 : i32
        %mul3A_91 = arith.muli %add3A_89, %mul3A_90 : i32
        %get3A_92 = arith.index_cast %mul3A_91 : i32 to index
        %get3A_93 = tpu.vector_load %arg13[%get3A_92] {strides = array<i32>} : memref<5376xi32, #tpu.memory_space<vmem>>, vector<16xi32>,
        %ge3A_94 = arith.constant 0 : i32
        %ge3A_95 = vector.broadcast %ge3A_94 : i32 to vector<16xi32>
        %ge3A_96 = arith.cmpi sge, %get3A_93, %ge3A_95 : vector<16xi32>
        %jit3A_97 = arith.constant 0 : i32
        %broadcast_in_dim3A_98 = vector.broadcast %jit3A_97 : i32 to vector<16xi32>
        %select_n3A_99 = arith.select %ge3A_96, %get3A_93, %broadcast_in_dim3A_98 : vector<16xi1>, vector<16xi32>
        %mul3A_100 = arith.constant 16 : i32
        %mul3A_101 = arith.muli %add3A_89, %mul3A_100 : i32
        %add3A_102 = vector.broadcast %mul3A_101 : i32 to vector<16xi32>
        %add3A_103 = arith.addi %iota3A, %add3A_102 : vector<16xi32>
        tpu.vector_store_idx %arg19[%select_n3A_99], %add3A_103 masked %ge3A_96 : memref<512xi32, #tpu.memory_space<vmem>>[vector<16xi32>], vector<16xi32>, vector<16xi1>
        %mul3A_104 = arith.constant 8 : i32
        %mul3A_105 = arith.muli %scan3A_52, %mul3A_104 : i32
        %add3A_106 = arith.constant 3 : i32
        %add3A_107 = arith.addi %mul3A_105, %add3A_106 : i32
        %mul3A_108 = arith.constant 16 : i32
        %mul3A_109 = arith.muli %add3A_107, %mul3A_108 : i32
        %get3A_110 = arith.index_cast %mul3A_109 : i32 to index
        %get3A_111 = tpu.vector_load %arg13[%get3A_110] {strides = array<i32>} : memref<5376xi32, #tpu.memory_space<vmem>>, vector<16xi32>,
        %ge3A_112 = arith.constant 0 : i32
        %ge3A_113 = vector.broadcast %ge3A_112 : i32 to vector<16xi32>
        %ge3A_114 = arith.cmpi sge, %get3A_111, %ge3A_113 : vector<16xi32>
        %jit3A_115 = arith.constant 0 : i32
        %broadcast_in_dim3A_116 = vector.broadcast %jit3A_115 : i32 to vector<16xi32>
        %select_n3A_117 = arith.select %ge3A_114, %get3A_111, %broadcast_in_dim3A_116 : vector<16xi1>, vector<16xi32>
        %mul3A_118 = arith.constant 16 : i32
        %mul3A_119 = arith.muli %add3A_107, %mul3A_118 : i32
        %add3A_120 = vector.broadcast %mul3A_119 : i32 to vector<16xi32>
        %add3A_121 = arith.addi %iota3A, %add3A_120 : vector<16xi32>
        tpu.vector_store_idx %arg19[%select_n3A_117], %add3A_121 masked %ge3A_114 : memref<512xi32, #tpu.memory_space<vmem>>[vector<16xi32>], vector<16xi32>, vector<16xi1>
        %mul3A_122 = arith.constant 8 : i32
        %mul3A_123 = arith.muli %scan3A_52, %mul3A_122 : i32
        %add3A_124 = arith.constant 4 : i32
        %add3A_125 = arith.addi %mul3A_123, %add3A_124 : i32
        %mul3A_126 = arith.constant 16 : i32
        %mul3A_127 = arith.muli %add3A_125, %mul3A_126 : i32
        %get3A_128 = arith.index_cast %mul3A_127 : i32 to index
        %get3A_129 = tpu.vector_load %arg13[%get3A_128] {strides = array<i32>} : memref<5376xi32, #tpu.memory_space<vmem>>, vector<16xi32>,
        %ge3A_130 = arith.constant 0 : i32
        %ge3A_131 = vector.broadcast %ge3A_130 : i32 to vector<16xi32>
        %ge3A_132 = arith.cmpi sge, %get3A_129, %ge3A_131 : vector<16xi32>
        %jit3A_133 = arith.constant 0 : i32
        %broadcast_in_dim3A_134 = vector.broadcast %jit3A_133 : i32 to vector<16xi32>
        %select_n3A_135 = arith.select %ge3A_132, %get3A_129, %broadcast_in_dim3A_134 : vector<16xi1>, vector<16xi32>
        %mul3A_136 = arith.constant 16 : i32
        %mul3A_137 = arith.muli %add3A_125, %mul3A_136 : i32
        %add3A_138 = vector.broadcast %mul3A_137 : i32 to vector<16xi32>
        %add3A_139 = arith.addi %iota3A, %add3A_138 : vector<16xi32>
        tpu.vector_store_idx %arg19[%select_n3A_135], %add3A_139 masked %ge3A_132 : memref<512xi32, #tpu.memory_space<vmem>>[vector<16xi32>], vector<16xi32>, vector<16xi1>
        %mul3A_140 = arith.constant 8 : i32
        %mul3A_141 = arith.muli %scan3A_52, %mul3A_140 : i32
        %add3A_142 = arith.constant 5 : i32
        %add3A_143 = arith.addi %mul3A_141, %add3A_142 : i32
        %mul3A_144 = arith.constant 16 : i32
        %mul3A_145 = arith.muli %add3A_143, %mul3A_144 : i32
        %get3A_146 = arith.index_cast %mul3A_145 : i32 to index
        %get3A_147 = tpu.vector_load %arg13[%get3A_146] {strides = array<i32>} : memref<5376xi32, #tpu.memory_space<vmem>>, vector<16xi32>,
        %ge3A_148 = arith.constant 0 : i32
        %ge3A_149 = vector.broadcast %ge3A_148 : i32 to vector<16xi32>
        %ge3A_150 = arith.cmpi sge, %get3A_147, %ge3A_149 : vector<16xi32>
        %jit3A_151 = arith.constant 0 : i32
        %broadcast_in_dim3A_152 = vector.broadcast %jit3A_151 : i32 to vector<16xi32>
        %select_n3A_153 = arith.select %ge3A_150, %get3A_147, %broadcast_in_dim3A_152 : vector<16xi1>, vector<16xi32>
        %mul3A_154 = arith.constant 16 : i32
        %mul3A_155 = arith.muli %add3A_143, %mul3A_154 : i32
        %add3A_156 = vector.broadcast %mul3A_155 : i32 to vector<16xi32>
        %add3A_157 = arith.addi %iota3A, %add3A_156 : vector<16xi32>
        tpu.vector_store_idx %arg19[%select_n3A_153], %add3A_157 masked %ge3A_150 : memref<512xi32, #tpu.memory_space<vmem>>[vector<16xi32>], vector<16xi32>, vector<16xi1>
        %mul3A_158 = arith.constant 8 : i32
        %mul3A_159 = arith.muli %scan3A_52, %mul3A_158 : i32
        %add3A_160 = arith.constant 6 : i32
        %add3A_161 = arith.addi %mul3A_159, %add3A_160 : i32
        %mul3A_162 = arith.constant 16 : i32
        %mul3A_163 = arith.muli %add3A_161, %mul3A_162 : i32
        %get3A_164 = arith.index_cast %mul3A_163 : i32 to index
        %get3A_165 = tpu.vector_load %arg13[%get3A_164] {strides = array<i32>} : memref<5376xi32, #tpu.memory_space<vmem>>, vector<16xi32>,
        %ge3A_166 = arith.constant 0 : i32
        %ge3A_167 = vector.broadcast %ge3A_166 : i32 to vector<16xi32>
        %ge3A_168 = arith.cmpi sge, %get3A_165, %ge3A_167 : vector<16xi32>
        %jit3A_169 = arith.constant 0 : i32
        %broadcast_in_dim3A_170 = vector.broadcast %jit3A_169 : i32 to vector<16xi32>
        %select_n3A_171 = arith.select %ge3A_168, %get3A_165, %broadcast_in_dim3A_170 : vector<16xi1>, vector<16xi32>
        %mul3A_172 = arith.constant 16 : i32
        %mul3A_173 = arith.muli %add3A_161, %mul3A_172 : i32
        %add3A_174 = vector.broadcast %mul3A_173 : i32 to vector<16xi32>
        %add3A_175 = arith.addi %iota3A, %add3A_174 : vector<16xi32>
        tpu.vector_store_idx %arg19[%select_n3A_171], %add3A_175 masked %ge3A_168 : memref<512xi32, #tpu.memory_space<vmem>>[vector<16xi32>], vector<16xi32>, vector<16xi1>
        %mul3A_176 = arith.constant 8 : i32
        %mul3A_177 = arith.muli %scan3A_52, %mul3A_176 : i32
        %add3A_178 = arith.constant 7 : i32
        %add3A_179 = arith.addi %mul3A_177, %add3A_178 : i32
        %mul3A_180 = arith.constant 16 : i32
        %mul3A_181 = arith.muli %add3A_179, %mul3A_180 : i32
        %get3A_182 = arith.index_cast %mul3A_181 : i32 to index
        %get3A_183 = tpu.vector_load %arg13[%get3A_182] {strides = array<i32>} : memref<5376xi32, #tpu.memory_space<vmem>>, vector<16xi32>,
        %ge3A_184 = arith.constant 0 : i32
        %ge3A_185 = vector.broadcast %ge3A_184 : i32 to vector<16xi32>
        %ge3A_186 = arith.cmpi sge, %get3A_183, %ge3A_185 : vector<16xi32>
        %jit3A_187 = arith.constant 0 : i32
        %broadcast_in_dim3A_188 = vector.broadcast %jit3A_187 : i32 to vector<16xi32>
        %select_n3A_189 = arith.select %ge3A_186, %get3A_183, %broadcast_in_dim3A_188 : vector<16xi1>, vector<16xi32>
        %mul3A_190 = arith.constant 16 : i32
        %mul3A_191 = arith.muli %add3A_179, %mul3A_190 : i32
        %add3A_192 = vector.broadcast %mul3A_191 : i32 to vector<16xi32>
        %add3A_193 = arith.addi %iota3A, %add3A_192 : vector<16xi32>
        tpu.vector_store_idx %arg19[%select_n3A_189], %add3A_193 masked %ge3A_186 : memref<512xi32, #tpu.memory_space<vmem>>[vector<16xi32>], vector<16xi32>, vector<16xi1>
      }
      %scan3A_45 = arith.constant 42 : i32
      %scan3A_46 = arith.constant 0 : i32
      %scan3A_47 = arith.constant 0 : i32
      %scan3A_48 = arith.constant 4 : i32
      %scan3A_49 = arith.addi %scan3A_47, %scan3A_48 : i32
      %scan3A_50 = arith.constant 1 : i32
      scf.for %scan3A_52 = %scan3A_47 to %scan3A_49 step %scan3A_50  : i32 {
        %mul3A_53 = arith.constant 8 : i32
        %mul3A_54 = arith.muli %scan3A_52, %mul3A_53 : i32
        %add3A_55 = arith.constant 0 : i32
        %add3A_56 = arith.addi %mul3A_54, %add3A_55 : i32
        %mul3A_57 = arith.constant 16 : i32
        %mul3A_58 = arith.muli %add3A_56, %mul3A_57 : i32
        %mul3A_59 = arith.constant 512 : i32
        %mul3A_60 = arith.muli %scan3A_34, %mul3A_59 : i32
        %mul3A_61 = arith.constant 16 : i32
        %mul3A_62 = arith.muli %add3A_56, %mul3A_61 : i32
        %add3A_63 = arith.addi %mul3A_60, %mul3A_62 : i32
        %get3A = arith.index_cast %mul3A_58 : i32 to index
        %get3A_64 = tpu.vector_load %arg19[%get3A] {strides = array<i32>} : memref<512xi32, #tpu.memory_space<vmem>>, vector<16xi32>,
        %gather3A = tpu.vector_load_idx %arg14[%get3A_64] : memref<5376xf32, #tpu.memory_space<vmem>>[vector<16xi32>], vector<16xf32>,
        %swap3A = arith.index_cast %add3A_63 : i32 to index
        %swap3A_65 = tpu.vector_load %arg20[%swap3A] {strides = array<i32>} : memref<5120xf32, #tpu.memory_space<vmem>>, vector<16xf32>,
        tpu.vector_store %arg20[%swap3A], %gather3A {strides = array<i32>} : memref<5120xf32, #tpu.memory_space<vmem>>, vector<16xf32>,
        %gather3A_66 = tpu.vector_load_idx %arg15[%get3A_64] : memref<5376xf32, #tpu.memory_space<vmem>>[vector<16xi32>], vector<16xf32>,
        %swap3A_67 = arith.index_cast %add3A_63 : i32 to index
        %swap3A_68 = tpu.vector_load %arg21[%swap3A_67] {strides = array<i32>} : memref<5120xf32, #tpu.memory_space<vmem>>, vector<16xf32>,
        tpu.vector_store %arg21[%swap3A_67], %gather3A_66 {strides = array<i32>} : memref<5120xf32, #tpu.memory_space<vmem>>, vector<16xf32>,
        %gather3A_69 = tpu.vector_load_idx %arg16[%get3A_64] : memref<5376xf32, #tpu.memory_space<vmem>>[vector<16xi32>], vector<16xf32>,
        %swap3A_70 = arith.index_cast %add3A_63 : i32 to index
        %swap3A_71 = tpu.vector_load %arg22[%swap3A_70] {strides = array<i32>} : memref<5120xf32, #tpu.memory_space<vmem>>, vector<16xf32>,
        tpu.vector_store %arg22[%swap3A_70], %gather3A_69 {strides = array<i32>} : memref<5120xf32, #tpu.memory_space<vmem>>, vector<16xf32>,
        %gather3A_72 = tpu.vector_load_idx %arg17[%get3A_64] : memref<5376xf32, #tpu.memory_space<vmem>>[vector<16xi32>], vector<16xf32>,
        %swap3A_73 = arith.index_cast %add3A_63 : i32 to index
        %swap3A_74 = tpu.vector_load %arg23[%swap3A_73] {strides = array<i32>} : memref<5120xf32, #tpu.memory_space<vmem>>, vector<16xf32>,
        tpu.vector_store %arg23[%swap3A_73], %gather3A_72 {strides = array<i32>} : memref<5120xf32, #tpu.memory_space<vmem>>, vector<16xf32>,
        %gather3A_75 = tpu.vector_load_idx %arg18[%get3A_64] : memref<5376xf32, #tpu.memory_space<vmem>>[vector<16xi32>], vector<16xf32>,
        %swap3A_76 = arith.index_cast %add3A_63 : i32 to index
        %swap3A_77 = tpu.vector_load %arg24[%swap3A_76] {strides = array<i32>} : memref<5120xf32, #tpu.memory_space<vmem>>, vector<16xf32>,
        tpu.vector_store %arg24[%swap3A_76], %gather3A_75 {strides = array<i32>} : memref<5120xf32, #tpu.memory_space<vmem>>, vector<16xf32>,
        %mul3A_78 = arith.constant 8 : i32
        %mul3A_79 = arith.muli %scan3A_52, %mul3A_78 : i32
        %add3A_80 = arith.constant 1 : i32
        %add3A_81 = arith.addi %mul3A_79, %add3A_80 : i32
        %mul3A_82 = arith.constant 16 : i32
        %mul3A_83 = arith.muli %add3A_81, %mul3A_82 : i32
        %mul3A_84 = arith.constant 512 : i32
        %mul3A_85 = arith.muli %scan3A_34, %mul3A_84 : i32
        %mul3A_86 = arith.constant 16 : i32
        %mul3A_87 = arith.muli %add3A_81, %mul3A_86 : i32
        %add3A_88 = arith.addi %mul3A_85, %mul3A_87 : i32
        %get3A_89 = arith.index_cast %mul3A_83 : i32 to index
        %get3A_90 = tpu.vector_load %arg19[%get3A_89] {strides = array<i32>} : memref<512xi32, #tpu.memory_space<vmem>>, vector<16xi32>,
        %gather3A_91 = tpu.vector_load_idx %arg14[%get3A_90] : memref<5376xf32, #tpu.memory_space<vmem>>[vector<16xi32>], vector<16xf32>,
        %swap3A_92 = arith.index_cast %add3A_88 : i32 to index
        %swap3A_93 = tpu.vector_load %arg20[%swap3A_92] {strides = array<i32>} : memref<5120xf32, #tpu.memory_space<vmem>>, vector<16xf32>,
        tpu.vector_store %arg20[%swap3A_92], %gather3A_91 {strides = array<i32>} : memref<5120xf32, #tpu.memory_space<vmem>>, vector<16xf32>,
        %gather3A_94 = tpu.vector_load_idx %arg15[%get3A_90] : memref<5376xf32, #tpu.memory_space<vmem>>[vector<16xi32>], vector<16xf32>,
        %swap3A_95 = arith.index_cast %add3A_88 : i32 to index
        %swap3A_96 = tpu.vector_load %arg21[%swap3A_95] {strides = array<i32>} : memref<5120xf32, #tpu.memory_space<vmem>>, vector<16xf32>,
        tpu.vector_store %arg21[%swap3A_95], %gather3A_94 {strides = array<i32>} : memref<5120xf32, #tpu.memory_space<vmem>>, vector<16xf32>,
        %gather3A_97 = tpu.vector_load_idx %arg16[%get3A_90] : memref<5376xf32, #tpu.memory_space<vmem>>[vector<16xi32>], vector<16xf32>,
        %swap3A_98 = arith.index_cast %add3A_88 : i32 to index
        %swap3A_99 = tpu.vector_load %arg22[%swap3A_98] {strides = array<i32>} : memref<5120xf32, #tpu.memory_space<vmem>>, vector<16xf32>,
        tpu.vector_store %arg22[%swap3A_98], %gather3A_97 {strides = array<i32>} : memref<5120xf32, #tpu.memory_space<vmem>>, vector<16xf32>,
        %gather3A_100 = tpu.vector_load_idx %arg17[%get3A_90] : memref<5376xf32, #tpu.memory_space<vmem>>[vector<16xi32>], vector<16xf32>,
        %swap3A_101 = arith.index_cast %add3A_88 : i32 to index
        %swap3A_102 = tpu.vector_load %arg23[%swap3A_101] {strides = array<i32>} : memref<5120xf32, #tpu.memory_space<vmem>>, vector<16xf32>,
        tpu.vector_store %arg23[%swap3A_101], %gather3A_100 {strides = array<i32>} : memref<5120xf32, #tpu.memory_space<vmem>>, vector<16xf32>,
        %gather3A_103 = tpu.vector_load_idx %arg18[%get3A_90] : memref<5376xf32, #tpu.memory_space<vmem>>[vector<16xi32>], vector<16xf32>,
        %swap3A_104 = arith.index_cast %add3A_88 : i32 to index
        %swap3A_105 = tpu.vector_load %arg24[%swap3A_104] {strides = array<i32>} : memref<5120xf32, #tpu.memory_space<vmem>>, vector<16xf32>,
        tpu.vector_store %arg24[%swap3A_104], %gather3A_103 {strides = array<i32>} : memref<5120xf32, #tpu.memory_space<vmem>>, vector<16xf32>,
        %mul3A_106 = arith.constant 8 : i32
        %mul3A_107 = arith.muli %scan3A_52, %mul3A_106 : i32
        %add3A_108 = arith.constant 2 : i32
        %add3A_109 = arith.addi %mul3A_107, %add3A_108 : i32
        %mul3A_110 = arith.constant 16 : i32
        %mul3A_111 = arith.muli %add3A_109, %mul3A_110 : i32
        %mul3A_112 = arith.constant 512 : i32
        %mul3A_113 = arith.muli %scan3A_34, %mul3A_112 : i32
        %mul3A_114 = arith.constant 16 : i32
        %mul3A_115 = arith.muli %add3A_109, %mul3A_114 : i32
        %add3A_116 = arith.addi %mul3A_113, %mul3A_115 : i32
        %get3A_117 = arith.index_cast %mul3A_111 : i32 to index
        %get3A_118 = tpu.vector_load %arg19[%get3A_117] {strides = array<i32>} : memref<512xi32, #tpu.memory_space<vmem>>, vector<16xi32>,
        %gather3A_119 = tpu.vector_load_idx %arg14[%get3A_118] : memref<5376xf32, #tpu.memory_space<vmem>>[vector<16xi32>], vector<16xf32>,
        %swap3A_120 = arith.index_cast %add3A_116 : i32 to index
        %swap3A_121 = tpu.vector_load %arg20[%swap3A_120] {strides = array<i32>} : memref<5120xf32, #tpu.memory_space<vmem>>, vector<16xf32>,
        tpu.vector_store %arg20[%swap3A_120], %gather3A_119 {strides = array<i32>} : memref<5120xf32, #tpu.memory_space<vmem>>, vector<16xf32>,
        %gather3A_122 = tpu.vector_load_idx %arg15[%get3A_118] : memref<5376xf32, #tpu.memory_space<vmem>>[vector<16xi32>], vector<16xf32>,
        %swap3A_123 = arith.index_cast %add3A_116 : i32 to index
        %swap3A_124 = tpu.vector_load %arg21[%swap3A_123] {strides = array<i32>} : memref<5120xf32, #tpu.memory_space<vmem>>, vector<16xf32>,
        tpu.vector_store %arg21[%swap3A_123], %gather3A_122 {strides = array<i32>} : memref<5120xf32, #tpu.memory_space<vmem>>, vector<16xf32>,
        %gather3A_125 = tpu.vector_load_idx %arg16[%get3A_118] : memref<5376xf32, #tpu.memory_space<vmem>>[vector<16xi32>], vector<16xf32>,
        %swap3A_126 = arith.index_cast %add3A_116 : i32 to index
        %swap3A_127 = tpu.vector_load %arg22[%swap3A_126] {strides = array<i32>} : memref<5120xf32, #tpu.memory_space<vmem>>, vector<16xf32>,
        tpu.vector_store %arg22[%swap3A_126], %gather3A_125 {strides = array<i32>} : memref<5120xf32, #tpu.memory_space<vmem>>, vector<16xf32>,
        %gather3A_128 = tpu.vector_load_idx %arg17[%get3A_118] : memref<5376xf32, #tpu.memory_space<vmem>>[vector<16xi32>], vector<16xf32>,
        %swap3A_129 = arith.index_cast %add3A_116 : i32 to index
        %swap3A_130 = tpu.vector_load %arg23[%swap3A_129] {strides = array<i32>} : memref<5120xf32, #tpu.memory_space<vmem>>, vector<16xf32>,
        tpu.vector_store %arg23[%swap3A_129], %gather3A_128 {strides = array<i32>} : memref<5120xf32, #tpu.memory_space<vmem>>, vector<16xf32>,
        %gather3A_131 = tpu.vector_load_idx %arg18[%get3A_118] : memref<5376xf32, #tpu.memory_space<vmem>>[vector<16xi32>], vector<16xf32>,
        %swap3A_132 = arith.index_cast %add3A_116 : i32 to index
        %swap3A_133 = tpu.vector_load %arg24[%swap3A_132] {strides = array<i32>} : memref<5120xf32, #tpu.memory_space<vmem>>, vector<16xf32>,
        tpu.vector_store %arg24[%swap3A_132], %gather3A_131 {strides = array<i32>} : memref<5120xf32, #tpu.memory_space<vmem>>, vector<16xf32>,
        %mul3A_134 = arith.constant 8 : i32
        %mul3A_135 = arith.muli %scan3A_52, %mul3A_134 : i32
        %add3A_136 = arith.constant 3 : i32
        %add3A_137 = arith.addi %mul3A_135, %add3A_136 : i32
        %mul3A_138 = arith.constant 16 : i32
        %mul3A_139 = arith.muli %add3A_137, %mul3A_138 : i32
        %mul3A_140 = arith.constant 512 : i32
        %mul3A_141 = arith.muli %scan3A_34, %mul3A_140 : i32
        %mul3A_142 = arith.constant 16 : i32
        %mul3A_143 = arith.muli %add3A_137, %mul3A_142 : i32
        %add3A_144 = arith.addi %mul3A_141, %mul3A_143 : i32
        %get3A_145 = arith.index_cast %mul3A_139 : i32 to index
        %get3A_146 = tpu.vector_load %arg19[%get3A_145] {strides = array<i32>} : memref<512xi32, #tpu.memory_space<vmem>>, vector<16xi32>,
        %gather3A_147 = tpu.vector_load_idx %arg14[%get3A_146] : memref<5376xf32, #tpu.memory_space<vmem>>[vector<16xi32>], vector<16xf32>,
        %swap3A_148 = arith.index_cast %add3A_144 : i32 to index
        %swap3A_149 = tpu.vector_load %arg20[%swap3A_148] {strides = array<i32>} : memref<5120xf32, #tpu.memory_space<vmem>>, vector<16xf32>,
        tpu.vector_store %arg20[%swap3A_148], %gather3A_147 {strides = array<i32>} : memref<5120xf32, #tpu.memory_space<vmem>>, vector<16xf32>,
        %gather3A_150 = tpu.vector_load_idx %arg15[%get3A_146] : memref<5376xf32, #tpu.memory_space<vmem>>[vector<16xi32>], vector<16xf32>,
        %swap3A_151 = arith.index_cast %add3A_144 : i32 to index
        %swap3A_152 = tpu.vector_load %arg21[%swap3A_151] {strides = array<i32>} : memref<5120xf32, #tpu.memory_space<vmem>>, vector<16xf32>,
        tpu.vector_store %arg21[%swap3A_151], %gather3A_150 {strides = array<i32>} : memref<5120xf32, #tpu.memory_space<vmem>>, vector<16xf32>,
        %gather3A_153 = tpu.vector_load_idx %arg16[%get3A_146] : memref<5376xf32, #tpu.memory_space<vmem>>[vector<16xi32>], vector<16xf32>,
        %swap3A_154 = arith.index_cast %add3A_144 : i32 to index
        %swap3A_155 = tpu.vector_load %arg22[%swap3A_154] {strides = array<i32>} : memref<5120xf32, #tpu.memory_space<vmem>>, vector<16xf32>,
        tpu.vector_store %arg22[%swap3A_154], %gather3A_153 {strides = array<i32>} : memref<5120xf32, #tpu.memory_space<vmem>>, vector<16xf32>,
        %gather3A_156 = tpu.vector_load_idx %arg17[%get3A_146] : memref<5376xf32, #tpu.memory_space<vmem>>[vector<16xi32>], vector<16xf32>,
        %swap3A_157 = arith.index_cast %add3A_144 : i32 to index
        %swap3A_158 = tpu.vector_load %arg23[%swap3A_157] {strides = array<i32>} : memref<5120xf32, #tpu.memory_space<vmem>>, vector<16xf32>,
        tpu.vector_store %arg23[%swap3A_157], %gather3A_156 {strides = array<i32>} : memref<5120xf32, #tpu.memory_space<vmem>>, vector<16xf32>,
        %gather3A_159 = tpu.vector_load_idx %arg18[%get3A_146] : memref<5376xf32, #tpu.memory_space<vmem>>[vector<16xi32>], vector<16xf32>,
        %swap3A_160 = arith.index_cast %add3A_144 : i32 to index
        %swap3A_161 = tpu.vector_load %arg24[%swap3A_160] {strides = array<i32>} : memref<5120xf32, #tpu.memory_space<vmem>>, vector<16xf32>,
        tpu.vector_store %arg24[%swap3A_160], %gather3A_159 {strides = array<i32>} : memref<5120xf32, #tpu.memory_space<vmem>>, vector<16xf32>,
        %mul3A_162 = arith.constant 8 : i32
        %mul3A_163 = arith.muli %scan3A_52, %mul3A_162 : i32
        %add3A_164 = arith.constant 4 : i32
        %add3A_165 = arith.addi %mul3A_163, %add3A_164 : i32
        %mul3A_166 = arith.constant 16 : i32
        %mul3A_167 = arith.muli %add3A_165, %mul3A_166 : i32
        %mul3A_168 = arith.constant 512 : i32
        %mul3A_169 = arith.muli %scan3A_34, %mul3A_168 : i32
        %mul3A_170 = arith.constant 16 : i32
        %mul3A_171 = arith.muli %add3A_165, %mul3A_170 : i32
        %add3A_172 = arith.addi %mul3A_169, %mul3A_171 : i32
        %get3A_173 = arith.index_cast %mul3A_167 : i32 to index
        %get3A_174 = tpu.vector_load %arg19[%get3A_173] {strides = array<i32>} : memref<512xi32, #tpu.memory_space<vmem>>, vector<16xi32>,
        %gather3A_175 = tpu.vector_load_idx %arg14[%get3A_174] : memref<5376xf32, #tpu.memory_space<vmem>>[vector<16xi32>], vector<16xf32>,
        %swap3A_176 = arith.index_cast %add3A_172 : i32 to index
        %swap3A_177 = tpu.vector_load %arg20[%swap3A_176] {strides = array<i32>} : memref<5120xf32, #tpu.memory_space<vmem>>, vector<16xf32>,
        tpu.vector_store %arg20[%swap3A_176], %gather3A_175 {strides = array<i32>} : memref<5120xf32, #tpu.memory_space<vmem>>, vector<16xf32>,
        %gather3A_178 = tpu.vector_load_idx %arg15[%get3A_174] : memref<5376xf32, #tpu.memory_space<vmem>>[vector<16xi32>], vector<16xf32>,
        %swap3A_179 = arith.index_cast %add3A_172 : i32 to index
        %swap3A_180 = tpu.vector_load %arg21[%swap3A_179] {strides = array<i32>} : memref<5120xf32, #tpu.memory_space<vmem>>, vector<16xf32>,
        tpu.vector_store %arg21[%swap3A_179], %gather3A_178 {strides = array<i32>} : memref<5120xf32, #tpu.memory_space<vmem>>, vector<16xf32>,
        %gather3A_181 = tpu.vector_load_idx %arg16[%get3A_174] : memref<5376xf32, #tpu.memory_space<vmem>>[vector<16xi32>], vector<16xf32>,
        %swap3A_182 = arith.index_cast %add3A_172 : i32 to index
        %swap3A_183 = tpu.vector_load %arg22[%swap3A_182] {strides = array<i32>} : memref<5120xf32, #tpu.memory_space<vmem>>, vector<16xf32>,
        tpu.vector_store %arg22[%swap3A_182], %gather3A_181 {strides = array<i32>} : memref<5120xf32, #tpu.memory_space<vmem>>, vector<16xf32>,
        %gather3A_184 = tpu.vector_load_idx %arg17[%get3A_174] : memref<5376xf32, #tpu.memory_space<vmem>>[vector<16xi32>], vector<16xf32>,
        %swap3A_185 = arith.index_cast %add3A_172 : i32 to index
        %swap3A_186 = tpu.vector_load %arg23[%swap3A_185] {strides = array<i32>} : memref<5120xf32, #tpu.memory_space<vmem>>, vector<16xf32>,
        tpu.vector_store %arg23[%swap3A_185], %gather3A_184 {strides = array<i32>} : memref<5120xf32, #tpu.memory_space<vmem>>, vector<16xf32>,
        %gather3A_187 = tpu.vector_load_idx %arg18[%get3A_174] : memref<5376xf32, #tpu.memory_space<vmem>>[vector<16xi32>], vector<16xf32>,
        %swap3A_188 = arith.index_cast %add3A_172 : i32 to index
        %swap3A_189 = tpu.vector_load %arg24[%swap3A_188] {strides = array<i32>} : memref<5120xf32, #tpu.memory_space<vmem>>, vector<16xf32>,
        tpu.vector_store %arg24[%swap3A_188], %gather3A_187 {strides = array<i32>} : memref<5120xf32, #tpu.memory_space<vmem>>, vector<16xf32>,
        %mul3A_190 = arith.constant 8 : i32
        %mul3A_191 = arith.muli %scan3A_52, %mul3A_190 : i32
        %add3A_192 = arith.constant 5 : i32
        %add3A_193 = arith.addi %mul3A_191, %add3A_192 : i32
        %mul3A_194 = arith.constant 16 : i32
        %mul3A_195 = arith.muli %add3A_193, %mul3A_194 : i32
        %mul3A_196 = arith.constant 512 : i32
        %mul3A_197 = arith.muli %scan3A_34, %mul3A_196 : i32
        %mul3A_198 = arith.constant 16 : i32
        %mul3A_199 = arith.muli %add3A_193, %mul3A_198 : i32
        %add3A_200 = arith.addi %mul3A_197, %mul3A_199 : i32
        %get3A_201 = arith.index_cast %mul3A_195 : i32 to index
        %get3A_202 = tpu.vector_load %arg19[%get3A_201] {strides = array<i32>} : memref<512xi32, #tpu.memory_space<vmem>>, vector<16xi32>,
        %gather3A_203 = tpu.vector_load_idx %arg14[%get3A_202] : memref<5376xf32, #tpu.memory_space<vmem>>[vector<16xi32>], vector<16xf32>,
        %swap3A_204 = arith.index_cast %add3A_200 : i32 to index
        %swap3A_205 = tpu.vector_load %arg20[%swap3A_204] {strides = array<i32>} : memref<5120xf32, #tpu.memory_space<vmem>>, vector<16xf32>,
        tpu.vector_store %arg20[%swap3A_204], %gather3A_203 {strides = array<i32>} : memref<5120xf32, #tpu.memory_space<vmem>>, vector<16xf32>,
        %gather3A_206 = tpu.vector_load_idx %arg15[%get3A_202] : memref<5376xf32, #tpu.memory_space<vmem>>[vector<16xi32>], vector<16xf32>,
        %swap3A_207 = arith.index_cast %add3A_200 : i32 to index
        %swap3A_208 = tpu.vector_load %arg21[%swap3A_207] {strides = array<i32>} : memref<5120xf32, #tpu.memory_space<vmem>>, vector<16xf32>,
        tpu.vector_store %arg21[%swap3A_207], %gather3A_206 {strides = array<i32>} : memref<5120xf32, #tpu.memory_space<vmem>>, vector<16xf32>,
        %gather3A_209 = tpu.vector_load_idx %arg16[%get3A_202] : memref<5376xf32, #tpu.memory_space<vmem>>[vector<16xi32>], vector<16xf32>,
        %swap3A_210 = arith.index_cast %add3A_200 : i32 to index
        %swap3A_211 = tpu.vector_load %arg22[%swap3A_210] {strides = array<i32>} : memref<5120xf32, #tpu.memory_space<vmem>>, vector<16xf32>,
        tpu.vector_store %arg22[%swap3A_210], %gather3A_209 {strides = array<i32>} : memref<5120xf32, #tpu.memory_space<vmem>>, vector<16xf32>,
        %gather3A_212 = tpu.vector_load_idx %arg17[%get3A_202] : memref<5376xf32, #tpu.memory_space<vmem>>[vector<16xi32>], vector<16xf32>,
        %swap3A_213 = arith.index_cast %add3A_200 : i32 to index
        %swap3A_214 = tpu.vector_load %arg23[%swap3A_213] {strides = array<i32>} : memref<5120xf32, #tpu.memory_space<vmem>>, vector<16xf32>,
        tpu.vector_store %arg23[%swap3A_213], %gather3A_212 {strides = array<i32>} : memref<5120xf32, #tpu.memory_space<vmem>>, vector<16xf32>,
        %gather3A_215 = tpu.vector_load_idx %arg18[%get3A_202] : memref<5376xf32, #tpu.memory_space<vmem>>[vector<16xi32>], vector<16xf32>,
        %swap3A_216 = arith.index_cast %add3A_200 : i32 to index
        %swap3A_217 = tpu.vector_load %arg24[%swap3A_216] {strides = array<i32>} : memref<5120xf32, #tpu.memory_space<vmem>>, vector<16xf32>,
        tpu.vector_store %arg24[%swap3A_216], %gather3A_215 {strides = array<i32>} : memref<5120xf32, #tpu.memory_space<vmem>>, vector<16xf32>,
        %mul3A_218 = arith.constant 8 : i32
        %mul3A_219 = arith.muli %scan3A_52, %mul3A_218 : i32
        %add3A_220 = arith.constant 6 : i32
        %add3A_221 = arith.addi %mul3A_219, %add3A_220 : i32
        %mul3A_222 = arith.constant 16 : i32
        %mul3A_223 = arith.muli %add3A_221, %mul3A_222 : i32
        %mul3A_224 = arith.constant 512 : i32
        %mul3A_225 = arith.muli %scan3A_34, %mul3A_224 : i32
        %mul3A_226 = arith.constant 16 : i32
        %mul3A_227 = arith.muli %add3A_221, %mul3A_226 : i32
        %add3A_228 = arith.addi %mul3A_225, %mul3A_227 : i32
        %get3A_229 = arith.index_cast %mul3A_223 : i32 to index
        %get3A_230 = tpu.vector_load %arg19[%get3A_229] {strides = array<i32>} : memref<512xi32, #tpu.memory_space<vmem>>, vector<16xi32>,
        %gather3A_231 = tpu.vector_load_idx %arg14[%get3A_230] : memref<5376xf32, #tpu.memory_space<vmem>>[vector<16xi32>], vector<16xf32>,
        %swap3A_232 = arith.index_cast %add3A_228 : i32 to index
        %swap3A_233 = tpu.vector_load %arg20[%swap3A_232] {strides = array<i32>} : memref<5120xf32, #tpu.memory_space<vmem>>, vector<16xf32>,
        tpu.vector_store %arg20[%swap3A_232], %gather3A_231 {strides = array<i32>} : memref<5120xf32, #tpu.memory_space<vmem>>, vector<16xf32>,
        %gather3A_234 = tpu.vector_load_idx %arg15[%get3A_230] : memref<5376xf32, #tpu.memory_space<vmem>>[vector<16xi32>], vector<16xf32>,
        %swap3A_235 = arith.index_cast %add3A_228 : i32 to index
        %swap3A_236 = tpu.vector_load %arg21[%swap3A_235] {strides = array<i32>} : memref<5120xf32, #tpu.memory_space<vmem>>, vector<16xf32>,
        tpu.vector_store %arg21[%swap3A_235], %gather3A_234 {strides = array<i32>} : memref<5120xf32, #tpu.memory_space<vmem>>, vector<16xf32>,
        %gather3A_237 = tpu.vector_load_idx %arg16[%get3A_230] : memref<5376xf32, #tpu.memory_space<vmem>>[vector<16xi32>], vector<16xf32>,
        %swap3A_238 = arith.index_cast %add3A_228 : i32 to index
        %swap3A_239 = tpu.vector_load %arg22[%swap3A_238] {strides = array<i32>} : memref<5120xf32, #tpu.memory_space<vmem>>, vector<16xf32>,
        tpu.vector_store %arg22[%swap3A_238], %gather3A_237 {strides = array<i32>} : memref<5120xf32, #tpu.memory_space<vmem>>, vector<16xf32>,
        %gather3A_240 = tpu.vector_load_idx %arg17[%get3A_230] : memref<5376xf32, #tpu.memory_space<vmem>>[vector<16xi32>], vector<16xf32>,
        %swap3A_241 = arith.index_cast %add3A_228 : i32 to index
        %swap3A_242 = tpu.vector_load %arg23[%swap3A_241] {strides = array<i32>} : memref<5120xf32, #tpu.memory_space<vmem>>, vector<16xf32>,
        tpu.vector_store %arg23[%swap3A_241], %gather3A_240 {strides = array<i32>} : memref<5120xf32, #tpu.memory_space<vmem>>, vector<16xf32>,
        %gather3A_243 = tpu.vector_load_idx %arg18[%get3A_230] : memref<5376xf32, #tpu.memory_space<vmem>>[vector<16xi32>], vector<16xf32>,
        %swap3A_244 = arith.index_cast %add3A_228 : i32 to index
        %swap3A_245 = tpu.vector_load %arg24[%swap3A_244] {strides = array<i32>} : memref<5120xf32, #tpu.memory_space<vmem>>, vector<16xf32>,
        tpu.vector_store %arg24[%swap3A_244], %gather3A_243 {strides = array<i32>} : memref<5120xf32, #tpu.memory_space<vmem>>, vector<16xf32>,
        %mul3A_246 = arith.constant 8 : i32
        %mul3A_247 = arith.muli %scan3A_52, %mul3A_246 : i32
        %add3A_248 = arith.constant 7 : i32
        %add3A_249 = arith.addi %mul3A_247, %add3A_248 : i32
        %mul3A_250 = arith.constant 16 : i32
        %mul3A_251 = arith.muli %add3A_249, %mul3A_250 : i32
        %mul3A_252 = arith.constant 512 : i32
        %mul3A_253 = arith.muli %scan3A_34, %mul3A_252 : i32
        %mul3A_254 = arith.constant 16 : i32
        %mul3A_255 = arith.muli %add3A_249, %mul3A_254 : i32
        %add3A_256 = arith.addi %mul3A_253, %mul3A_255 : i32
        %get3A_257 = arith.index_cast %mul3A_251 : i32 to index
        %get3A_258 = tpu.vector_load %arg19[%get3A_257] {strides = array<i32>} : memref<512xi32, #tpu.memory_space<vmem>>, vector<16xi32>,
        %gather3A_259 = tpu.vector_load_idx %arg14[%get3A_258] : memref<5376xf32, #tpu.memory_space<vmem>>[vector<16xi32>], vector<16xf32>,
        %swap3A_260 = arith.index_cast %add3A_256 : i32 to index
        %swap3A_261 = tpu.vector_load %arg20[%swap3A_260] {strides = array<i32>} : memref<5120xf32, #tpu.memory_space<vmem>>, vector<16xf32>,
        tpu.vector_store %arg20[%swap3A_260], %gather3A_259 {strides = array<i32>} : memref<5120xf32, #tpu.memory_space<vmem>>, vector<16xf32>,
        %gather3A_262 = tpu.vector_load_idx %arg15[%get3A_258] : memref<5376xf32, #tpu.memory_space<vmem>>[vector<16xi32>], vector<16xf32>,
        %swap3A_263 = arith.index_cast %add3A_256 : i32 to index
        %swap3A_264 = tpu.vector_load %arg21[%swap3A_263] {strides = array<i32>} : memref<5120xf32, #tpu.memory_space<vmem>>, vector<16xf32>,
        tpu.vector_store %arg21[%swap3A_263], %gather3A_262 {strides = array<i32>} : memref<5120xf32, #tpu.memory_space<vmem>>, vector<16xf32>,
        %gather3A_265 = tpu.vector_load_idx %arg16[%get3A_258] : memref<5376xf32, #tpu.memory_space<vmem>>[vector<16xi32>], vector<16xf32>,
        %swap3A_266 = arith.index_cast %add3A_256 : i32 to index
        %swap3A_267 = tpu.vector_load %arg22[%swap3A_266] {strides = array<i32>} : memref<5120xf32, #tpu.memory_space<vmem>>, vector<16xf32>,
        tpu.vector_store %arg22[%swap3A_266], %gather3A_265 {strides = array<i32>} : memref<5120xf32, #tpu.memory_space<vmem>>, vector<16xf32>,
        %gather3A_268 = tpu.vector_load_idx %arg17[%get3A_258] : memref<5376xf32, #tpu.memory_space<vmem>>[vector<16xi32>], vector<16xf32>,
        %swap3A_269 = arith.index_cast %add3A_256 : i32 to index
        %swap3A_270 = tpu.vector_load %arg23[%swap3A_269] {strides = array<i32>} : memref<5120xf32, #tpu.memory_space<vmem>>, vector<16xf32>,
        tpu.vector_store %arg23[%swap3A_269], %gather3A_268 {strides = array<i32>} : memref<5120xf32, #tpu.memory_space<vmem>>, vector<16xf32>,
        %gather3A_271 = tpu.vector_load_idx %arg18[%get3A_258] : memref<5376xf32, #tpu.memory_space<vmem>>[vector<16xi32>], vector<16xf32>,
        %swap3A_272 = arith.index_cast %add3A_256 : i32 to index
        %swap3A_273 = tpu.vector_load %arg24[%swap3A_272] {strides = array<i32>} : memref<5120xf32, #tpu.memory_space<vmem>>, vector<16xf32>,
        tpu.vector_store %arg24[%swap3A_272], %gather3A_271 {strides = array<i32>} : memref<5120xf32, #tpu.memory_space<vmem>>, vector<16xf32>,
      }
      %scan3A_51 = arith.constant 4 : i32
    }
    %scan3A_31 = arith.constant 10 : i32
    %mul3A_32 = arith.constant 512 : i32
    %mul3A_33 = arith.muli %mul3A_2, %mul3A_32 : i32
    "tpu.region"() ({
      %run_scoped3A = tpu.sem_alloc : memref<!tpu.dma_semaphore, #tpu.memory_space<semaphore_mem>>
      %dma_start3A = tpu.memref_slice %arg8[%mul3A_33] : memref<163840xf32, #tpu.memory_space<hbm>> -> memref<5120xf32, #tpu.memory_space<hbm>>
      %dma_start3A_34 = tpu.memref_slice %arg8[%mul3A_33] : memref<163840xf32, #tpu.memory_space<hbm>> -> memref<5120xf32, #tpu.memory_space<hbm>>
      tpu.enqueue_dma source(%arg20 : memref<5120xf32, #tpu.memory_space<vmem>>) target(%dma_start3A_34 : memref<5120xf32, #tpu.memory_space<hbm>>) target_semaphore(%run_scoped3A : memref<!tpu.dma_semaphore, #tpu.memory_space<semaphore_mem>>)
      %dma_wait3A = tpu.memref_slice %arg8[%mul3A_33] : memref<163840xf32, #tpu.memory_space<hbm>> -> memref<5120xf32, #tpu.memory_space<hbm>>
      %dma_wait3A_35 = tpu.memref_slice %arg8[%mul3A_33] : memref<163840xf32, #tpu.memory_space<hbm>> -> memref<5120xf32, #tpu.memory_space<hbm>>
      tpu.wait_dma2 semaphore(%run_scoped3A : memref<!tpu.dma_semaphore, #tpu.memory_space<semaphore_mem>>) src(%arg20 : memref<5120xf32, #tpu.memory_space<vmem>>) dst(%dma_wait3A_35 : memref<5120xf32, #tpu.memory_space<hbm>>)
      tpu.yield
    }) : () -> ()
    "tpu.region"() ({
      %run_scoped3A = tpu.sem_alloc : memref<!tpu.dma_semaphore, #tpu.memory_space<semaphore_mem>>
      %dma_start3A = tpu.memref_slice %arg9[%mul3A_33] : memref<163840xf32, #tpu.memory_space<hbm>> -> memref<5120xf32, #tpu.memory_space<hbm>>
      %dma_start3A_34 = tpu.memref_slice %arg9[%mul3A_33] : memref<163840xf32, #tpu.memory_space<hbm>> -> memref<5120xf32, #tpu.memory_space<hbm>>
      tpu.enqueue_dma source(%arg21 : memref<5120xf32, #tpu.memory_space<vmem>>) target(%dma_start3A_34 : memref<5120xf32, #tpu.memory_space<hbm>>) target_semaphore(%run_scoped3A : memref<!tpu.dma_semaphore, #tpu.memory_space<semaphore_mem>>)
      %dma_wait3A = tpu.memref_slice %arg9[%mul3A_33] : memref<163840xf32, #tpu.memory_space<hbm>> -> memref<5120xf32, #tpu.memory_space<hbm>>
      %dma_wait3A_35 = tpu.memref_slice %arg9[%mul3A_33] : memref<163840xf32, #tpu.memory_space<hbm>> -> memref<5120xf32, #tpu.memory_space<hbm>>
      tpu.wait_dma2 semaphore(%run_scoped3A : memref<!tpu.dma_semaphore, #tpu.memory_space<semaphore_mem>>) src(%arg21 : memref<5120xf32, #tpu.memory_space<vmem>>) dst(%dma_wait3A_35 : memref<5120xf32, #tpu.memory_space<hbm>>)
      tpu.yield
    }) : () -> ()
    "tpu.region"() ({
      %run_scoped3A = tpu.sem_alloc : memref<!tpu.dma_semaphore, #tpu.memory_space<semaphore_mem>>
      %dma_start3A = tpu.memref_slice %arg10[%mul3A_33] : memref<163840xf32, #tpu.memory_space<hbm>> -> memref<5120xf32, #tpu.memory_space<hbm>>
      %dma_start3A_34 = tpu.memref_slice %arg10[%mul3A_33] : memref<163840xf32, #tpu.memory_space<hbm>> -> memref<5120xf32, #tpu.memory_space<hbm>>
      tpu.enqueue_dma source(%arg22 : memref<5120xf32, #tpu.memory_space<vmem>>) target(%dma_start3A_34 : memref<5120xf32, #tpu.memory_space<hbm>>) target_semaphore(%run_scoped3A : memref<!tpu.dma_semaphore, #tpu.memory_space<semaphore_mem>>)
      %dma_wait3A = tpu.memref_slice %arg10[%mul3A_33] : memref<163840xf32, #tpu.memory_space<hbm>> -> memref<5120xf32, #tpu.memory_space<hbm>>
      %dma_wait3A_35 = tpu.memref_slice %arg10[%mul3A_33] : memref<163840xf32, #tpu.memory_space<hbm>> -> memref<5120xf32, #tpu.memory_space<hbm>>
      tpu.wait_dma2 semaphore(%run_scoped3A : memref<!tpu.dma_semaphore, #tpu.memory_space<semaphore_mem>>) src(%arg22 : memref<5120xf32, #tpu.memory_space<vmem>>) dst(%dma_wait3A_35 : memref<5120xf32, #tpu.memory_space<hbm>>)
      tpu.yield
    }) : () -> ()
    "tpu.region"() ({
      %run_scoped3A = tpu.sem_alloc : memref<!tpu.dma_semaphore, #tpu.memory_space<semaphore_mem>>
      %dma_start3A = tpu.memref_slice %arg11[%mul3A_33] : memref<163840xf32, #tpu.memory_space<hbm>> -> memref<5120xf32, #tpu.memory_space<hbm>>
      %dma_start3A_34 = tpu.memref_slice %arg11[%mul3A_33] : memref<163840xf32, #tpu.memory_space<hbm>> -> memref<5120xf32, #tpu.memory_space<hbm>>
      tpu.enqueue_dma source(%arg23 : memref<5120xf32, #tpu.memory_space<vmem>>) target(%dma_start3A_34 : memref<5120xf32, #tpu.memory_space<hbm>>) target_semaphore(%run_scoped3A : memref<!tpu.dma_semaphore, #tpu.memory_space<semaphore_mem>>)
      %dma_wait3A = tpu.memref_slice %arg11[%mul3A_33] : memref<163840xf32, #tpu.memory_space<hbm>> -> memref<5120xf32, #tpu.memory_space<hbm>>
      %dma_wait3A_35 = tpu.memref_slice %arg11[%mul3A_33] : memref<163840xf32, #tpu.memory_space<hbm>> -> memref<5120xf32, #tpu.memory_space<hbm>>
      tpu.wait_dma2 semaphore(%run_scoped3A : memref<!tpu.dma_semaphore, #tpu.memory_space<semaphore_mem>>) src(%arg23 : memref<5120xf32, #tpu.memory_space<vmem>>) dst(%dma_wait3A_35 : memref<5120xf32, #tpu.memory_space<hbm>>)
      tpu.yield
    }) : () -> ()
    "tpu.region"() ({
      %run_scoped3A = tpu.sem_alloc : memref<!tpu.dma_semaphore, #tpu.memory_space<semaphore_mem>>
      %dma_start3A = tpu.memref_slice %arg12[%mul3A_33] : memref<163840xf32, #tpu.memory_space<hbm>> -> memref<5120xf32, #tpu.memory_space<hbm>>
      %dma_start3A_34 = tpu.memref_slice %arg12[%mul3A_33] : memref<163840xf32, #tpu.memory_space<hbm>> -> memref<5120xf32, #tpu.memory_space<hbm>>
      tpu.enqueue_dma source(%arg24 : memref<5120xf32, #tpu.memory_space<vmem>>) target(%dma_start3A_34 : memref<5120xf32, #tpu.memory_space<hbm>>) target_semaphore(%run_scoped3A : memref<!tpu.dma_semaphore, #tpu.memory_space<semaphore_mem>>)
      %dma_wait3A = tpu.memref_slice %arg12[%mul3A_33] : memref<163840xf32, #tpu.memory_space<hbm>> -> memref<5120xf32, #tpu.memory_space<hbm>>
      %dma_wait3A_35 = tpu.memref_slice %arg12[%mul3A_33] : memref<163840xf32, #tpu.memory_space<hbm>> -> memref<5120xf32, #tpu.memory_space<hbm>>
      tpu.wait_dma2 semaphore(%run_scoped3A : memref<!tpu.dma_semaphore, #tpu.memory_space<semaphore_mem>>) src(%arg24 : memref<5120xf32, #tpu.memory_space<vmem>>) dst(%dma_wait3A_35 : memref<5120xf32, #tpu.memory_space<hbm>>)
      tpu.yield
    }) : () -> ()
    return
  }
}

#map = affine_map<(d0, d1) -> (0)>
module attributes {stable_mosaic.version = 14 : i64} {
  func.func @_sc_compact_body(%arg0: i32, %arg1: i32, %arg2: memref<1720320xi32, #tpu.memory_space<hbm>>, %arg3: memref<1720320xf32, #tpu.memory_space<hbm>>, %arg4: memref<21504xf32, #tpu.memory_space<hbm>>, %arg5: memref<21504xf32, #tpu.memory_space<hbm>>, %arg6: memref<21504xf32, #tpu.memory_space<hbm>>, %arg7: memref<21504xf32, #tpu.memory_space<hbm>>, %arg8: memref<163840xf32, #tpu.memory_space<hbm>>, %arg9: memref<163840xf32, #tpu.memory_space<hbm>>, %arg10: memref<163840xf32, #tpu.memory_space<hbm>>, %arg11: memref<163840xf32, #tpu.memory_space<hbm>>, %arg12: memref<163840xf32, #tpu.memory_space<hbm>>, %arg13: memref<5376xi32, #tpu.memory_space<vmem>>, %arg14: memref<5376xf32, #tpu.memory_space<vmem>>, %arg15: memref<5376xf32, #tpu.memory_space<vmem>>, %arg16: memref<5376xf32, #tpu.memory_space<vmem>>, %arg17: memref<5376xf32, #tpu.memory_space<vmem>>, %arg18: memref<5376xf32, #tpu.memory_space<vmem>>, %arg19: memref<512xi32, #tpu.memory_space<vmem>>, %arg20: memref<5120xf32, #tpu.memory_space<vmem>>, %arg21: memref<5120xf32, #tpu.memory_space<vmem>>, %arg22: memref<5120xf32, #tpu.memory_space<vmem>>, %arg23: memref<5120xf32, #tpu.memory_space<vmem>>, %arg24: memref<5120xf32, #tpu.memory_space<vmem>>) attributes {dimension_semantics = [#tpu.dimension_semantics<core_parallel>, #tpu.dimension_semantics<subcore_parallel>], iteration_bounds = array<i64: 2, 16>, scalar_prefetch = 0 : i64, scratch_operands = 12 : i64, tpu.core_type = #tpu.core_type<sc_vector_subcore>, window_params = [{transform_indices = #map}, {transform_indices = #map}, {transform_indices = #map}, {transform_indices = #map}, {transform_indices = #map}, {transform_indices = #map}, {transform_indices = #map}, {transform_indices = #map}, {transform_indices = #map}, {transform_indices = #map}, {transform_indices = #map}]} {
    %mul3A = arith.constant 2 : i32
    %mul3A_0 = arith.muli %arg1, %mul3A : i32
    %add3A = arith.addi %mul3A_0, %arg0 : i32
    %mul3A_1 = arith.constant 10 : i32
    %mul3A_2 = arith.muli %add3A, %mul3A_1 : i32
    %jit3A = arith.constant 80 : i32
    %div3A = arith.divsi %mul3A_2, %jit3A : i32
    %sign3A = arith.constant 0 : i32
    %sign3A_3 = arith.cmpi sgt, %mul3A_2, %sign3A : i32
    %sign3A_4 = arith.extui %sign3A_3 : i1 to i32
    %sign3A_5 = arith.constant 0 : i32
    %sign3A_6 = arith.cmpi slt, %mul3A_2, %sign3A_5 : i32
    %sign3A_7 = arith.extui %sign3A_6 : i1 to i32
    %sign3A_8 = arith.subi %sign3A_4, %sign3A_7 : i32
    %sign3A_9 = arith.constant 0 : i32
    %sign3A_10 = arith.cmpi sgt, %jit3A, %sign3A_9 : i32
    %sign3A_11 = arith.extui %sign3A_10 : i1 to i32
    %sign3A_12 = arith.constant 0 : i32
    %sign3A_13 = arith.cmpi slt, %jit3A, %sign3A_12 : i32
    %sign3A_14 = arith.extui %sign3A_13 : i1 to i32
    %sign3A_15 = arith.subi %sign3A_11, %sign3A_14 : i32
    %ne3A = arith.cmpi ne, %sign3A_8, %sign3A_15 : i32
    %rem3A = arith.remsi %mul3A_2, %jit3A : i32
    %ne3A_16 = arith.constant 0 : i32
    %ne3A_17 = arith.cmpi ne, %rem3A, %ne3A_16 : i32
    %and3A = arith.andi %ne3A, %ne3A_17 : i1
    %sub3A = arith.constant 1 : i32
    %sub3A_18 = arith.subi %div3A, %sub3A : i32
    %select_n3A = arith.select %and3A, %sub3A_18, %div3A : i32
    %mul3A_19 = arith.constant 5376 : i32
    %mul3A_20 = arith.muli %select_n3A, %mul3A_19 : i32
    "tpu.region"() ({
      %run_scoped3A = tpu.sem_alloc : memref<!tpu.dma_semaphore, #tpu.memory_space<semaphore_mem>>
      %dma_start3A = tpu.memref_slice %arg4[%mul3A_20] : memref<21504xf32, #tpu.memory_space<hbm>> -> memref<5376xf32, #tpu.memory_space<hbm>>
      %dma_start3A_34 = tpu.memref_slice %arg4[%mul3A_20] : memref<21504xf32, #tpu.memory_space<hbm>> -> memref<5376xf32, #tpu.memory_space<hbm>>
      tpu.enqueue_dma source(%dma_start3A_34 : memref<5376xf32, #tpu.memory_space<hbm>>) target(%arg15 : memref<5376xf32, #tpu.memory_space<vmem>>) target_semaphore(%run_scoped3A : memref<!tpu.dma_semaphore, #tpu.memory_space<semaphore_mem>>)
      %dma_wait3A = tpu.memref_slice %arg4[%mul3A_20] : memref<21504xf32, #tpu.memory_space<hbm>> -> memref<5376xf32, #tpu.memory_space<hbm>>
      %dma_wait3A_35 = tpu.memref_slice %arg4[%mul3A_20] : memref<21504xf32, #tpu.memory_space<hbm>> -> memref<5376xf32, #tpu.memory_space<hbm>>
      tpu.wait_dma2 semaphore(%run_scoped3A : memref<!tpu.dma_semaphore, #tpu.memory_space<semaphore_mem>>) src(%dma_wait3A_35 : memref<5376xf32, #tpu.memory_space<hbm>>) dst(%arg15 : memref<5376xf32, #tpu.memory_space<vmem>>)
      tpu.yield
    }) : () -> ()
    %mul3A_21 = arith.constant 5376 : i32
    %mul3A_22 = arith.muli %select_n3A, %mul3A_21 : i32
    "tpu.region"() ({
      %run_scoped3A = tpu.sem_alloc : memref<!tpu.dma_semaphore, #tpu.memory_space<semaphore_mem>>
      %dma_start3A = tpu.memref_slice %arg5[%mul3A_22] : memref<21504xf32, #tpu.memory_space<hbm>> -> memref<5376xf32, #tpu.memory_space<hbm>>
      %dma_start3A_34 = tpu.memref_slice %arg5[%mul3A_22] : memref<21504xf32, #tpu.memory_space<hbm>> -> memref<5376xf32, #tpu.memory_space<hbm>>
      tpu.enqueue_dma source(%dma_start3A_34 : memref<5376xf32, #tpu.memory_space<hbm>>) target(%arg16 : memref<5376xf32, #tpu.memory_space<vmem>>) target_semaphore(%run_scoped3A : memref<!tpu.dma_semaphore, #tpu.memory_space<semaphore_mem>>)
      %dma_wait3A = tpu.memref_slice %arg5[%mul3A_22] : memref<21504xf32, #tpu.memory_space<hbm>> -> memref<5376xf32, #tpu.memory_space<hbm>>
      %dma_wait3A_35 = tpu.memref_slice %arg5[%mul3A_22] : memref<21504xf32, #tpu.memory_space<hbm>> -> memref<5376xf32, #tpu.memory_space<hbm>>
      tpu.wait_dma2 semaphore(%run_scoped3A : memref<!tpu.dma_semaphore, #tpu.memory_space<semaphore_mem>>) src(%dma_wait3A_35 : memref<5376xf32, #tpu.memory_space<hbm>>) dst(%arg16 : memref<5376xf32, #tpu.memory_space<vmem>>)
      tpu.yield
    }) : () -> ()
    %mul3A_23 = arith.constant 5376 : i32
    %mul3A_24 = arith.muli %select_n3A, %mul3A_23 : i32
    "tpu.region"() ({
      %run_scoped3A = tpu.sem_alloc : memref<!tpu.dma_semaphore, #tpu.memory_space<semaphore_mem>>
      %dma_start3A = tpu.memref_slice %arg6[%mul3A_24] : memref<21504xf32, #tpu.memory_space<hbm>> -> memref<5376xf32, #tpu.memory_space<hbm>>
      %dma_start3A_34 = tpu.memref_slice %arg6[%mul3A_24] : memref<21504xf32, #tpu.memory_space<hbm>> -> memref<5376xf32, #tpu.memory_space<hbm>>
      tpu.enqueue_dma source(%dma_start3A_34 : memref<5376xf32, #tpu.memory_space<hbm>>) target(%arg17 : memref<5376xf32, #tpu.memory_space<vmem>>) target_semaphore(%run_scoped3A : memref<!tpu.dma_semaphore, #tpu.memory_space<semaphore_mem>>)
      %dma_wait3A = tpu.memref_slice %arg6[%mul3A_24] : memref<21504xf32, #tpu.memory_space<hbm>> -> memref<5376xf32, #tpu.memory_space<hbm>>
      %dma_wait3A_35 = tpu.memref_slice %arg6[%mul3A_24] : memref<21504xf32, #tpu.memory_space<hbm>> -> memref<5376xf32, #tpu.memory_space<hbm>>
      tpu.wait_dma2 semaphore(%run_scoped3A : memref<!tpu.dma_semaphore, #tpu.memory_space<semaphore_mem>>) src(%dma_wait3A_35 : memref<5376xf32, #tpu.memory_space<hbm>>) dst(%arg17 : memref<5376xf32, #tpu.memory_space<vmem>>)
      tpu.yield
    }) : () -> ()
    %mul3A_25 = arith.constant 5376 : i32
    %mul3A_26 = arith.muli %select_n3A, %mul3A_25 : i32
    "tpu.region"() ({
      %run_scoped3A = tpu.sem_alloc : memref<!tpu.dma_semaphore, #tpu.memory_space<semaphore_mem>>
      %dma_start3A = tpu.memref_slice %arg7[%mul3A_26] : memref<21504xf32, #tpu.memory_space<hbm>> -> memref<5376xf32, #tpu.memory_space<hbm>>
      %dma_start3A_34 = tpu.memref_slice %arg7[%mul3A_26] : memref<21504xf32, #tpu.memory_space<hbm>> -> memref<5376xf32, #tpu.memory_space<hbm>>
      tpu.enqueue_dma source(%dma_start3A_34 : memref<5376xf32, #tpu.memory_space<hbm>>) target(%arg18 : memref<5376xf32, #tpu.memory_space<vmem>>) target_semaphore(%run_scoped3A : memref<!tpu.dma_semaphore, #tpu.memory_space<semaphore_mem>>)
      %dma_wait3A = tpu.memref_slice %arg7[%mul3A_26] : memref<21504xf32, #tpu.memory_space<hbm>> -> memref<5376xf32, #tpu.memory_space<hbm>>
      %dma_wait3A_35 = tpu.memref_slice %arg7[%mul3A_26] : memref<21504xf32, #tpu.memory_space<hbm>> -> memref<5376xf32, #tpu.memory_space<hbm>>
      tpu.wait_dma2 semaphore(%run_scoped3A : memref<!tpu.dma_semaphore, #tpu.memory_space<semaphore_mem>>) src(%dma_wait3A_35 : memref<5376xf32, #tpu.memory_space<hbm>>) dst(%arg18 : memref<5376xf32, #tpu.memory_space<vmem>>)
      tpu.yield
    }) : () -> ()
    %iota3A = tpu.iota {dimensions = array<i32: 0>} : vector<16xi32>
    %scan3A = arith.constant 0 : i32
    %scan3A_27 = arith.constant 0 : i32
    %scan3A_28 = arith.constant 10 : i32
    %scan3A_29 = arith.addi %scan3A_27, %scan3A_28 : i32
    %scan3A_30 = arith.constant 1 : i32
    scf.for %scan3A_34 = %scan3A_27 to %scan3A_29 step %scan3A_30  : i32 {
      %add3A_35 = arith.addi %mul3A_2, %scan3A_34 : i32
      %mul3A_36 = arith.constant 5376 : i32
      %mul3A_37 = arith.muli %add3A_35, %mul3A_36 : i32
      "tpu.region"() ({
        %run_scoped3A = tpu.sem_alloc : memref<!tpu.dma_semaphore, #tpu.memory_space<semaphore_mem>>
        %dma_start3A = tpu.memref_slice %arg2[%mul3A_37] : memref<1720320xi32, #tpu.memory_space<hbm>> -> memref<5376xi32, #tpu.memory_space<hbm>>
        %dma_start3A_52 = tpu.memref_slice %arg2[%mul3A_37] : memref<1720320xi32, #tpu.memory_space<hbm>> -> memref<5376xi32, #tpu.memory_space<hbm>>
        tpu.enqueue_dma source(%dma_start3A_52 : memref<5376xi32, #tpu.memory_space<hbm>>) target(%arg13 : memref<5376xi32, #tpu.memory_space<vmem>>) target_semaphore(%run_scoped3A : memref<!tpu.dma_semaphore, #tpu.memory_space<semaphore_mem>>)
        %dma_wait3A = tpu.memref_slice %arg2[%mul3A_37] : memref<1720320xi32, #tpu.memory_space<hbm>> -> memref<5376xi32, #tpu.memory_space<hbm>>
        %dma_wait3A_53 = tpu.memref_slice %arg2[%mul3A_37] : memref<1720320xi32, #tpu.memory_space<hbm>> -> memref<5376xi32, #tpu.memory_space<hbm>>
        tpu.wait_dma2 semaphore(%run_scoped3A : memref<!tpu.dma_semaphore, #tpu.memory_space<semaphore_mem>>) src(%dma_wait3A_53 : memref<5376xi32, #tpu.memory_space<hbm>>) dst(%arg13 : memref<5376xi32, #tpu.memory_space<vmem>>)
        tpu.yield
      }) : () -> ()
      %mul3A_38 = arith.constant 5376 : i32
      %mul3A_39 = arith.muli %add3A_35, %mul3A_38 : i32
      "tpu.region"() ({
        %run_scoped3A = tpu.sem_alloc : memref<!tpu.dma_semaphore, #tpu.memory_space<semaphore_mem>>
        %dma_start3A = tpu.memref_slice %arg3[%mul3A_39] : memref<1720320xf32, #tpu.memory_space<hbm>> -> memref<5376xf32, #tpu.memory_space<hbm>>
        %dma_start3A_52 = tpu.memref_slice %arg3[%mul3A_39] : memref<1720320xf32, #tpu.memory_space<hbm>> -> memref<5376xf32, #tpu.memory_space<hbm>>
        tpu.enqueue_dma source(%dma_start3A_52 : memref<5376xf32, #tpu.memory_space<hbm>>) target(%arg14 : memref<5376xf32, #tpu.memory_space<vmem>>) target_semaphore(%run_scoped3A : memref<!tpu.dma_semaphore, #tpu.memory_space<semaphore_mem>>)
        %dma_wait3A = tpu.memref_slice %arg3[%mul3A_39] : memref<1720320xf32, #tpu.memory_space<hbm>> -> memref<5376xf32, #tpu.memory_space<hbm>>
        %dma_wait3A_53 = tpu.memref_slice %arg3[%mul3A_39] : memref<1720320xf32, #tpu.memory_space<hbm>> -> memref<5376xf32, #tpu.memory_space<hbm>>
        tpu.wait_dma2 semaphore(%run_scoped3A : memref<!tpu.dma_semaphore, #tpu.memory_space<semaphore_mem>>) src(%dma_wait3A_53 : memref<5376xf32, #tpu.memory_space<hbm>>) dst(%arg14 : memref<5376xf32, #tpu.memory_space<vmem>>)
        tpu.yield
      }) : () -> ()
      %scan3A_40 = arith.constant 0 : i32
      %scan3A_41 = arith.constant 0 : i32
      %scan3A_42 = arith.constant 42 : i32
      %scan3A_43 = arith.addi %scan3A_41, %scan3A_42 : i32
      %scan3A_44 = arith.constant 1 : i32
      scf.for %scan3A_52 = %scan3A_41 to %scan3A_43 step %scan3A_44  : i32 {
        %mul3A_53 = arith.constant 8 : i32
        %mul3A_54 = arith.muli %scan3A_52, %mul3A_53 : i32
        %add3A_55 = arith.constant 0 : i32
        %add3A_56 = arith.addi %mul3A_54, %add3A_55 : i32
        %mul3A_57 = arith.constant 16 : i32
        %mul3A_58 = arith.muli %add3A_56, %mul3A_57 : i32
        %get3A = arith.index_cast %mul3A_58 : i32 to index
        %get3A_59 = tpu.vector_load %arg13[%get3A] {strides = array<i32>} : memref<5376xi32, #tpu.memory_space<vmem>>, vector<16xi32>,
        %ge3A = arith.constant 0 : i32
        %ge3A_60 = vector.broadcast %ge3A : i32 to vector<16xi32>
        %ge3A_61 = arith.cmpi sge, %get3A_59, %ge3A_60 : vector<16xi32>
        %jit3A_62 = arith.constant 0 : i32
        %broadcast_in_dim3A = vector.broadcast %jit3A_62 : i32 to vector<16xi32>
        %select_n3A_63 = arith.select %ge3A_61, %get3A_59, %broadcast_in_dim3A : vector<16xi1>, vector<16xi32>
        %mul3A_64 = arith.constant 16 : i32
        %mul3A_65 = arith.muli %add3A_56, %mul3A_64 : i32
        %add3A_66 = vector.broadcast %mul3A_65 : i32 to vector<16xi32>
        %add3A_67 = arith.addi %iota3A, %add3A_66 : vector<16xi32>
        tpu.vector_store_idx %arg19[%select_n3A_63], %add3A_67 masked %ge3A_61 : memref<512xi32, #tpu.memory_space<vmem>>[vector<16xi32>], vector<16xi32>, vector<16xi1>
        %mul3A_68 = arith.constant 8 : i32
        %mul3A_69 = arith.muli %scan3A_52, %mul3A_68 : i32
        %add3A_70 = arith.constant 1 : i32
        %add3A_71 = arith.addi %mul3A_69, %add3A_70 : i32
        %mul3A_72 = arith.constant 16 : i32
        %mul3A_73 = arith.muli %add3A_71, %mul3A_72 : i32
        %get3A_74 = arith.index_cast %mul3A_73 : i32 to index
        %get3A_75 = tpu.vector_load %arg13[%get3A_74] {strides = array<i32>} : memref<5376xi32, #tpu.memory_space<vmem>>, vector<16xi32>,
        %ge3A_76 = arith.constant 0 : i32
        %ge3A_77 = vector.broadcast %ge3A_76 : i32 to vector<16xi32>
        %ge3A_78 = arith.cmpi sge, %get3A_75, %ge3A_77 : vector<16xi32>
        %jit3A_79 = arith.constant 0 : i32
        %broadcast_in_dim3A_80 = vector.broadcast %jit3A_79 : i32 to vector<16xi32>
        %select_n3A_81 = arith.select %ge3A_78, %get3A_75, %broadcast_in_dim3A_80 : vector<16xi1>, vector<16xi32>
        %mul3A_82 = arith.constant 16 : i32
        %mul3A_83 = arith.muli %add3A_71, %mul3A_82 : i32
        %add3A_84 = vector.broadcast %mul3A_83 : i32 to vector<16xi32>
        %add3A_85 = arith.addi %iota3A, %add3A_84 : vector<16xi32>
        tpu.vector_store_idx %arg19[%select_n3A_81], %add3A_85 masked %ge3A_78 : memref<512xi32, #tpu.memory_space<vmem>>[vector<16xi32>], vector<16xi32>, vector<16xi1>
        %mul3A_86 = arith.constant 8 : i32
        %mul3A_87 = arith.muli %scan3A_52, %mul3A_86 : i32
        %add3A_88 = arith.constant 2 : i32
        %add3A_89 = arith.addi %mul3A_87, %add3A_88 : i32
        %mul3A_90 = arith.constant 16 : i32
        %mul3A_91 = arith.muli %add3A_89, %mul3A_90 : i32
        %get3A_92 = arith.index_cast %mul3A_91 : i32 to index
        %get3A_93 = tpu.vector_load %arg13[%get3A_92] {strides = array<i32>} : memref<5376xi32, #tpu.memory_space<vmem>>, vector<16xi32>,
        %ge3A_94 = arith.constant 0 : i32
        %ge3A_95 = vector.broadcast %ge3A_94 : i32 to vector<16xi32>
        %ge3A_96 = arith.cmpi sge, %get3A_93, %ge3A_95 : vector<16xi32>
        %jit3A_97 = arith.constant 0 : i32
        %broadcast_in_dim3A_98 = vector.broadcast %jit3A_97 : i32 to vector<16xi32>
        %select_n3A_99 = arith.select %ge3A_96, %get3A_93, %broadcast_in_dim3A_98 : vector<16xi1>, vector<16xi32>
        %mul3A_100 = arith.constant 16 : i32
        %mul3A_101 = arith.muli %add3A_89, %mul3A_100 : i32
        %add3A_102 = vector.broadcast %mul3A_101 : i32 to vector<16xi32>
        %add3A_103 = arith.addi %iota3A, %add3A_102 : vector<16xi32>
        tpu.vector_store_idx %arg19[%select_n3A_99], %add3A_103 masked %ge3A_96 : memref<512xi32, #tpu.memory_space<vmem>>[vector<16xi32>], vector<16xi32>, vector<16xi1>
        %mul3A_104 = arith.constant 8 : i32
        %mul3A_105 = arith.muli %scan3A_52, %mul3A_104 : i32
        %add3A_106 = arith.constant 3 : i32
        %add3A_107 = arith.addi %mul3A_105, %add3A_106 : i32
        %mul3A_108 = arith.constant 16 : i32
        %mul3A_109 = arith.muli %add3A_107, %mul3A_108 : i32
        %get3A_110 = arith.index_cast %mul3A_109 : i32 to index
        %get3A_111 = tpu.vector_load %arg13[%get3A_110] {strides = array<i32>} : memref<5376xi32, #tpu.memory_space<vmem>>, vector<16xi32>,
        %ge3A_112 = arith.constant 0 : i32
        %ge3A_113 = vector.broadcast %ge3A_112 : i32 to vector<16xi32>
        %ge3A_114 = arith.cmpi sge, %get3A_111, %ge3A_113 : vector<16xi32>
        %jit3A_115 = arith.constant 0 : i32
        %broadcast_in_dim3A_116 = vector.broadcast %jit3A_115 : i32 to vector<16xi32>
        %select_n3A_117 = arith.select %ge3A_114, %get3A_111, %broadcast_in_dim3A_116 : vector<16xi1>, vector<16xi32>
        %mul3A_118 = arith.constant 16 : i32
        %mul3A_119 = arith.muli %add3A_107, %mul3A_118 : i32
        %add3A_120 = vector.broadcast %mul3A_119 : i32 to vector<16xi32>
        %add3A_121 = arith.addi %iota3A, %add3A_120 : vector<16xi32>
        tpu.vector_store_idx %arg19[%select_n3A_117], %add3A_121 masked %ge3A_114 : memref<512xi32, #tpu.memory_space<vmem>>[vector<16xi32>], vector<16xi32>, vector<16xi1>
        %mul3A_122 = arith.constant 8 : i32
        %mul3A_123 = arith.muli %scan3A_52, %mul3A_122 : i32
        %add3A_124 = arith.constant 4 : i32
        %add3A_125 = arith.addi %mul3A_123, %add3A_124 : i32
        %mul3A_126 = arith.constant 16 : i32
        %mul3A_127 = arith.muli %add3A_125, %mul3A_126 : i32
        %get3A_128 = arith.index_cast %mul3A_127 : i32 to index
        %get3A_129 = tpu.vector_load %arg13[%get3A_128] {strides = array<i32>} : memref<5376xi32, #tpu.memory_space<vmem>>, vector<16xi32>,
        %ge3A_130 = arith.constant 0 : i32
        %ge3A_131 = vector.broadcast %ge3A_130 : i32 to vector<16xi32>
        %ge3A_132 = arith.cmpi sge, %get3A_129, %ge3A_131 : vector<16xi32>
        %jit3A_133 = arith.constant 0 : i32
        %broadcast_in_dim3A_134 = vector.broadcast %jit3A_133 : i32 to vector<16xi32>
        %select_n3A_135 = arith.select %ge3A_132, %get3A_129, %broadcast_in_dim3A_134 : vector<16xi1>, vector<16xi32>
        %mul3A_136 = arith.constant 16 : i32
        %mul3A_137 = arith.muli %add3A_125, %mul3A_136 : i32
        %add3A_138 = vector.broadcast %mul3A_137 : i32 to vector<16xi32>
        %add3A_139 = arith.addi %iota3A, %add3A_138 : vector<16xi32>
        tpu.vector_store_idx %arg19[%select_n3A_135], %add3A_139 masked %ge3A_132 : memref<512xi32, #tpu.memory_space<vmem>>[vector<16xi32>], vector<16xi32>, vector<16xi1>
        %mul3A_140 = arith.constant 8 : i32
        %mul3A_141 = arith.muli %scan3A_52, %mul3A_140 : i32
        %add3A_142 = arith.constant 5 : i32
        %add3A_143 = arith.addi %mul3A_141, %add3A_142 : i32
        %mul3A_144 = arith.constant 16 : i32
        %mul3A_145 = arith.muli %add3A_143, %mul3A_144 : i32
        %get3A_146 = arith.index_cast %mul3A_145 : i32 to index
        %get3A_147 = tpu.vector_load %arg13[%get3A_146] {strides = array<i32>} : memref<5376xi32, #tpu.memory_space<vmem>>, vector<16xi32>,
        %ge3A_148 = arith.constant 0 : i32
        %ge3A_149 = vector.broadcast %ge3A_148 : i32 to vector<16xi32>
        %ge3A_150 = arith.cmpi sge, %get3A_147, %ge3A_149 : vector<16xi32>
        %jit3A_151 = arith.constant 0 : i32
        %broadcast_in_dim3A_152 = vector.broadcast %jit3A_151 : i32 to vector<16xi32>
        %select_n3A_153 = arith.select %ge3A_150, %get3A_147, %broadcast_in_dim3A_152 : vector<16xi1>, vector<16xi32>
        %mul3A_154 = arith.constant 16 : i32
        %mul3A_155 = arith.muli %add3A_143, %mul3A_154 : i32
        %add3A_156 = vector.broadcast %mul3A_155 : i32 to vector<16xi32>
        %add3A_157 = arith.addi %iota3A, %add3A_156 : vector<16xi32>
        tpu.vector_store_idx %arg19[%select_n3A_153], %add3A_157 masked %ge3A_150 : memref<512xi32, #tpu.memory_space<vmem>>[vector<16xi32>], vector<16xi32>, vector<16xi1>
        %mul3A_158 = arith.constant 8 : i32
        %mul3A_159 = arith.muli %scan3A_52, %mul3A_158 : i32
        %add3A_160 = arith.constant 6 : i32
        %add3A_161 = arith.addi %mul3A_159, %add3A_160 : i32
        %mul3A_162 = arith.constant 16 : i32
        %mul3A_163 = arith.muli %add3A_161, %mul3A_162 : i32
        %get3A_164 = arith.index_cast %mul3A_163 : i32 to index
        %get3A_165 = tpu.vector_load %arg13[%get3A_164] {strides = array<i32>} : memref<5376xi32, #tpu.memory_space<vmem>>, vector<16xi32>,
        %ge3A_166 = arith.constant 0 : i32
        %ge3A_167 = vector.broadcast %ge3A_166 : i32 to vector<16xi32>
        %ge3A_168 = arith.cmpi sge, %get3A_165, %ge3A_167 : vector<16xi32>
        %jit3A_169 = arith.constant 0 : i32
        %broadcast_in_dim3A_170 = vector.broadcast %jit3A_169 : i32 to vector<16xi32>
        %select_n3A_171 = arith.select %ge3A_168, %get3A_165, %broadcast_in_dim3A_170 : vector<16xi1>, vector<16xi32>
        %mul3A_172 = arith.constant 16 : i32
        %mul3A_173 = arith.muli %add3A_161, %mul3A_172 : i32
        %add3A_174 = vector.broadcast %mul3A_173 : i32 to vector<16xi32>
        %add3A_175 = arith.addi %iota3A, %add3A_174 : vector<16xi32>
        tpu.vector_store_idx %arg19[%select_n3A_171], %add3A_175 masked %ge3A_168 : memref<512xi32, #tpu.memory_space<vmem>>[vector<16xi32>], vector<16xi32>, vector<16xi1>
        %mul3A_176 = arith.constant 8 : i32
        %mul3A_177 = arith.muli %scan3A_52, %mul3A_176 : i32
        %add3A_178 = arith.constant 7 : i32
        %add3A_179 = arith.addi %mul3A_177, %add3A_178 : i32
        %mul3A_180 = arith.constant 16 : i32
        %mul3A_181 = arith.muli %add3A_179, %mul3A_180 : i32
        %get3A_182 = arith.index_cast %mul3A_181 : i32 to index
        %get3A_183 = tpu.vector_load %arg13[%get3A_182] {strides = array<i32>} : memref<5376xi32, #tpu.memory_space<vmem>>, vector<16xi32>,
        %ge3A_184 = arith.constant 0 : i32
        %ge3A_185 = vector.broadcast %ge3A_184 : i32 to vector<16xi32>
        %ge3A_186 = arith.cmpi sge, %get3A_183, %ge3A_185 : vector<16xi32>
        %jit3A_187 = arith.constant 0 : i32
        %broadcast_in_dim3A_188 = vector.broadcast %jit3A_187 : i32 to vector<16xi32>
        %select_n3A_189 = arith.select %ge3A_186, %get3A_183, %broadcast_in_dim3A_188 : vector<16xi1>, vector<16xi32>
        %mul3A_190 = arith.constant 16 : i32
        %mul3A_191 = arith.muli %add3A_179, %mul3A_190 : i32
        %add3A_192 = vector.broadcast %mul3A_191 : i32 to vector<16xi32>
        %add3A_193 = arith.addi %iota3A, %add3A_192 : vector<16xi32>
        tpu.vector_store_idx %arg19[%select_n3A_189], %add3A_193 masked %ge3A_186 : memref<512xi32, #tpu.memory_space<vmem>>[vector<16xi32>], vector<16xi32>, vector<16xi1>
      }
      %scan3A_45 = arith.constant 42 : i32
      %scan3A_46 = arith.constant 0 : i32
      %scan3A_47 = arith.constant 0 : i32
      %scan3A_48 = arith.constant 4 : i32
      %scan3A_49 = arith.addi %scan3A_47, %scan3A_48 : i32
      %scan3A_50 = arith.constant 1 : i32
      scf.for %scan3A_52 = %scan3A_47 to %scan3A_49 step %scan3A_50  : i32 {
        %mul3A_53 = arith.constant 8 : i32
        %mul3A_54 = arith.muli %scan3A_52, %mul3A_53 : i32
        %add3A_55 = arith.constant 0 : i32
        %add3A_56 = arith.addi %mul3A_54, %add3A_55 : i32
        %mul3A_57 = arith.constant 16 : i32
        %mul3A_58 = arith.muli %add3A_56, %mul3A_57 : i32
        %mul3A_59 = arith.constant 512 : i32
        %mul3A_60 = arith.muli %scan3A_34, %mul3A_59 : i32
        %mul3A_61 = arith.constant 16 : i32
        %mul3A_62 = arith.muli %add3A_56, %mul3A_61 : i32
        %add3A_63 = arith.addi %mul3A_60, %mul3A_62 : i32
        %get3A = arith.index_cast %mul3A_58 : i32 to index
        %get3A_64 = tpu.vector_load %arg19[%get3A] {strides = array<i32>} : memref<512xi32, #tpu.memory_space<vmem>>, vector<16xi32>,
        %gather3A = tpu.vector_load_idx %arg14[%get3A_64] : memref<5376xf32, #tpu.memory_space<vmem>>[vector<16xi32>], vector<16xf32>,
        %swap3A = arith.index_cast %add3A_63 : i32 to index
        %swap3A_65 = tpu.vector_load %arg20[%swap3A] {strides = array<i32>} : memref<5120xf32, #tpu.memory_space<vmem>>, vector<16xf32>,
        tpu.vector_store %arg20[%swap3A], %gather3A {strides = array<i32>} : memref<5120xf32, #tpu.memory_space<vmem>>, vector<16xf32>,
        %gather3A_66 = tpu.vector_load_idx %arg15[%get3A_64] : memref<5376xf32, #tpu.memory_space<vmem>>[vector<16xi32>], vector<16xf32>,
        %swap3A_67 = arith.index_cast %add3A_63 : i32 to index
        %swap3A_68 = tpu.vector_load %arg21[%swap3A_67] {strides = array<i32>} : memref<5120xf32, #tpu.memory_space<vmem>>, vector<16xf32>,
        tpu.vector_store %arg21[%swap3A_67], %gather3A_66 {strides = array<i32>} : memref<5120xf32, #tpu.memory_space<vmem>>, vector<16xf32>,
        %gather3A_69 = tpu.vector_load_idx %arg16[%get3A_64] : memref<5376xf32, #tpu.memory_space<vmem>>[vector<16xi32>], vector<16xf32>,
        %swap3A_70 = arith.index_cast %add3A_63 : i32 to index
        %swap3A_71 = tpu.vector_load %arg22[%swap3A_70] {strides = array<i32>} : memref<5120xf32, #tpu.memory_space<vmem>>, vector<16xf32>,
        tpu.vector_store %arg22[%swap3A_70], %gather3A_69 {strides = array<i32>} : memref<5120xf32, #tpu.memory_space<vmem>>, vector<16xf32>,
        %gather3A_72 = tpu.vector_load_idx %arg17[%get3A_64] : memref<5376xf32, #tpu.memory_space<vmem>>[vector<16xi32>], vector<16xf32>,
        %swap3A_73 = arith.index_cast %add3A_63 : i32 to index
        %swap3A_74 = tpu.vector_load %arg23[%swap3A_73] {strides = array<i32>} : memref<5120xf32, #tpu.memory_space<vmem>>, vector<16xf32>,
        tpu.vector_store %arg23[%swap3A_73], %gather3A_72 {strides = array<i32>} : memref<5120xf32, #tpu.memory_space<vmem>>, vector<16xf32>,
        %gather3A_75 = tpu.vector_load_idx %arg18[%get3A_64] : memref<5376xf32, #tpu.memory_space<vmem>>[vector<16xi32>], vector<16xf32>,
        %swap3A_76 = arith.index_cast %add3A_63 : i32 to index
        %swap3A_77 = tpu.vector_load %arg24[%swap3A_76] {strides = array<i32>} : memref<5120xf32, #tpu.memory_space<vmem>>, vector<16xf32>,
        tpu.vector_store %arg24[%swap3A_76], %gather3A_75 {strides = array<i32>} : memref<5120xf32, #tpu.memory_space<vmem>>, vector<16xf32>,
        %mul3A_78 = arith.constant 8 : i32
        %mul3A_79 = arith.muli %scan3A_52, %mul3A_78 : i32
        %add3A_80 = arith.constant 1 : i32
        %add3A_81 = arith.addi %mul3A_79, %add3A_80 : i32
        %mul3A_82 = arith.constant 16 : i32
        %mul3A_83 = arith.muli %add3A_81, %mul3A_82 : i32
        %mul3A_84 = arith.constant 512 : i32
        %mul3A_85 = arith.muli %scan3A_34, %mul3A_84 : i32
        %mul3A_86 = arith.constant 16 : i32
        %mul3A_87 = arith.muli %add3A_81, %mul3A_86 : i32
        %add3A_88 = arith.addi %mul3A_85, %mul3A_87 : i32
        %get3A_89 = arith.index_cast %mul3A_83 : i32 to index
        %get3A_90 = tpu.vector_load %arg19[%get3A_89] {strides = array<i32>} : memref<512xi32, #tpu.memory_space<vmem>>, vector<16xi32>,
        %gather3A_91 = tpu.vector_load_idx %arg14[%get3A_90] : memref<5376xf32, #tpu.memory_space<vmem>>[vector<16xi32>], vector<16xf32>,
        %swap3A_92 = arith.index_cast %add3A_88 : i32 to index
        %swap3A_93 = tpu.vector_load %arg20[%swap3A_92] {strides = array<i32>} : memref<5120xf32, #tpu.memory_space<vmem>>, vector<16xf32>,
        tpu.vector_store %arg20[%swap3A_92], %gather3A_91 {strides = array<i32>} : memref<5120xf32, #tpu.memory_space<vmem>>, vector<16xf32>,
        %gather3A_94 = tpu.vector_load_idx %arg15[%get3A_90] : memref<5376xf32, #tpu.memory_space<vmem>>[vector<16xi32>], vector<16xf32>,
        %swap3A_95 = arith.index_cast %add3A_88 : i32 to index
        %swap3A_96 = tpu.vector_load %arg21[%swap3A_95] {strides = array<i32>} : memref<5120xf32, #tpu.memory_space<vmem>>, vector<16xf32>,
        tpu.vector_store %arg21[%swap3A_95], %gather3A_94 {strides = array<i32>} : memref<5120xf32, #tpu.memory_space<vmem>>, vector<16xf32>,
        %gather3A_97 = tpu.vector_load_idx %arg16[%get3A_90] : memref<5376xf32, #tpu.memory_space<vmem>>[vector<16xi32>], vector<16xf32>,
        %swap3A_98 = arith.index_cast %add3A_88 : i32 to index
        %swap3A_99 = tpu.vector_load %arg22[%swap3A_98] {strides = array<i32>} : memref<5120xf32, #tpu.memory_space<vmem>>, vector<16xf32>,
        tpu.vector_store %arg22[%swap3A_98], %gather3A_97 {strides = array<i32>} : memref<5120xf32, #tpu.memory_space<vmem>>, vector<16xf32>,
        %gather3A_100 = tpu.vector_load_idx %arg17[%get3A_90] : memref<5376xf32, #tpu.memory_space<vmem>>[vector<16xi32>], vector<16xf32>,
        %swap3A_101 = arith.index_cast %add3A_88 : i32 to index
        %swap3A_102 = tpu.vector_load %arg23[%swap3A_101] {strides = array<i32>} : memref<5120xf32, #tpu.memory_space<vmem>>, vector<16xf32>,
        tpu.vector_store %arg23[%swap3A_101], %gather3A_100 {strides = array<i32>} : memref<5120xf32, #tpu.memory_space<vmem>>, vector<16xf32>,
        %gather3A_103 = tpu.vector_load_idx %arg18[%get3A_90] : memref<5376xf32, #tpu.memory_space<vmem>>[vector<16xi32>], vector<16xf32>,
        %swap3A_104 = arith.index_cast %add3A_88 : i32 to index
        %swap3A_105 = tpu.vector_load %arg24[%swap3A_104] {strides = array<i32>} : memref<5120xf32, #tpu.memory_space<vmem>>, vector<16xf32>,
        tpu.vector_store %arg24[%swap3A_104], %gather3A_103 {strides = array<i32>} : memref<5120xf32, #tpu.memory_space<vmem>>, vector<16xf32>,
        %mul3A_106 = arith.constant 8 : i32
        %mul3A_107 = arith.muli %scan3A_52, %mul3A_106 : i32
        %add3A_108 = arith.constant 2 : i32
        %add3A_109 = arith.addi %mul3A_107, %add3A_108 : i32
        %mul3A_110 = arith.constant 16 : i32
        %mul3A_111 = arith.muli %add3A_109, %mul3A_110 : i32
        %mul3A_112 = arith.constant 512 : i32
        %mul3A_113 = arith.muli %scan3A_34, %mul3A_112 : i32
        %mul3A_114 = arith.constant 16 : i32
        %mul3A_115 = arith.muli %add3A_109, %mul3A_114 : i32
        %add3A_116 = arith.addi %mul3A_113, %mul3A_115 : i32
        %get3A_117 = arith.index_cast %mul3A_111 : i32 to index
        %get3A_118 = tpu.vector_load %arg19[%get3A_117] {strides = array<i32>} : memref<512xi32, #tpu.memory_space<vmem>>, vector<16xi32>,
        %gather3A_119 = tpu.vector_load_idx %arg14[%get3A_118] : memref<5376xf32, #tpu.memory_space<vmem>>[vector<16xi32>], vector<16xf32>,
        %swap3A_120 = arith.index_cast %add3A_116 : i32 to index
        %swap3A_121 = tpu.vector_load %arg20[%swap3A_120] {strides = array<i32>} : memref<5120xf32, #tpu.memory_space<vmem>>, vector<16xf32>,
        tpu.vector_store %arg20[%swap3A_120], %gather3A_119 {strides = array<i32>} : memref<5120xf32, #tpu.memory_space<vmem>>, vector<16xf32>,
        %gather3A_122 = tpu.vector_load_idx %arg15[%get3A_118] : memref<5376xf32, #tpu.memory_space<vmem>>[vector<16xi32>], vector<16xf32>,
        %swap3A_123 = arith.index_cast %add3A_116 : i32 to index
        %swap3A_124 = tpu.vector_load %arg21[%swap3A_123] {strides = array<i32>} : memref<5120xf32, #tpu.memory_space<vmem>>, vector<16xf32>,
        tpu.vector_store %arg21[%swap3A_123], %gather3A_122 {strides = array<i32>} : memref<5120xf32, #tpu.memory_space<vmem>>, vector<16xf32>,
        %gather3A_125 = tpu.vector_load_idx %arg16[%get3A_118] : memref<5376xf32, #tpu.memory_space<vmem>>[vector<16xi32>], vector<16xf32>,
        %swap3A_126 = arith.index_cast %add3A_116 : i32 to index
        %swap3A_127 = tpu.vector_load %arg22[%swap3A_126] {strides = array<i32>} : memref<5120xf32, #tpu.memory_space<vmem>>, vector<16xf32>,
        tpu.vector_store %arg22[%swap3A_126], %gather3A_125 {strides = array<i32>} : memref<5120xf32, #tpu.memory_space<vmem>>, vector<16xf32>,
        %gather3A_128 = tpu.vector_load_idx %arg17[%get3A_118] : memref<5376xf32, #tpu.memory_space<vmem>>[vector<16xi32>], vector<16xf32>,
        %swap3A_129 = arith.index_cast %add3A_116 : i32 to index
        %swap3A_130 = tpu.vector_load %arg23[%swap3A_129] {strides = array<i32>} : memref<5120xf32, #tpu.memory_space<vmem>>, vector<16xf32>,
        tpu.vector_store %arg23[%swap3A_129], %gather3A_128 {strides = array<i32>} : memref<5120xf32, #tpu.memory_space<vmem>>, vector<16xf32>,
        %gather3A_131 = tpu.vector_load_idx %arg18[%get3A_118] : memref<5376xf32, #tpu.memory_space<vmem>>[vector<16xi32>], vector<16xf32>,
        %swap3A_132 = arith.index_cast %add3A_116 : i32 to index
        %swap3A_133 = tpu.vector_load %arg24[%swap3A_132] {strides = array<i32>} : memref<5120xf32, #tpu.memory_space<vmem>>, vector<16xf32>,
        tpu.vector_store %arg24[%swap3A_132], %gather3A_131 {strides = array<i32>} : memref<5120xf32, #tpu.memory_space<vmem>>, vector<16xf32>,
        %mul3A_134 = arith.constant 8 : i32
        %mul3A_135 = arith.muli %scan3A_52, %mul3A_134 : i32
        %add3A_136 = arith.constant 3 : i32
        %add3A_137 = arith.addi %mul3A_135, %add3A_136 : i32
        %mul3A_138 = arith.constant 16 : i32
        %mul3A_139 = arith.muli %add3A_137, %mul3A_138 : i32
        %mul3A_140 = arith.constant 512 : i32
        %mul3A_141 = arith.muli %scan3A_34, %mul3A_140 : i32
        %mul3A_142 = arith.constant 16 : i32
        %mul3A_143 = arith.muli %add3A_137, %mul3A_142 : i32
        %add3A_144 = arith.addi %mul3A_141, %mul3A_143 : i32
        %get3A_145 = arith.index_cast %mul3A_139 : i32 to index
        %get3A_146 = tpu.vector_load %arg19[%get3A_145] {strides = array<i32>} : memref<512xi32, #tpu.memory_space<vmem>>, vector<16xi32>,
        %gather3A_147 = tpu.vector_load_idx %arg14[%get3A_146] : memref<5376xf32, #tpu.memory_space<vmem>>[vector<16xi32>], vector<16xf32>,
        %swap3A_148 = arith.index_cast %add3A_144 : i32 to index
        %swap3A_149 = tpu.vector_load %arg20[%swap3A_148] {strides = array<i32>} : memref<5120xf32, #tpu.memory_space<vmem>>, vector<16xf32>,
        tpu.vector_store %arg20[%swap3A_148], %gather3A_147 {strides = array<i32>} : memref<5120xf32, #tpu.memory_space<vmem>>, vector<16xf32>,
        %gather3A_150 = tpu.vector_load_idx %arg15[%get3A_146] : memref<5376xf32, #tpu.memory_space<vmem>>[vector<16xi32>], vector<16xf32>,
        %swap3A_151 = arith.index_cast %add3A_144 : i32 to index
        %swap3A_152 = tpu.vector_load %arg21[%swap3A_151] {strides = array<i32>} : memref<5120xf32, #tpu.memory_space<vmem>>, vector<16xf32>,
        tpu.vector_store %arg21[%swap3A_151], %gather3A_150 {strides = array<i32>} : memref<5120xf32, #tpu.memory_space<vmem>>, vector<16xf32>,
        %gather3A_153 = tpu.vector_load_idx %arg16[%get3A_146] : memref<5376xf32, #tpu.memory_space<vmem>>[vector<16xi32>], vector<16xf32>,
        %swap3A_154 = arith.index_cast %add3A_144 : i32 to index
        %swap3A_155 = tpu.vector_load %arg22[%swap3A_154] {strides = array<i32>} : memref<5120xf32, #tpu.memory_space<vmem>>, vector<16xf32>,
        tpu.vector_store %arg22[%swap3A_154], %gather3A_153 {strides = array<i32>} : memref<5120xf32, #tpu.memory_space<vmem>>, vector<16xf32>,
        %gather3A_156 = tpu.vector_load_idx %arg17[%get3A_146] : memref<5376xf32, #tpu.memory_space<vmem>>[vector<16xi32>], vector<16xf32>,
        %swap3A_157 = arith.index_cast %add3A_144 : i32 to index
        %swap3A_158 = tpu.vector_load %arg23[%swap3A_157] {strides = array<i32>} : memref<5120xf32, #tpu.memory_space<vmem>>, vector<16xf32>,
        tpu.vector_store %arg23[%swap3A_157], %gather3A_156 {strides = array<i32>} : memref<5120xf32, #tpu.memory_space<vmem>>, vector<16xf32>,
        %gather3A_159 = tpu.vector_load_idx %arg18[%get3A_146] : memref<5376xf32, #tpu.memory_space<vmem>>[vector<16xi32>], vector<16xf32>,
        %swap3A_160 = arith.index_cast %add3A_144 : i32 to index
        %swap3A_161 = tpu.vector_load %arg24[%swap3A_160] {strides = array<i32>} : memref<5120xf32, #tpu.memory_space<vmem>>, vector<16xf32>,
        tpu.vector_store %arg24[%swap3A_160], %gather3A_159 {strides = array<i32>} : memref<5120xf32, #tpu.memory_space<vmem>>, vector<16xf32>,
        %mul3A_162 = arith.constant 8 : i32
        %mul3A_163 = arith.muli %scan3A_52, %mul3A_162 : i32
        %add3A_164 = arith.constant 4 : i32
        %add3A_165 = arith.addi %mul3A_163, %add3A_164 : i32
        %mul3A_166 = arith.constant 16 : i32
        %mul3A_167 = arith.muli %add3A_165, %mul3A_166 : i32
        %mul3A_168 = arith.constant 512 : i32
        %mul3A_169 = arith.muli %scan3A_34, %mul3A_168 : i32
        %mul3A_170 = arith.constant 16 : i32
        %mul3A_171 = arith.muli %add3A_165, %mul3A_170 : i32
        %add3A_172 = arith.addi %mul3A_169, %mul3A_171 : i32
        %get3A_173 = arith.index_cast %mul3A_167 : i32 to index
        %get3A_174 = tpu.vector_load %arg19[%get3A_173] {strides = array<i32>} : memref<512xi32, #tpu.memory_space<vmem>>, vector<16xi32>,
        %gather3A_175 = tpu.vector_load_idx %arg14[%get3A_174] : memref<5376xf32, #tpu.memory_space<vmem>>[vector<16xi32>], vector<16xf32>,
        %swap3A_176 = arith.index_cast %add3A_172 : i32 to index
        %swap3A_177 = tpu.vector_load %arg20[%swap3A_176] {strides = array<i32>} : memref<5120xf32, #tpu.memory_space<vmem>>, vector<16xf32>,
        tpu.vector_store %arg20[%swap3A_176], %gather3A_175 {strides = array<i32>} : memref<5120xf32, #tpu.memory_space<vmem>>, vector<16xf32>,
        %gather3A_178 = tpu.vector_load_idx %arg15[%get3A_174] : memref<5376xf32, #tpu.memory_space<vmem>>[vector<16xi32>], vector<16xf32>,
        %swap3A_179 = arith.index_cast %add3A_172 : i32 to index
        %swap3A_180 = tpu.vector_load %arg21[%swap3A_179] {strides = array<i32>} : memref<5120xf32, #tpu.memory_space<vmem>>, vector<16xf32>,
        tpu.vector_store %arg21[%swap3A_179], %gather3A_178 {strides = array<i32>} : memref<5120xf32, #tpu.memory_space<vmem>>, vector<16xf32>,
        %gather3A_181 = tpu.vector_load_idx %arg16[%get3A_174] : memref<5376xf32, #tpu.memory_space<vmem>>[vector<16xi32>], vector<16xf32>,
        %swap3A_182 = arith.index_cast %add3A_172 : i32 to index
        %swap3A_183 = tpu.vector_load %arg22[%swap3A_182] {strides = array<i32>} : memref<5120xf32, #tpu.memory_space<vmem>>, vector<16xf32>,
        tpu.vector_store %arg22[%swap3A_182], %gather3A_181 {strides = array<i32>} : memref<5120xf32, #tpu.memory_space<vmem>>, vector<16xf32>,
        %gather3A_184 = tpu.vector_load_idx %arg17[%get3A_174] : memref<5376xf32, #tpu.memory_space<vmem>>[vector<16xi32>], vector<16xf32>,
        %swap3A_185 = arith.index_cast %add3A_172 : i32 to index
        %swap3A_186 = tpu.vector_load %arg23[%swap3A_185] {strides = array<i32>} : memref<5120xf32, #tpu.memory_space<vmem>>, vector<16xf32>,
        tpu.vector_store %arg23[%swap3A_185], %gather3A_184 {strides = array<i32>} : memref<5120xf32, #tpu.memory_space<vmem>>, vector<16xf32>,
        %gather3A_187 = tpu.vector_load_idx %arg18[%get3A_174] : memref<5376xf32, #tpu.memory_space<vmem>>[vector<16xi32>], vector<16xf32>,
        %swap3A_188 = arith.index_cast %add3A_172 : i32 to index
        %swap3A_189 = tpu.vector_load %arg24[%swap3A_188] {strides = array<i32>} : memref<5120xf32, #tpu.memory_space<vmem>>, vector<16xf32>,
        tpu.vector_store %arg24[%swap3A_188], %gather3A_187 {strides = array<i32>} : memref<5120xf32, #tpu.memory_space<vmem>>, vector<16xf32>,
        %mul3A_190 = arith.constant 8 : i32
        %mul3A_191 = arith.muli %scan3A_52, %mul3A_190 : i32
        %add3A_192 = arith.constant 5 : i32
        %add3A_193 = arith.addi %mul3A_191, %add3A_192 : i32
        %mul3A_194 = arith.constant 16 : i32
        %mul3A_195 = arith.muli %add3A_193, %mul3A_194 : i32
        %mul3A_196 = arith.constant 512 : i32
        %mul3A_197 = arith.muli %scan3A_34, %mul3A_196 : i32
        %mul3A_198 = arith.constant 16 : i32
        %mul3A_199 = arith.muli %add3A_193, %mul3A_198 : i32
        %add3A_200 = arith.addi %mul3A_197, %mul3A_199 : i32
        %get3A_201 = arith.index_cast %mul3A_195 : i32 to index
        %get3A_202 = tpu.vector_load %arg19[%get3A_201] {strides = array<i32>} : memref<512xi32, #tpu.memory_space<vmem>>, vector<16xi32>,
        %gather3A_203 = tpu.vector_load_idx %arg14[%get3A_202] : memref<5376xf32, #tpu.memory_space<vmem>>[vector<16xi32>], vector<16xf32>,
        %swap3A_204 = arith.index_cast %add3A_200 : i32 to index
        %swap3A_205 = tpu.vector_load %arg20[%swap3A_204] {strides = array<i32>} : memref<5120xf32, #tpu.memory_space<vmem>>, vector<16xf32>,
        tpu.vector_store %arg20[%swap3A_204], %gather3A_203 {strides = array<i32>} : memref<5120xf32, #tpu.memory_space<vmem>>, vector<16xf32>,
        %gather3A_206 = tpu.vector_load_idx %arg15[%get3A_202] : memref<5376xf32, #tpu.memory_space<vmem>>[vector<16xi32>], vector<16xf32>,
        %swap3A_207 = arith.index_cast %add3A_200 : i32 to index
        %swap3A_208 = tpu.vector_load %arg21[%swap3A_207] {strides = array<i32>} : memref<5120xf32, #tpu.memory_space<vmem>>, vector<16xf32>,
        tpu.vector_store %arg21[%swap3A_207], %gather3A_206 {strides = array<i32>} : memref<5120xf32, #tpu.memory_space<vmem>>, vector<16xf32>,
        %gather3A_209 = tpu.vector_load_idx %arg16[%get3A_202] : memref<5376xf32, #tpu.memory_space<vmem>>[vector<16xi32>], vector<16xf32>,
        %swap3A_210 = arith.index_cast %add3A_200 : i32 to index
        %swap3A_211 = tpu.vector_load %arg22[%swap3A_210] {strides = array<i32>} : memref<5120xf32, #tpu.memory_space<vmem>>, vector<16xf32>,
        tpu.vector_store %arg22[%swap3A_210], %gather3A_209 {strides = array<i32>} : memref<5120xf32, #tpu.memory_space<vmem>>, vector<16xf32>,
        %gather3A_212 = tpu.vector_load_idx %arg17[%get3A_202] : memref<5376xf32, #tpu.memory_space<vmem>>[vector<16xi32>], vector<16xf32>,
        %swap3A_213 = arith.index_cast %add3A_200 : i32 to index
        %swap3A_214 = tpu.vector_load %arg23[%swap3A_213] {strides = array<i32>} : memref<5120xf32, #tpu.memory_space<vmem>>, vector<16xf32>,
        tpu.vector_store %arg23[%swap3A_213], %gather3A_212 {strides = array<i32>} : memref<5120xf32, #tpu.memory_space<vmem>>, vector<16xf32>,
        %gather3A_215 = tpu.vector_load_idx %arg18[%get3A_202] : memref<5376xf32, #tpu.memory_space<vmem>>[vector<16xi32>], vector<16xf32>,
        %swap3A_216 = arith.index_cast %add3A_200 : i32 to index
        %swap3A_217 = tpu.vector_load %arg24[%swap3A_216] {strides = array<i32>} : memref<5120xf32, #tpu.memory_space<vmem>>, vector<16xf32>,
        tpu.vector_store %arg24[%swap3A_216], %gather3A_215 {strides = array<i32>} : memref<5120xf32, #tpu.memory_space<vmem>>, vector<16xf32>,
        %mul3A_218 = arith.constant 8 : i32
        %mul3A_219 = arith.muli %scan3A_52, %mul3A_218 : i32
        %add3A_220 = arith.constant 6 : i32
        %add3A_221 = arith.addi %mul3A_219, %add3A_220 : i32
        %mul3A_222 = arith.constant 16 : i32
        %mul3A_223 = arith.muli %add3A_221, %mul3A_222 : i32
        %mul3A_224 = arith.constant 512 : i32
        %mul3A_225 = arith.muli %scan3A_34, %mul3A_224 : i32
        %mul3A_226 = arith.constant 16 : i32
        %mul3A_227 = arith.muli %add3A_221, %mul3A_226 : i32
        %add3A_228 = arith.addi %mul3A_225, %mul3A_227 : i32
        %get3A_229 = arith.index_cast %mul3A_223 : i32 to index
        %get3A_230 = tpu.vector_load %arg19[%get3A_229] {strides = array<i32>} : memref<512xi32, #tpu.memory_space<vmem>>, vector<16xi32>,
        %gather3A_231 = tpu.vector_load_idx %arg14[%get3A_230] : memref<5376xf32, #tpu.memory_space<vmem>>[vector<16xi32>], vector<16xf32>,
        %swap3A_232 = arith.index_cast %add3A_228 : i32 to index
        %swap3A_233 = tpu.vector_load %arg20[%swap3A_232] {strides = array<i32>} : memref<5120xf32, #tpu.memory_space<vmem>>, vector<16xf32>,
        tpu.vector_store %arg20[%swap3A_232], %gather3A_231 {strides = array<i32>} : memref<5120xf32, #tpu.memory_space<vmem>>, vector<16xf32>,
        %gather3A_234 = tpu.vector_load_idx %arg15[%get3A_230] : memref<5376xf32, #tpu.memory_space<vmem>>[vector<16xi32>], vector<16xf32>,
        %swap3A_235 = arith.index_cast %add3A_228 : i32 to index
        %swap3A_236 = tpu.vector_load %arg21[%swap3A_235] {strides = array<i32>} : memref<5120xf32, #tpu.memory_space<vmem>>, vector<16xf32>,
        tpu.vector_store %arg21[%swap3A_235], %gather3A_234 {strides = array<i32>} : memref<5120xf32, #tpu.memory_space<vmem>>, vector<16xf32>,
        %gather3A_237 = tpu.vector_load_idx %arg16[%get3A_230] : memref<5376xf32, #tpu.memory_space<vmem>>[vector<16xi32>], vector<16xf32>,
        %swap3A_238 = arith.index_cast %add3A_228 : i32 to index
        %swap3A_239 = tpu.vector_load %arg22[%swap3A_238] {strides = array<i32>} : memref<5120xf32, #tpu.memory_space<vmem>>, vector<16xf32>,
        tpu.vector_store %arg22[%swap3A_238], %gather3A_237 {strides = array<i32>} : memref<5120xf32, #tpu.memory_space<vmem>>, vector<16xf32>,
        %gather3A_240 = tpu.vector_load_idx %arg17[%get3A_230] : memref<5376xf32, #tpu.memory_space<vmem>>[vector<16xi32>], vector<16xf32>,
        %swap3A_241 = arith.index_cast %add3A_228 : i32 to index
        %swap3A_242 = tpu.vector_load %arg23[%swap3A_241] {strides = array<i32>} : memref<5120xf32, #tpu.memory_space<vmem>>, vector<16xf32>,
        tpu.vector_store %arg23[%swap3A_241], %gather3A_240 {strides = array<i32>} : memref<5120xf32, #tpu.memory_space<vmem>>, vector<16xf32>,
        %gather3A_243 = tpu.vector_load_idx %arg18[%get3A_230] : memref<5376xf32, #tpu.memory_space<vmem>>[vector<16xi32>], vector<16xf32>,
        %swap3A_244 = arith.index_cast %add3A_228 : i32 to index
        %swap3A_245 = tpu.vector_load %arg24[%swap3A_244] {strides = array<i32>} : memref<5120xf32, #tpu.memory_space<vmem>>, vector<16xf32>,
        tpu.vector_store %arg24[%swap3A_244], %gather3A_243 {strides = array<i32>} : memref<5120xf32, #tpu.memory_space<vmem>>, vector<16xf32>,
        %mul3A_246 = arith.constant 8 : i32
        %mul3A_247 = arith.muli %scan3A_52, %mul3A_246 : i32
        %add3A_248 = arith.constant 7 : i32
        %add3A_249 = arith.addi %mul3A_247, %add3A_248 : i32
        %mul3A_250 = arith.constant 16 : i32
        %mul3A_251 = arith.muli %add3A_249, %mul3A_250 : i32
        %mul3A_252 = arith.constant 512 : i32
        %mul3A_253 = arith.muli %scan3A_34, %mul3A_252 : i32
        %mul3A_254 = arith.constant 16 : i32
        %mul3A_255 = arith.muli %add3A_249, %mul3A_254 : i32
        %add3A_256 = arith.addi %mul3A_253, %mul3A_255 : i32
        %get3A_257 = arith.index_cast %mul3A_251 : i32 to index
        %get3A_258 = tpu.vector_load %arg19[%get3A_257] {strides = array<i32>} : memref<512xi32, #tpu.memory_space<vmem>>, vector<16xi32>,
        %gather3A_259 = tpu.vector_load_idx %arg14[%get3A_258] : memref<5376xf32, #tpu.memory_space<vmem>>[vector<16xi32>], vector<16xf32>,
        %swap3A_260 = arith.index_cast %add3A_256 : i32 to index
        %swap3A_261 = tpu.vector_load %arg20[%swap3A_260] {strides = array<i32>} : memref<5120xf32, #tpu.memory_space<vmem>>, vector<16xf32>,
        tpu.vector_store %arg20[%swap3A_260], %gather3A_259 {strides = array<i32>} : memref<5120xf32, #tpu.memory_space<vmem>>, vector<16xf32>,
        %gather3A_262 = tpu.vector_load_idx %arg15[%get3A_258] : memref<5376xf32, #tpu.memory_space<vmem>>[vector<16xi32>], vector<16xf32>,
        %swap3A_263 = arith.index_cast %add3A_256 : i32 to index
        %swap3A_264 = tpu.vector_load %arg21[%swap3A_263] {strides = array<i32>} : memref<5120xf32, #tpu.memory_space<vmem>>, vector<16xf32>,
        tpu.vector_store %arg21[%swap3A_263], %gather3A_262 {strides = array<i32>} : memref<5120xf32, #tpu.memory_space<vmem>>, vector<16xf32>,
        %gather3A_265 = tpu.vector_load_idx %arg16[%get3A_258] : memref<5376xf32, #tpu.memory_space<vmem>>[vector<16xi32>], vector<16xf32>,
        %swap3A_266 = arith.index_cast %add3A_256 : i32 to index
        %swap3A_267 = tpu.vector_load %arg22[%swap3A_266] {strides = array<i32>} : memref<5120xf32, #tpu.memory_space<vmem>>, vector<16xf32>,
        tpu.vector_store %arg22[%swap3A_266], %gather3A_265 {strides = array<i32>} : memref<5120xf32, #tpu.memory_space<vmem>>, vector<16xf32>,
        %gather3A_268 = tpu.vector_load_idx %arg17[%get3A_258] : memref<5376xf32, #tpu.memory_space<vmem>>[vector<16xi32>], vector<16xf32>,
        %swap3A_269 = arith.index_cast %add3A_256 : i32 to index
        %swap3A_270 = tpu.vector_load %arg23[%swap3A_269] {strides = array<i32>} : memref<5120xf32, #tpu.memory_space<vmem>>, vector<16xf32>,
        tpu.vector_store %arg23[%swap3A_269], %gather3A_268 {strides = array<i32>} : memref<5120xf32, #tpu.memory_space<vmem>>, vector<16xf32>,
        %gather3A_271 = tpu.vector_load_idx %arg18[%get3A_258] : memref<5376xf32, #tpu.memory_space<vmem>>[vector<16xi32>], vector<16xf32>,
        %swap3A_272 = arith.index_cast %add3A_256 : i32 to index
        %swap3A_273 = tpu.vector_load %arg24[%swap3A_272] {strides = array<i32>} : memref<5120xf32, #tpu.memory_space<vmem>>, vector<16xf32>,
        tpu.vector_store %arg24[%swap3A_272], %gather3A_271 {strides = array<i32>} : memref<5120xf32, #tpu.memory_space<vmem>>, vector<16xf32>,
      }
      %scan3A_51 = arith.constant 4 : i32
    }
    %scan3A_31 = arith.constant 10 : i32
    %mul3A_32 = arith.constant 512 : i32
    %mul3A_33 = arith.muli %mul3A_2, %mul3A_32 : i32
    "tpu.region"() ({
      %run_scoped3A = tpu.sem_alloc : memref<!tpu.dma_semaphore, #tpu.memory_space<semaphore_mem>>
      %dma_start3A = tpu.memref_slice %arg8[%mul3A_33] : memref<163840xf32, #tpu.memory_space<hbm>> -> memref<5120xf32, #tpu.memory_space<hbm>>
      %dma_start3A_34 = tpu.memref_slice %arg8[%mul3A_33] : memref<163840xf32, #tpu.memory_space<hbm>> -> memref<5120xf32, #tpu.memory_space<hbm>>
      tpu.enqueue_dma source(%arg20 : memref<5120xf32, #tpu.memory_space<vmem>>) target(%dma_start3A_34 : memref<5120xf32, #tpu.memory_space<hbm>>) target_semaphore(%run_scoped3A : memref<!tpu.dma_semaphore, #tpu.memory_space<semaphore_mem>>)
      %dma_wait3A = tpu.memref_slice %arg8[%mul3A_33] : memref<163840xf32, #tpu.memory_space<hbm>> -> memref<5120xf32, #tpu.memory_space<hbm>>
      %dma_wait3A_35 = tpu.memref_slice %arg8[%mul3A_33] : memref<163840xf32, #tpu.memory_space<hbm>> -> memref<5120xf32, #tpu.memory_space<hbm>>
      tpu.wait_dma2 semaphore(%run_scoped3A : memref<!tpu.dma_semaphore, #tpu.memory_space<semaphore_mem>>) src(%arg20 : memref<5120xf32, #tpu.memory_space<vmem>>) dst(%dma_wait3A_35 : memref<5120xf32, #tpu.memory_space<hbm>>)
      tpu.yield
    }) : () -> ()
    "tpu.region"() ({
      %run_scoped3A = tpu.sem_alloc : memref<!tpu.dma_semaphore, #tpu.memory_space<semaphore_mem>>
      %dma_start3A = tpu.memref_slice %arg9[%mul3A_33] : memref<163840xf32, #tpu.memory_space<hbm>> -> memref<5120xf32, #tpu.memory_space<hbm>>
      %dma_start3A_34 = tpu.memref_slice %arg9[%mul3A_33] : memref<163840xf32, #tpu.memory_space<hbm>> -> memref<5120xf32, #tpu.memory_space<hbm>>
      tpu.enqueue_dma source(%arg21 : memref<5120xf32, #tpu.memory_space<vmem>>) target(%dma_start3A_34 : memref<5120xf32, #tpu.memory_space<hbm>>) target_semaphore(%run_scoped3A : memref<!tpu.dma_semaphore, #tpu.memory_space<semaphore_mem>>)
      %dma_wait3A = tpu.memref_slice %arg9[%mul3A_33] : memref<163840xf32, #tpu.memory_space<hbm>> -> memref<5120xf32, #tpu.memory_space<hbm>>
      %dma_wait3A_35 = tpu.memref_slice %arg9[%mul3A_33] : memref<163840xf32, #tpu.memory_space<hbm>> -> memref<5120xf32, #tpu.memory_space<hbm>>
      tpu.wait_dma2 semaphore(%run_scoped3A : memref<!tpu.dma_semaphore, #tpu.memory_space<semaphore_mem>>) src(%arg21 : memref<5120xf32, #tpu.memory_space<vmem>>) dst(%dma_wait3A_35 : memref<5120xf32, #tpu.memory_space<hbm>>)
      tpu.yield
    }) : () -> ()
    "tpu.region"() ({
      %run_scoped3A = tpu.sem_alloc : memref<!tpu.dma_semaphore, #tpu.memory_space<semaphore_mem>>
      %dma_start3A = tpu.memref_slice %arg10[%mul3A_33] : memref<163840xf32, #tpu.memory_space<hbm>> -> memref<5120xf32, #tpu.memory_space<hbm>>
      %dma_start3A_34 = tpu.memref_slice %arg10[%mul3A_33] : memref<163840xf32, #tpu.memory_space<hbm>> -> memref<5120xf32, #tpu.memory_space<hbm>>
      tpu.enqueue_dma source(%arg22 : memref<5120xf32, #tpu.memory_space<vmem>>) target(%dma_start3A_34 : memref<5120xf32, #tpu.memory_space<hbm>>) target_semaphore(%run_scoped3A : memref<!tpu.dma_semaphore, #tpu.memory_space<semaphore_mem>>)
      %dma_wait3A = tpu.memref_slice %arg10[%mul3A_33] : memref<163840xf32, #tpu.memory_space<hbm>> -> memref<5120xf32, #tpu.memory_space<hbm>>
      %dma_wait3A_35 = tpu.memref_slice %arg10[%mul3A_33] : memref<163840xf32, #tpu.memory_space<hbm>> -> memref<5120xf32, #tpu.memory_space<hbm>>
      tpu.wait_dma2 semaphore(%run_scoped3A : memref<!tpu.dma_semaphore, #tpu.memory_space<semaphore_mem>>) src(%arg22 : memref<5120xf32, #tpu.memory_space<vmem>>) dst(%dma_wait3A_35 : memref<5120xf32, #tpu.memory_space<hbm>>)
      tpu.yield
    }) : () -> ()
    "tpu.region"() ({
      %run_scoped3A = tpu.sem_alloc : memref<!tpu.dma_semaphore, #tpu.memory_space<semaphore_mem>>
      %dma_start3A = tpu.memref_slice %arg11[%mul3A_33] : memref<163840xf32, #tpu.memory_space<hbm>> -> memref<5120xf32, #tpu.memory_space<hbm>>
      %dma_start3A_34 = tpu.memref_slice %arg11[%mul3A_33] : memref<163840xf32, #tpu.memory_space<hbm>> -> memref<5120xf32, #tpu.memory_space<hbm>>
      tpu.enqueue_dma source(%arg23 : memref<5120xf32, #tpu.memory_space<vmem>>) target(%dma_start3A_34 : memref<5120xf32, #tpu.memory_space<hbm>>) target_semaphore(%run_scoped3A : memref<!tpu.dma_semaphore, #tpu.memory_space<semaphore_mem>>)
      %dma_wait3A = tpu.memref_slice %arg11[%mul3A_33] : memref<163840xf32, #tpu.memory_space<hbm>> -> memref<5120xf32, #tpu.memory_space<hbm>>
      %dma_wait3A_35 = tpu.memref_slice %arg11[%mul3A_33] : memref<163840xf32, #tpu.memory_space<hbm>> -> memref<5120xf32, #tpu.memory_space<hbm>>
      tpu.wait_dma2 semaphore(%run_scoped3A : memref<!tpu.dma_semaphore, #tpu.memory_space<semaphore_mem>>) src(%arg23 : memref<5120xf32, #tpu.memory_space<vmem>>) dst(%dma_wait3A_35 : memref<5120xf32, #tpu.memory_space<hbm>>)
      tpu.yield
    }) : () -> ()
    "tpu.region"() ({
      %run_scoped3A = tpu.sem_alloc : memref<!tpu.dma_semaphore, #tpu.memory_space<semaphore_mem>>
      %dma_start3A = tpu.memref_slice %arg12[%mul3A_33] : memref<163840xf32, #tpu.memory_space<hbm>> -> memref<5120xf32, #tpu.memory_space<hbm>>
      %dma_start3A_34 = tpu.memref_slice %arg12[%mul3A_33] : memref<163840xf32, #tpu.memory_space<hbm>> -> memref<5120xf32, #tpu.memory_space<hbm>>
      tpu.enqueue_dma source(%arg24 : memref<5120xf32, #tpu.memory_space<vmem>>) target(%dma_start3A_34 : memref<5120xf32, #tpu.memory_space<hbm>>) target_semaphore(%run_scoped3A : memref<!tpu.dma_semaphore, #tpu.memory_space<semaphore_mem>>)
      %dma_wait3A = tpu.memref_slice %arg12[%mul3A_33] : memref<163840xf32, #tpu.memory_space<hbm>> -> memref<5120xf32, #tpu.memory_space<hbm>>
      %dma_wait3A_35 = tpu.memref_slice %arg12[%mul3A_33] : memref<163840xf32, #tpu.memory_space<hbm>> -> memref<5120xf32, #tpu.memory_space<hbm>>
      tpu.wait_dma2 semaphore(%run_scoped3A : memref<!tpu.dma_semaphore, #tpu.memory_space<semaphore_mem>>) src(%arg24 : memref<5120xf32, #tpu.memory_space<vmem>>) dst(%dma_wait3A_35 : memref<5120xf32, #tpu.memory_space<hbm>>)
      tpu.yield
    }) : () -> ()
    return
  }
}

module attributes {stable_mosaic.version = 14 : i64} {
  func.func @_stage1_body(%arg0: i32, %arg1: memref<2x85x5376xf32, #tpu.memory_space<vmem>>, %arg2: memref<1x1x5376xf32, #tpu.memory_space<vmem>>, %arg3: memref<1x1x5376xf32, #tpu.memory_space<vmem>>, %arg4: memref<1x1x5376xf32, #tpu.memory_space<vmem>>, %arg5: memref<2x80x5376xi32, #tpu.memory_space<vmem>>, %arg6: memref<2x80x5376xf32, #tpu.memory_space<vmem>>, %arg7: memref<2x1x5376xf32, #tpu.memory_space<vmem>>, %arg8: memref<2x1x5376xf32, #tpu.memory_space<vmem>>, %arg9: memref<2x1x5376xf32, #tpu.memory_space<vmem>>, %arg10: memref<2x1x5376xf32, #tpu.memory_space<vmem>>) attributes {dimension_semantics = [#tpu.dimension_semantics<arbitrary>], iteration_bounds = array<i64: 2>, scalar_prefetch = 0 : i64, scratch_operands = 0 : i64, tpu.core_type = #tpu.core_type<tc>, window_params = [{transform_indices = @transform_0, window_bounds = array<i64: 2, 85, 5376>}, {pipeline_mode = #tpu.pipeline_mode<synchronous>, transform_indices = @transform_1, window_bounds = array<i64: 1, 1, 5376>}, {pipeline_mode = #tpu.pipeline_mode<synchronous>, transform_indices = @transform_2, window_bounds = array<i64: 1, 1, 5376>}, {pipeline_mode = #tpu.pipeline_mode<synchronous>, transform_indices = @transform_3, window_bounds = array<i64: 1, 1, 5376>}, {transform_indices = @transform_4, window_bounds = array<i64: 2, 80, 5376>}, {transform_indices = @transform_5, window_bounds = array<i64: 2, 80, 5376>}, {transform_indices = @transform_6, window_bounds = array<i64: 2, 1, 5376>}, {transform_indices = @transform_7, window_bounds = array<i64: 2, 1, 5376>}, {transform_indices = @transform_8, window_bounds = array<i64: 2, 1, 5376>}, {transform_indices = @transform_9, window_bounds = array<i64: 2, 1, 5376>}]} {
    %get3A = arith.constant 0 : index
    %get3A_0 = arith.constant 0 : index
    %get3A_1 = arith.constant 0 : index
    %get3A_2 = vector.load %arg1[%get3A, %get3A_0, %get3A_1] : memref<2x85x5376xf32, #tpu.memory_space<vmem>>, vector<2x85x5376xf32>
    %get3A_3 = arith.constant 0 : index
    %get3A_4 = arith.constant 0 : index
    %get3A_5 = arith.constant 0 : index
    %get3A_6 = vector.load %arg2[%get3A_3, %get3A_4, %get3A_5] : memref<1x1x5376xf32, #tpu.memory_space<vmem>>, vector<1x1x5376xf32>
    %get3A_7 = arith.constant 0 : index
    %get3A_8 = arith.constant 0 : index
    %get3A_9 = arith.constant 0 : index
    %get3A_10 = vector.load %arg3[%get3A_7, %get3A_8, %get3A_9] : memref<1x1x5376xf32, #tpu.memory_space<vmem>>, vector<1x1x5376xf32>
    %get3A_11 = arith.constant 0 : index
    %get3A_12 = arith.constant 0 : index
    %get3A_13 = arith.constant 0 : index
    %get3A_14 = vector.load %arg4[%get3A_11, %get3A_12, %get3A_13] : memref<1x1x5376xf32, #tpu.memory_space<vmem>>, vector<1x1x5376xf32>
    %slice3A = vector.extract_strided_slice %get3A_2 {offsets = [0, 0, 0], sizes = [2, 1, 5376], strides = [1, 1, 1]} : vector<2x85x5376xf32> to vector<2x1x5376xf32>
    %slice3A_15 = vector.extract_strided_slice %get3A_2 {offsets = [0, 1, 0], sizes = [2, 1, 5376], strides = [1, 1, 1]} : vector<2x85x5376xf32> to vector<2x1x5376xf32>
    %slice3A_16 = vector.extract_strided_slice %get3A_2 {offsets = [0, 2, 0], sizes = [2, 1, 5376], strides = [1, 1, 1]} : vector<2x85x5376xf32> to vector<2x1x5376xf32>
    %slice3A_17 = vector.extract_strided_slice %get3A_2 {offsets = [0, 3, 0], sizes = [2, 1, 5376], strides = [1, 1, 1]} : vector<2x85x5376xf32> to vector<2x1x5376xf32>
    %slice3A_18 = vector.extract_strided_slice %get3A_2 {offsets = [0, 4, 0], sizes = [2, 1, 5376], strides = [1, 1, 1]} : vector<2x85x5376xf32> to vector<2x1x5376xf32>
    %slice3A_19 = vector.extract_strided_slice %get3A_2 {offsets = [0, 5, 0], sizes = [2, 80, 5376], strides = [1, 1, 1]} : vector<2x85x5376xf32> to vector<2x80x5376xf32>
    %add3A = vector.broadcast %get3A_6 : vector<1x1x5376xf32> to vector<2x1x5376xf32>
    %add3A_20 = arith.addf %slice3A, %add3A : vector<2x1x5376xf32>
    %mul3A = vector.broadcast %get3A_14 : vector<1x1x5376xf32> to vector<2x1x5376xf32>
    %mul3A_21 = arith.mulf %add3A_20, %mul3A : vector<2x1x5376xf32>
    %div3A = arith.constant 5.120000e+02 : f32
    %div3A_22 = vector.broadcast %div3A : f32 to vector<2x1x5376xf32>
    %div3A_23 = arith.divf %mul3A_21, %div3A_22 : vector<2x1x5376xf32>
    %add3A_24 = vector.broadcast %get3A_10 : vector<1x1x5376xf32> to vector<2x1x5376xf32>
    %add3A_25 = arith.addf %slice3A_15, %add3A_24 : vector<2x1x5376xf32>
    %mul3A_26 = vector.broadcast %get3A_14 : vector<1x1x5376xf32> to vector<2x1x5376xf32>
    %mul3A_27 = arith.mulf %add3A_25, %mul3A_26 : vector<2x1x5376xf32>
    %div3A_28 = arith.constant 5.120000e+02 : f32
    %div3A_29 = vector.broadcast %div3A_28 : f32 to vector<2x1x5376xf32>
    %div3A_30 = arith.divf %mul3A_27, %div3A_29 : vector<2x1x5376xf32>
    %exp3A = math.exp %slice3A_16 : vector<2x1x5376xf32>
    %mul3A_31 = vector.broadcast %get3A_14 : vector<1x1x5376xf32> to vector<2x1x5376xf32>
    %mul3A_32 = arith.mulf %exp3A, %mul3A_31 : vector<2x1x5376xf32>
    %div3A_33 = arith.constant 5.120000e+02 : f32
    %div3A_34 = vector.broadcast %div3A_33 : f32 to vector<2x1x5376xf32>
    %div3A_35 = arith.divf %mul3A_32, %div3A_34 : vector<2x1x5376xf32>
    %exp3A_36 = math.exp %slice3A_17 : vector<2x1x5376xf32>
    %mul3A_37 = vector.broadcast %get3A_14 : vector<1x1x5376xf32> to vector<2x1x5376xf32>
    %mul3A_38 = arith.mulf %exp3A_36, %mul3A_37 : vector<2x1x5376xf32>
    %div3A_39 = arith.constant 5.120000e+02 : f32
    %div3A_40 = vector.broadcast %div3A_39 : f32 to vector<2x1x5376xf32>
    %div3A_41 = arith.divf %mul3A_38, %div3A_40 : vector<2x1x5376xf32>
    %div3A_42 = arith.constant 2.000000e+00 : f32
    %div3A_43 = vector.broadcast %div3A_42 : f32 to vector<2x1x5376xf32>
    %div3A_44 = arith.divf %div3A_35, %div3A_43 : vector<2x1x5376xf32>
    %sub3A = arith.subf %div3A_23, %div3A_44 : vector<2x1x5376xf32>
    %mul3A_45 = arith.constant 5.120000e+02 : f32
    %mul3A_46 = vector.broadcast %mul3A_45 : f32 to vector<2x1x5376xf32>
    %mul3A_47 = arith.mulf %sub3A, %mul3A_46 : vector<2x1x5376xf32>
    %div3A_48 = arith.constant 2.000000e+00 : f32
    %div3A_49 = vector.broadcast %div3A_48 : f32 to vector<2x1x5376xf32>
    %div3A_50 = arith.divf %div3A_41, %div3A_49 : vector<2x1x5376xf32>
    %sub3A_51 = arith.subf %div3A_30, %div3A_50 : vector<2x1x5376xf32>
    %mul3A_52 = arith.constant 5.120000e+02 : f32
    %mul3A_53 = vector.broadcast %mul3A_52 : f32 to vector<2x1x5376xf32>
    %mul3A_54 = arith.mulf %sub3A_51, %mul3A_53 : vector<2x1x5376xf32>
    %mul3A_55 = arith.constant 5.120000e+02 : f32
    %mul3A_56 = vector.broadcast %mul3A_55 : f32 to vector<2x1x5376xf32>
    %mul3A_57 = arith.mulf %div3A_35, %mul3A_56 : vector<2x1x5376xf32>
    %add3A_58 = arith.addf %mul3A_47, %mul3A_57 : vector<2x1x5376xf32>
    %mul3A_59 = arith.constant 5.120000e+02 : f32
    %mul3A_60 = vector.broadcast %mul3A_59 : f32 to vector<2x1x5376xf32>
    %mul3A_61 = arith.mulf %div3A_41, %mul3A_60 : vector<2x1x5376xf32>
    %add3A_62 = arith.addf %mul3A_54, %mul3A_61 : vector<2x1x5376xf32>
    %logistic3A = arith.negf %slice3A_18 : vector<2x1x5376xf32>
    %logistic3A_63 = math.exp %logistic3A : vector<2x1x5376xf32>
    %logistic3A_64 = arith.constant 1.000000e+00 : f32
    %logistic3A_65 = vector.broadcast %logistic3A_64 : f32 to vector<2x1x5376xf32>
    %logistic3A_66 = arith.addf %logistic3A_65, %logistic3A_63 : vector<2x1x5376xf32>
    %logistic3A_67 = arith.divf %logistic3A_65, %logistic3A_66 : vector<2x1x5376xf32>
    %logistic3A_68 = arith.negf %slice3A_19 : vector<2x80x5376xf32>
    %logistic3A_69 = math.exp %logistic3A_68 : vector<2x80x5376xf32>
    %logistic3A_70 = arith.constant 1.000000e+00 : f32
    %logistic3A_71 = vector.broadcast %logistic3A_70 : f32 to vector<2x80x5376xf32>
    %logistic3A_72 = arith.addf %logistic3A_71, %logistic3A_69 : vector<2x80x5376xf32>
    %logistic3A_73 = arith.divf %logistic3A_71, %logistic3A_72 : vector<2x80x5376xf32>
    %mul3A_74 = vector.broadcast %logistic3A_67 : vector<2x1x5376xf32> to vector<2x80x5376xf32>
    %mul3A_75 = arith.mulf %mul3A_74, %logistic3A_73 : vector<2x80x5376xf32>
    %bitcast_convert_type3A = tpu.bitcast %mul3A_75 : vector<2x80x5376xf32> -> vector<2x80x5376xi32>
    %iota3A = tpu.iota {dimensions = array<i32: 2>} : vector<2x80x5376xi32>
    %broadcast_in_dim3A = arith.constant 0 : i32
    %broadcast_in_dim3A_76 = vector.broadcast %broadcast_in_dim3A : i32 to vector<2x80x1xi32>
    %broadcast_in_dim3A_77 = arith.constant 1065353216 : i32
    %broadcast_in_dim3A_78 = vector.broadcast %broadcast_in_dim3A_77 : i32 to vector<2x80x1xi32>
    %scan3A = arith.constant 0 : i32
    %scan3A_79 = arith.constant 31 : i32
    %scan3A_80 = arith.addi %scan3A, %scan3A_79 : i32
    %scan3A_81 = arith.constant 1 : i32
    %scan3A_82:2 = scf.for %scan3A_167 = %scan3A to %scan3A_80 step %scan3A_81 iter_args(%scan3A_168 = %broadcast_in_dim3A_76, %scan3A_169 = %broadcast_in_dim3A_78) -> (vector<2x80x1xi32>, vector<2x80x1xi32>)  : i32 {
      %sub3A_170 = arith.subi %scan3A_169, %scan3A_168 : vector<2x80x1xi32>
      %add3A_171 = arith.constant 1 : i32
      %add3A_172 = vector.broadcast %add3A_171 : i32 to vector<2x80x1xi32>
      %add3A_173 = arith.addi %sub3A_170, %add3A_172 : vector<2x80x1xi32>
      %jit3A_174 = arith.constant 2 : i32
      %div3A_175 = vector.broadcast %jit3A_174 : i32 to vector<2x80x1xi32>
      %div3A_176 = arith.divsi %add3A_173, %div3A_175 : vector<2x80x1xi32>
      %sign3A = arith.constant 0 : i32
      %sign3A_177 = vector.broadcast %sign3A : i32 to vector<2x80x1xi32>
      %sign3A_178 = arith.cmpi sgt, %add3A_173, %sign3A_177 : vector<2x80x1xi32>
      %sign3A_179 = arith.extui %sign3A_178 : vector<2x80x1xi1> to vector<2x80x1xi32>
      %sign3A_180 = arith.constant 0 : i32
      %sign3A_181 = vector.broadcast %sign3A_180 : i32 to vector<2x80x1xi32>
      %sign3A_182 = arith.cmpi slt, %add3A_173, %sign3A_181 : vector<2x80x1xi32>
      %sign3A_183 = arith.extui %sign3A_182 : vector<2x80x1xi1> to vector<2x80x1xi32>
      %sign3A_184 = arith.subi %sign3A_179, %sign3A_183 : vector<2x80x1xi32>
      %sign3A_185 = arith.constant 0 : i32
      %sign3A_186 = arith.cmpi sgt, %jit3A_174, %sign3A_185 : i32
      %sign3A_187 = arith.extui %sign3A_186 : i1 to i32
      %sign3A_188 = arith.constant 0 : i32
      %sign3A_189 = arith.cmpi slt, %jit3A_174, %sign3A_188 : i32
      %sign3A_190 = arith.extui %sign3A_189 : i1 to i32
      %sign3A_191 = arith.subi %sign3A_187, %sign3A_190 : i32
      %ne3A_192 = vector.broadcast %sign3A_191 : i32 to vector<2x80x1xi32>
      %ne3A_193 = arith.cmpi ne, %sign3A_184, %ne3A_192 : vector<2x80x1xi32>
      %rem3A = vector.broadcast %jit3A_174 : i32 to vector<2x80x1xi32>
      %rem3A_194 = arith.remsi %add3A_173, %rem3A : vector<2x80x1xi32>
      %ne3A_195 = arith.constant 0 : i32
      %ne3A_196 = vector.broadcast %ne3A_195 : i32 to vector<2x80x1xi32>
      %ne3A_197 = arith.cmpi ne, %rem3A_194, %ne3A_196 : vector<2x80x1xi32>
      %and3A_198 = arith.andi %ne3A_193, %ne3A_197 : vector<2x80x1xi1>
      %sub3A_199 = arith.constant 1 : i32
      %sub3A_200 = vector.broadcast %sub3A_199 : i32 to vector<2x80x1xi32>
      %sub3A_201 = arith.subi %div3A_176, %sub3A_200 : vector<2x80x1xi32>
      %select_n3A_202 = arith.select %and3A_198, %sub3A_201, %div3A_176 : vector<2x80x1xi1>, vector<2x80x1xi32>
      %add3A_203 = arith.addi %scan3A_168, %select_n3A_202 : vector<2x80x1xi32>
      %ge3A = vector.broadcast %add3A_203 : vector<2x80x1xi32> to vector<2x80x5376xi32>
      %ge3A_204 = arith.cmpi sge, %bitcast_convert_type3A, %ge3A : vector<2x80x5376xi32>
      %convert_element_type3A_205 = arith.extui %ge3A_204 : vector<2x80x5376xi1> to vector<2x80x5376xi32>
      %reduce_sum3A_206 = arith.constant dense<0> : vector<2x80xi32>
      %reduce_sum3A_207 = vector.multi_reduction <add>, %convert_element_type3A_205, %reduce_sum3A_206 [2] : vector<2x80x5376xi32> to vector<2x80xi32>
      %broadcast_in_dim3A_208 = vector.shape_cast %reduce_sum3A_207 : vector<2x80xi32> to vector<2x80x1xi32>
      %ge3A_209 = arith.constant 512 : i32
      %ge3A_210 = vector.broadcast %ge3A_209 : i32 to vector<2x80x1xi32>
      %ge3A_211 = arith.cmpi sge, %broadcast_in_dim3A_208, %ge3A_210 : vector<2x80x1xi32>
      %select_n3A_212 = arith.select %ge3A_211, %add3A_203, %scan3A_168 : vector<2x80x1xi1>, vector<2x80x1xi32>
      %sub3A_213 = arith.constant 1 : i32
      %sub3A_214 = vector.broadcast %sub3A_213 : i32 to vector<2x80x1xi32>
      %sub3A_215 = arith.subi %add3A_203, %sub3A_214 : vector<2x80x1xi32>
      %select_n3A_216 = arith.select %ge3A_211, %scan3A_169, %sub3A_215 : vector<2x80x1xi1>, vector<2x80x1xi32>
      scf.yield %select_n3A_212, %select_n3A_216 : vector<2x80x1xi32>, vector<2x80x1xi32>
    }
    %gt3A = vector.broadcast %scan3A_82#0 : vector<2x80x1xi32> to vector<2x80x5376xi32>
    %gt3A_83 = arith.cmpi sgt, %bitcast_convert_type3A, %gt3A : vector<2x80x5376xi32>
    %eq3A = vector.broadcast %scan3A_82#0 : vector<2x80x1xi32> to vector<2x80x5376xi32>
    %eq3A_84 = arith.cmpi eq, %bitcast_convert_type3A, %eq3A : vector<2x80x5376xi32>
    %convert_element_type3A = arith.extui %gt3A_83 : vector<2x80x5376xi1> to vector<2x80x5376xi32>
    %reduce_sum3A = arith.constant dense<0> : vector<2x80xi32>
    %reduce_sum3A_85 = vector.multi_reduction <add>, %convert_element_type3A, %reduce_sum3A [2] : vector<2x80x5376xi32> to vector<2x80xi32>
    %broadcast_in_dim3A_86 = vector.shape_cast %reduce_sum3A_85 : vector<2x80xi32> to vector<2x80x1xi32>
    %convert_element_type3A_87 = arith.extui %eq3A_84 : vector<2x80x5376xi1> to vector<2x80x5376xi32>
    %reduce_sum3A_88 = arith.constant dense<0> : vector<2x80xi32>
    %reduce_sum3A_89 = vector.multi_reduction <add>, %convert_element_type3A_87, %reduce_sum3A_88 [2] : vector<2x80x5376xi32> to vector<2x80xi32>
    %broadcast_in_dim3A_90 = vector.shape_cast %reduce_sum3A_89 : vector<2x80xi32> to vector<2x80x1xi32>
    %add3A_91 = arith.addi %broadcast_in_dim3A_86, %broadcast_in_dim3A_90 : vector<2x80x1xi32>
    %ne3A = arith.constant 512 : i32
    %ne3A_92 = vector.broadcast %ne3A : i32 to vector<2x80x1xi32>
    %ne3A_93 = arith.cmpi ne, %add3A_91, %ne3A_92 : vector<2x80x1xi32>
    %reduce_or3A = arith.constant 1.000000e+00 : f32
    %reduce_or3A_94 = arith.constant 0.000000e+00 : f32
    %reduce_or3A_95 = vector.broadcast %reduce_or3A : f32 to vector<2x80x1xf32>
    %reduce_or3A_96 = vector.broadcast %reduce_or3A_94 : f32 to vector<2x80x1xf32>
    %reduce_or3A_97 = arith.select %ne3A_93, %reduce_or3A_95, %reduce_or3A_96 : vector<2x80x1xi1>, vector<2x80x1xf32>
    %reduce_or3A_98 = vector.shape_cast %reduce_or3A_97 : vector<2x80x1xf32> to vector<1x2x80x1xf32>
    %reduce_or3A_99 = arith.constant dense<0xFF800000> : vector<1xf32>
    %reduce_or3A_100 = vector.multi_reduction <maximumf>, %reduce_or3A_98, %reduce_or3A_99 [1, 2, 3] : vector<1x2x80x1xf32> to vector<1xf32>
    %reduce_or3A_101 = vector.shape_cast %reduce_or3A_100 : vector<1xf32> to vector<1x1x1x1xf32>
    %reduce_or3A_102 = vector.extract %reduce_or3A_101[0, 0, 0, 0] : f32 from vector<1x1x1x1xf32>
    %reduce_or3A_103 = arith.constant 0.000000e+00 : f32
    %reduce_or3A_104 = arith.cmpf ogt, %reduce_or3A_102, %reduce_or3A_103 : f32
    %convert_element_type3A_105 = arith.extui %reduce_or3A_104 : i1 to i32
    %cond3A = arith.constant 0 : i32
    %cond3A_106 = arith.cmpi ne, %convert_element_type3A_105, %cond3A : i32
    %cond3A_107 = scf.if %cond3A_106 -> (vector<2x80x1xi32>) {
      %broadcast_in_dim3A_167 = arith.constant 0 : i32
      %broadcast_in_dim3A_168 = vector.broadcast %broadcast_in_dim3A_167 : i32 to vector<2x80x1xi32>
      %broadcast_in_dim3A_169 = arith.constant 5376 : i32
      %broadcast_in_dim3A_170 = vector.broadcast %broadcast_in_dim3A_169 : i32 to vector<2x80x1xi32>
      %scan3A_171 = arith.constant 0 : i32
      %scan3A_172 = arith.constant 13 : i32
      %scan3A_173 = arith.addi %scan3A_171, %scan3A_172 : i32
      %scan3A_174 = arith.constant 1 : i32
      %scan3A_175:2 = scf.for %scan3A_176 = %scan3A_171 to %scan3A_173 step %scan3A_174 iter_args(%scan3A_177 = %broadcast_in_dim3A_168, %scan3A_178 = %broadcast_in_dim3A_170) -> (vector<2x80x1xi32>, vector<2x80x1xi32>)  : i32 {
        %add3A_179 = arith.addi %scan3A_177, %scan3A_178 : vector<2x80x1xi32>
        %jit3A_180 = arith.constant 2 : i32
        %div3A_181 = vector.broadcast %jit3A_180 : i32 to vector<2x80x1xi32>
        %div3A_182 = arith.divsi %add3A_179, %div3A_181 : vector<2x80x1xi32>
        %sign3A = arith.constant 0 : i32
        %sign3A_183 = vector.broadcast %sign3A : i32 to vector<2x80x1xi32>
        %sign3A_184 = arith.cmpi sgt, %add3A_179, %sign3A_183 : vector<2x80x1xi32>
        %sign3A_185 = arith.extui %sign3A_184 : vector<2x80x1xi1> to vector<2x80x1xi32>
        %sign3A_186 = arith.constant 0 : i32
        %sign3A_187 = vector.broadcast %sign3A_186 : i32 to vector<2x80x1xi32>
        %sign3A_188 = arith.cmpi slt, %add3A_179, %sign3A_187 : vector<2x80x1xi32>
        %sign3A_189 = arith.extui %sign3A_188 : vector<2x80x1xi1> to vector<2x80x1xi32>
        %sign3A_190 = arith.subi %sign3A_185, %sign3A_189 : vector<2x80x1xi32>
        %sign3A_191 = arith.constant 0 : i32
        %sign3A_192 = arith.cmpi sgt, %jit3A_180, %sign3A_191 : i32
        %sign3A_193 = arith.extui %sign3A_192 : i1 to i32
        %sign3A_194 = arith.constant 0 : i32
        %sign3A_195 = arith.cmpi slt, %jit3A_180, %sign3A_194 : i32
        %sign3A_196 = arith.extui %sign3A_195 : i1 to i32
        %sign3A_197 = arith.subi %sign3A_193, %sign3A_196 : i32
        %ne3A_198 = vector.broadcast %sign3A_197 : i32 to vector<2x80x1xi32>
        %ne3A_199 = arith.cmpi ne, %sign3A_190, %ne3A_198 : vector<2x80x1xi32>
        %rem3A = vector.broadcast %jit3A_180 : i32 to vector<2x80x1xi32>
        %rem3A_200 = arith.remsi %add3A_179, %rem3A : vector<2x80x1xi32>
        %ne3A_201 = arith.constant 0 : i32
        %ne3A_202 = vector.broadcast %ne3A_201 : i32 to vector<2x80x1xi32>
        %ne3A_203 = arith.cmpi ne, %rem3A_200, %ne3A_202 : vector<2x80x1xi32>
        %and3A_204 = arith.andi %ne3A_199, %ne3A_203 : vector<2x80x1xi1>
        %sub3A_205 = arith.constant 1 : i32
        %sub3A_206 = vector.broadcast %sub3A_205 : i32 to vector<2x80x1xi32>
        %sub3A_207 = arith.subi %div3A_182, %sub3A_206 : vector<2x80x1xi32>
        %select_n3A_208 = arith.select %and3A_204, %sub3A_207, %div3A_182 : vector<2x80x1xi1>, vector<2x80x1xi32>
        %lt3A_209 = vector.broadcast %select_n3A_208 : vector<2x80x1xi32> to vector<2x80x5376xi32>
        %lt3A_210 = arith.cmpi slt, %iota3A, %lt3A_209 : vector<2x80x5376xi32>
        %and3A_211 = arith.andi %eq3A_84, %lt3A_210 : vector<2x80x5376xi1>
        %convert_element_type3A_212 = arith.extui %and3A_211 : vector<2x80x5376xi1> to vector<2x80x5376xi32>
        %reduce_sum3A_213 = arith.constant dense<0> : vector<2x80xi32>
        %reduce_sum3A_214 = vector.multi_reduction <add>, %convert_element_type3A_212, %reduce_sum3A_213 [2] : vector<2x80x5376xi32> to vector<2x80xi32>
        %broadcast_in_dim3A_215 = vector.shape_cast %reduce_sum3A_214 : vector<2x80xi32> to vector<2x80x1xi32>
        %add3A_216 = arith.addi %broadcast_in_dim3A_86, %broadcast_in_dim3A_215 : vector<2x80x1xi32>
        %ge3A = arith.constant 512 : i32
        %ge3A_217 = vector.broadcast %ge3A : i32 to vector<2x80x1xi32>
        %ge3A_218 = arith.cmpi sge, %add3A_216, %ge3A_217 : vector<2x80x1xi32>
        %add3A_219 = arith.constant 1 : i32
        %add3A_220 = vector.broadcast %add3A_219 : i32 to vector<2x80x1xi32>
        %add3A_221 = arith.addi %select_n3A_208, %add3A_220 : vector<2x80x1xi32>
        %select_n3A_222 = arith.select %ge3A_218, %scan3A_177, %add3A_221 : vector<2x80x1xi1>, vector<2x80x1xi32>
        %select_n3A_223 = arith.select %ge3A_218, %select_n3A_208, %scan3A_178 : vector<2x80x1xi1>, vector<2x80x1xi32>
        scf.yield %select_n3A_222, %select_n3A_223 : vector<2x80x1xi32>, vector<2x80x1xi32>
      }
      scf.yield %scan3A_175#1 : vector<2x80x1xi32>
    } else {
      %broadcast_in_dim3A_167 = arith.constant 5376 : i32
      %broadcast_in_dim3A_168 = vector.broadcast %broadcast_in_dim3A_167 : i32 to vector<2x80x1xi32>
      scf.yield %broadcast_in_dim3A_168 : vector<2x80x1xi32>
    }
    %lt3A = vector.broadcast %cond3A_107 : vector<2x80x1xi32> to vector<2x80x5376xi32>
    %lt3A_108 = arith.cmpi slt, %iota3A, %lt3A : vector<2x80x5376xi32>
    %and3A = arith.andi %eq3A_84, %lt3A_108 : vector<2x80x5376xi1>
    %or3A = arith.ori %gt3A_83, %and3A : vector<2x80x5376xi1>
    %convert_element_type3A_109 = arith.extui %or3A : vector<2x80x5376xi1> to vector<2x80x5376xi32>
    %convert_element_type3A_110 = arith.sitofp %convert_element_type3A_109 : vector<2x80x5376xi32> to vector<2x80x5376xf32>
    %convert_element_type3A_111 = arith.truncf %convert_element_type3A_110 : vector<2x80x5376xf32> to vector<2x80x5376xbf16>
    %reshape3A = vector.shape_cast %convert_element_type3A_111 : vector<2x80x5376xbf16> to vector<6720x128xbf16>
    %iota3A_112 = tpu.iota {dimensions = array<i32: 0>} : vector<128x128xi32>
    %iota3A_113 = tpu.iota {dimensions = array<i32: 1>} : vector<128x128xi32>
    %le3A = arith.cmpi sle, %iota3A_112, %iota3A_113 : vector<128x128xi32>
    %convert_element_type3A_114 = arith.extui %le3A : vector<128x128xi1> to vector<128x128xi32>
    %convert_element_type3A_115 = arith.sitofp %convert_element_type3A_114 : vector<128x128xi32> to vector<128x128xf32>
    %convert_element_type3A_116 = arith.truncf %convert_element_type3A_115 : vector<128x128xf32> to vector<128x128xbf16>
    %dot_general3A = arith.constant dense<0.000000e+00> : vector<6720x128xf32>
    %dot_general3A_117 = tpu.matmul %reshape3A, %convert_element_type3A_116, %dot_general3A {dimension_numbers = #tpu.dot_dimension_numbers<[1], [0], [0], [1], [0, 0, 1, 1], [], []>, transpose_lhs_hint = false} : vector<6720x128xbf16>, vector<128x128xbf16>, vector<6720x128xf32> -> vector<6720x128xf32>
    %slice3A_118 = vector.extract_strided_slice %dot_general3A_117 {offsets = [0, 127], sizes = [6720, 1], strides = [1, 1]} : vector<6720x128xf32> to vector<6720x1xf32>
    %reshape3A_119 = vector.shape_cast %slice3A_118 : vector<6720x1xf32> to vector<160x42xf32>
    %iota3A_120 = tpu.iota {dimensions = array<i32: 0>} : vector<42x42xi32>
    %iota3A_121 = tpu.iota {dimensions = array<i32: 1>} : vector<42x42xi32>
    %lt3A_122 = arith.cmpi slt, %iota3A_120, %iota3A_121 : vector<42x42xi32>
    %convert_element_type3A_123 = arith.extui %lt3A_122 : vector<42x42xi1> to vector<42x42xi32>
    %convert_element_type3A_124 = arith.sitofp %convert_element_type3A_123 : vector<42x42xi32> to vector<42x42xf32>
    %convert_element_type3A_125 = arith.truncf %convert_element_type3A_124 : vector<42x42xf32> to vector<42x42xbf16>
    %convert_element_type3A_126 = arith.truncf %reshape3A_119 : vector<160x42xf32> to vector<160x42xbf16>
    %dot_general3A_127 = arith.constant dense<0.000000e+00> : vector<160x42xf32>
    %dot_general3A_128 = tpu.matmul %convert_element_type3A_126, %convert_element_type3A_125, %dot_general3A_127 {dimension_numbers = #tpu.dot_dimension_numbers<[1], [0], [0], [1], [0, 0, 1, 1], [], []>, transpose_lhs_hint = false} : vector<160x42xbf16>, vector<42x42xbf16>, vector<160x42xf32> -> vector<160x42xf32>
    %reshape3A_129 = vector.shape_cast %dot_general3A_117 : vector<6720x128xf32> to vector<160x42x128xf32>
    %reshape3A_130 = vector.shape_cast %convert_element_type3A_110 : vector<2x80x5376xf32> to vector<160x42x128xf32>
    %sub3A_131 = arith.subf %reshape3A_129, %reshape3A_130 : vector<160x42x128xf32>
    %reshape3A_132 = vector.shape_cast %dot_general3A_128 : vector<160x42xf32> to vector<160x42x1xf32>
    %add3A_133 = vector.broadcast %reshape3A_132 : vector<160x42x1xf32> to vector<160x42x128xf32>
    %add3A_134 = arith.addf %sub3A_131, %add3A_133 : vector<160x42x128xf32>
    %reshape3A_135 = vector.shape_cast %add3A_134 : vector<160x42x128xf32> to vector<2x80x5376xf32>
    %convert_element_type3A_136 = arith.fptosi %reshape3A_135 : vector<2x80x5376xf32> to vector<2x80x5376xi32>
    %jit3A = arith.constant -1 : i32
    %broadcast_in_dim3A_137 = vector.broadcast %jit3A : i32 to vector<2x80x5376xi32>
    %select_n3A = arith.select %or3A, %convert_element_type3A_136, %broadcast_in_dim3A_137 : vector<2x80x5376xi1>, vector<2x80x5376xi32>
    %swap3A = arith.constant 0 : index
    %swap3A_138 = arith.constant 0 : index
    %swap3A_139 = arith.constant 0 : index
    %swap3A_140 = vector.load %arg5[%swap3A, %swap3A_138, %swap3A_139] : memref<2x80x5376xi32, #tpu.memory_space<vmem>>, vector<2x80x5376xi32>
    tpu.vector_store %arg5[%swap3A, %swap3A_138, %swap3A_139], %select_n3A {strides = array<i32>} : memref<2x80x5376xi32, #tpu.memory_space<vmem>>, vector<2x80x5376xi32>,
    %gt3A_141 = arith.constant 0.00999999977 : f32
    %gt3A_142 = vector.broadcast %gt3A_141 : f32 to vector<2x80x5376xf32>
    %gt3A_143 = arith.cmpf ogt, %mul3A_75, %gt3A_142 : vector<2x80x5376xf32>
    %jit3A_144 = arith.constant -1.000000e+00 : f32
    %broadcast_in_dim3A_145 = vector.broadcast %jit3A_144 : f32 to vector<2x80x5376xf32>
    %select_n3A_146 = arith.select %gt3A_143, %mul3A_75, %broadcast_in_dim3A_145 : vector<2x80x5376xi1>, vector<2x80x5376xf32>
    %swap3A_147 = arith.constant 0 : index
    %swap3A_148 = arith.constant 0 : index
    %swap3A_149 = arith.constant 0 : index
    %swap3A_150 = vector.load %arg6[%swap3A_147, %swap3A_148, %swap3A_149] : memref<2x80x5376xf32, #tpu.memory_space<vmem>>, vector<2x80x5376xf32>
    tpu.vector_store %arg6[%swap3A_147, %swap3A_148, %swap3A_149], %select_n3A_146 {strides = array<i32>} : memref<2x80x5376xf32, #tpu.memory_space<vmem>>, vector<2x80x5376xf32>,
    %swap3A_151 = arith.constant 0 : index
    %swap3A_152 = arith.constant 0 : index
    %swap3A_153 = arith.constant 0 : index
    %swap3A_154 = vector.load %arg7[%swap3A_151, %swap3A_152, %swap3A_153] : memref<2x1x5376xf32, #tpu.memory_space<vmem>>, vector<2x1x5376xf32>
    tpu.vector_store %arg7[%swap3A_151, %swap3A_152, %swap3A_153], %mul3A_47 {strides = array<i32>} : memref<2x1x5376xf32, #tpu.memory_space<vmem>>, vector<2x1x5376xf32>,
    %swap3A_155 = arith.constant 0 : index
    %swap3A_156 = arith.constant 0 : index
    %swap3A_157 = arith.constant 0 : index
    %swap3A_158 = vector.load %arg8[%swap3A_155, %swap3A_156, %swap3A_157] : memref<2x1x5376xf32, #tpu.memory_space<vmem>>, vector<2x1x5376xf32>
    tpu.vector_store %arg8[%swap3A_155, %swap3A_156, %swap3A_157], %mul3A_54 {strides = array<i32>} : memref<2x1x5376xf32, #tpu.memory_space<vmem>>, vector<2x1x5376xf32>,
    %swap3A_159 = arith.constant 0 : index
    %swap3A_160 = arith.constant 0 : index
    %swap3A_161 = arith.constant 0 : index
    %swap3A_162 = vector.load %arg9[%swap3A_159, %swap3A_160, %swap3A_161] : memref<2x1x5376xf32, #tpu.memory_space<vmem>>, vector<2x1x5376xf32>
    tpu.vector_store %arg9[%swap3A_159, %swap3A_160, %swap3A_161], %add3A_58 {strides = array<i32>} : memref<2x1x5376xf32, #tpu.memory_space<vmem>>, vector<2x1x5376xf32>,
    %swap3A_163 = arith.constant 0 : index
    %swap3A_164 = arith.constant 0 : index
    %swap3A_165 = arith.constant 0 : index
    %swap3A_166 = vector.load %arg10[%swap3A_163, %swap3A_164, %swap3A_165] : memref<2x1x5376xf32, #tpu.memory_space<vmem>>, vector<2x1x5376xf32>
    tpu.vector_store %arg10[%swap3A_163, %swap3A_164, %swap3A_165], %add3A_62 {strides = array<i32>} : memref<2x1x5376xf32, #tpu.memory_space<vmem>>, vector<2x1x5376xf32>,
    return
  }
  func.func @transform_0(%arg0: i32) -> (i32, i32, i32) {
    %c0_i32 = arith.constant 0 : i32
    %c0_i32_0 = arith.constant 0 : i32
    %c0_i32_1 = arith.constant 0 : i32
    return %arg0, %c0_i32, %c0_i32_0 : i32, i32, i32
  }
  func.func @transform_1(%arg0: i32) -> (i32, i32, i32) {
    %c0_i32 = arith.constant 0 : i32
    %c0_i32_0 = arith.constant 0 : i32
    %c0_i32_1 = arith.constant 0 : i32
    %c0_i32_2 = arith.constant 0 : i32
    return %c0_i32, %c0_i32_0, %c0_i32_1 : i32, i32, i32
  }
  func.func @transform_2(%arg0: i32) -> (i32, i32, i32) {
    %c0_i32 = arith.constant 0 : i32
    %c0_i32_0 = arith.constant 0 : i32
    %c0_i32_1 = arith.constant 0 : i32
    %c0_i32_2 = arith.constant 0 : i32
    return %c0_i32, %c0_i32_0, %c0_i32_1 : i32, i32, i32
  }
  func.func @transform_3(%arg0: i32) -> (i32, i32, i32) {
    %c0_i32 = arith.constant 0 : i32
    %c0_i32_0 = arith.constant 0 : i32
    %c0_i32_1 = arith.constant 0 : i32
    %c0_i32_2 = arith.constant 0 : i32
    return %c0_i32, %c0_i32_0, %c0_i32_1 : i32, i32, i32
  }
  func.func @transform_4(%arg0: i32) -> (i32, i32, i32) {
    %c0_i32 = arith.constant 0 : i32
    %c0_i32_0 = arith.constant 0 : i32
    %c0_i32_1 = arith.constant 0 : i32
    return %arg0, %c0_i32, %c0_i32_0 : i32, i32, i32
  }
  func.func @transform_5(%arg0: i32) -> (i32, i32, i32) {
    %c0_i32 = arith.constant 0 : i32
    %c0_i32_0 = arith.constant 0 : i32
    %c0_i32_1 = arith.constant 0 : i32
    return %arg0, %c0_i32, %c0_i32_0 : i32, i32, i32
  }
  func.func @transform_6(%arg0: i32) -> (i32, i32, i32) {
    %c0_i32 = arith.constant 0 : i32
    %c0_i32_0 = arith.constant 0 : i32
    %c0_i32_1 = arith.constant 0 : i32
    return %arg0, %c0_i32, %c0_i32_0 : i32, i32, i32
  }
  func.func @transform_7(%arg0: i32) -> (i32, i32, i32) {
    %c0_i32 = arith.constant 0 : i32
    %c0_i32_0 = arith.constant 0 : i32
    %c0_i32_1 = arith.constant 0 : i32
    return %arg0, %c0_i32, %c0_i32_0 : i32, i32, i32
  }
  func.func @transform_8(%arg0: i32) -> (i32, i32, i32) {
    %c0_i32 = arith.constant 0 : i32
    %c0_i32_0 = arith.constant 0 : i32
    %c0_i32_1 = arith.constant 0 : i32
    return %arg0, %c0_i32, %c0_i32_0 : i32, i32, i32
  }
  func.func @transform_9(%arg0: i32) -> (i32, i32, i32) {
    %c0_i32 = arith.constant 0 : i32
    %c0_i32_0 = arith.constant 0 : i32
    %c0_i32_1 = arith.constant 0 : i32
    return %arg0, %c0_i32, %c0_i32_0 : i32, i32, i32
  }
}

module attributes {stable_mosaic.version = 14 : i64} {
  func.func @_stage3_body(%arg0: memref<320x512xf32, #tpu.memory_space<vmem>>, %arg1: memref<320x512xf32, #tpu.memory_space<vmem>>, %arg2: memref<320x512xf32, #tpu.memory_space<vmem>>, %arg3: memref<320x512xf32, #tpu.memory_space<vmem>>, %arg4: memref<320x512xf32, #tpu.memory_space<vmem>>, %arg5: memref<320x512xf32, #tpu.memory_space<vmem>>, %arg6: memref<320x512xf32, #tpu.memory_space<vmem>>, %arg7: memref<320x512xf32, #tpu.memory_space<vmem>>, %arg8: memref<320x512xf32, #tpu.memory_space<vmem>>, %arg9: memref<320x512xf32, #tpu.memory_space<vmem>>, %arg10: memref<8x100x6xf32, #tpu.memory_space<vmem>>) attributes {dimension_semantics = [], scalar_prefetch = 0 : i64, scratch_operands = 0 : i64, tpu.core_type = #tpu.core_type<tc>} {
    %get3A = arith.constant 0 : index
    %get3A_0 = arith.constant 0 : index
    %get3A_1 = vector.load %arg0[%get3A, %get3A_0] : memref<320x512xf32, #tpu.memory_space<vmem>>, vector<320x512xf32>
    %get3A_2 = arith.constant 0 : index
    %get3A_3 = arith.constant 0 : index
    %get3A_4 = vector.load %arg5[%get3A_2, %get3A_3] : memref<320x512xf32, #tpu.memory_space<vmem>>, vector<320x512xf32>
    %concatenate3A = tpu.concatenate %get3A_1, %get3A_4 in 0 : vector<320x512xf32>, vector<320x512xf32> -> vector<640x512xf32>
    %get3A_5 = arith.constant 0 : index
    %get3A_6 = arith.constant 0 : index
    %get3A_7 = vector.load %arg1[%get3A_5, %get3A_6] : memref<320x512xf32, #tpu.memory_space<vmem>>, vector<320x512xf32>
    %get3A_8 = arith.constant 0 : index
    %get3A_9 = arith.constant 0 : index
    %get3A_10 = vector.load %arg6[%get3A_8, %get3A_9] : memref<320x512xf32, #tpu.memory_space<vmem>>, vector<320x512xf32>
    %concatenate3A_11 = tpu.concatenate %get3A_7, %get3A_10 in 0 : vector<320x512xf32>, vector<320x512xf32> -> vector<640x512xf32>
    %get3A_12 = arith.constant 0 : index
    %get3A_13 = arith.constant 0 : index
    %get3A_14 = vector.load %arg2[%get3A_12, %get3A_13] : memref<320x512xf32, #tpu.memory_space<vmem>>, vector<320x512xf32>
    %get3A_15 = arith.constant 0 : index
    %get3A_16 = arith.constant 0 : index
    %get3A_17 = vector.load %arg7[%get3A_15, %get3A_16] : memref<320x512xf32, #tpu.memory_space<vmem>>, vector<320x512xf32>
    %concatenate3A_18 = tpu.concatenate %get3A_14, %get3A_17 in 0 : vector<320x512xf32>, vector<320x512xf32> -> vector<640x512xf32>
    %get3A_19 = arith.constant 0 : index
    %get3A_20 = arith.constant 0 : index
    %get3A_21 = vector.load %arg3[%get3A_19, %get3A_20] : memref<320x512xf32, #tpu.memory_space<vmem>>, vector<320x512xf32>
    %get3A_22 = arith.constant 0 : index
    %get3A_23 = arith.constant 0 : index
    %get3A_24 = vector.load %arg8[%get3A_22, %get3A_23] : memref<320x512xf32, #tpu.memory_space<vmem>>, vector<320x512xf32>
    %concatenate3A_25 = tpu.concatenate %get3A_21, %get3A_24 in 0 : vector<320x512xf32>, vector<320x512xf32> -> vector<640x512xf32>
    %get3A_26 = arith.constant 0 : index
    %get3A_27 = arith.constant 0 : index
    %get3A_28 = vector.load %arg4[%get3A_26, %get3A_27] : memref<320x512xf32, #tpu.memory_space<vmem>>, vector<320x512xf32>
    %get3A_29 = arith.constant 0 : index
    %get3A_30 = arith.constant 0 : index
    %get3A_31 = vector.load %arg9[%get3A_29, %get3A_30] : memref<320x512xf32, #tpu.memory_space<vmem>>, vector<320x512xf32>
    %concatenate3A_32 = tpu.concatenate %get3A_28, %get3A_31 in 0 : vector<320x512xf32>, vector<320x512xf32> -> vector<640x512xf32>
    %sub3A = arith.subf %concatenate3A_25, %concatenate3A_11 : vector<640x512xf32>
    %sub3A_33 = arith.subf %concatenate3A_32, %concatenate3A_18 : vector<640x512xf32>
    %mul3A = arith.mulf %sub3A, %sub3A_33 : vector<640x512xf32>
    %iota3A = tpu.iota {dimensions = array<i32: 1>} : vector<640x512xi32>
    %convert_element_type3A = arith.sitofp %iota3A : vector<640x512xi32> to vector<640x512xf32>
    %iota3A_34 = tpu.iota {dimensions = array<i32: 1>} : vector<1x128xi32>
    %broadcast_in_dim3A = arith.constant -1.000000e+00 : f32
    %broadcast_in_dim3A_35 = vector.broadcast %broadcast_in_dim3A : f32 to vector<640x128xf32>
    %broadcast_in_dim3A_36 = arith.constant 0.000000e+00 : f32
    %broadcast_in_dim3A_37 = vector.broadcast %broadcast_in_dim3A_36 : f32 to vector<640x128xf32>
    %scan3A = arith.constant 0 : i32
    %scan3A_38 = arith.constant 100 : i32
    %scan3A_39 = arith.addi %scan3A, %scan3A_38 : i32
    %scan3A_40 = arith.constant 1 : i32
    %scan3A_41:6 = scf.for %scan3A_66 = %scan3A to %scan3A_39 step %scan3A_40 iter_args(%scan3A_67 = %concatenate3A, %scan3A_68 = %broadcast_in_dim3A_35, %scan3A_69 = %broadcast_in_dim3A_37, %scan3A_70 = %broadcast_in_dim3A_37, %scan3A_71 = %broadcast_in_dim3A_37, %scan3A_72 = %broadcast_in_dim3A_37) -> (vector<640x512xf32>, vector<640x128xf32>, vector<640x128xf32>, vector<640x128xf32>, vector<640x128xf32>, vector<640x128xf32>)  : i32 {
      %reduce_max3A = arith.constant dense<0xFF800000> : vector<640xf32>
      %reduce_max3A_73 = vector.multi_reduction <maximumf>, %scan3A_67, %reduce_max3A [1] : vector<640x512xf32> to vector<640xf32>
      %broadcast_in_dim3A_74 = vector.shape_cast %reduce_max3A_73 : vector<640xf32> to vector<640x1xf32>
      %eq3A = vector.broadcast %broadcast_in_dim3A_74 : vector<640x1xf32> to vector<640x512xf32>
      %eq3A_75 = arith.cmpf oeq, %scan3A_67, %eq3A : vector<640x512xf32>
      %jit3A = arith.constant 3.000000e+07 : f32
      %broadcast_in_dim3A_76 = vector.broadcast %jit3A : f32 to vector<640x512xf32>
      %select_n3A = arith.select %eq3A_75, %convert_element_type3A, %broadcast_in_dim3A_76 : vector<640x512xi1>, vector<640x512xf32>
      %reduce_min3A = arith.constant dense<0x7F800000> : vector<640xf32>
      %reduce_min3A_77 = vector.multi_reduction <minimumf>, %select_n3A, %reduce_min3A [1] : vector<640x512xf32> to vector<640xf32>
      %broadcast_in_dim3A_78 = vector.shape_cast %reduce_min3A_77 : vector<640xf32> to vector<640x1xf32>
      %eq3A_79 = vector.broadcast %broadcast_in_dim3A_78 : vector<640x1xf32> to vector<640x512xf32>
      %eq3A_80 = arith.cmpf oeq, %convert_element_type3A, %eq3A_79 : vector<640x512xf32>
      %jit3A_81 = arith.constant 0.000000e+00 : f32
      %broadcast_in_dim3A_82 = vector.broadcast %jit3A_81 : f32 to vector<640x512xf32>
      %select_n3A_83 = arith.select %eq3A_80, %concatenate3A_11, %broadcast_in_dim3A_82 : vector<640x512xi1>, vector<640x512xf32>
      %reduce_sum3A = arith.constant dense<0.000000e+00> : vector<640xf32>
      %reduce_sum3A_84 = vector.multi_reduction <add>, %select_n3A_83, %reduce_sum3A [1] : vector<640x512xf32> to vector<640xf32>
      %broadcast_in_dim3A_85 = vector.shape_cast %reduce_sum3A_84 : vector<640xf32> to vector<640x1xf32>
      %jit3A_86 = arith.constant 0.000000e+00 : f32
      %broadcast_in_dim3A_87 = vector.broadcast %jit3A_86 : f32 to vector<640x512xf32>
      %select_n3A_88 = arith.select %eq3A_80, %concatenate3A_18, %broadcast_in_dim3A_87 : vector<640x512xi1>, vector<640x512xf32>
      %reduce_sum3A_89 = arith.constant dense<0.000000e+00> : vector<640xf32>
      %reduce_sum3A_90 = vector.multi_reduction <add>, %select_n3A_88, %reduce_sum3A_89 [1] : vector<640x512xf32> to vector<640xf32>
      %broadcast_in_dim3A_91 = vector.shape_cast %reduce_sum3A_90 : vector<640xf32> to vector<640x1xf32>
      %jit3A_92 = arith.constant 0.000000e+00 : f32
      %broadcast_in_dim3A_93 = vector.broadcast %jit3A_92 : f32 to vector<640x512xf32>
      %select_n3A_94 = arith.select %eq3A_80, %concatenate3A_25, %broadcast_in_dim3A_93 : vector<640x512xi1>, vector<640x512xf32>
      %reduce_sum3A_95 = arith.constant dense<0.000000e+00> : vector<640xf32>
      %reduce_sum3A_96 = vector.multi_reduction <add>, %select_n3A_94, %reduce_sum3A_95 [1] : vector<640x512xf32> to vector<640xf32>
      %broadcast_in_dim3A_97 = vector.shape_cast %reduce_sum3A_96 : vector<640xf32> to vector<640x1xf32>
      %jit3A_98 = arith.constant 0.000000e+00 : f32
      %broadcast_in_dim3A_99 = vector.broadcast %jit3A_98 : f32 to vector<640x512xf32>
      %select_n3A_100 = arith.select %eq3A_80, %concatenate3A_32, %broadcast_in_dim3A_99 : vector<640x512xi1>, vector<640x512xf32>
      %reduce_sum3A_101 = arith.constant dense<0.000000e+00> : vector<640xf32>
      %reduce_sum3A_102 = vector.multi_reduction <add>, %select_n3A_100, %reduce_sum3A_101 [1] : vector<640x512xf32> to vector<640xf32>
      %broadcast_in_dim3A_103 = vector.shape_cast %reduce_sum3A_102 : vector<640xf32> to vector<640x1xf32>
      %gt3A = arith.constant 0.000000e+00 : f32
      %gt3A_104 = vector.broadcast %gt3A : f32 to vector<640x1xf32>
      %gt3A_105 = arith.cmpf ogt, %broadcast_in_dim3A_74, %gt3A_104 : vector<640x1xf32>
      %max3A = vector.broadcast %broadcast_in_dim3A_85 : vector<640x1xf32> to vector<640x512xf32>
      %max3A_106 = arith.maximumf %max3A, %concatenate3A_11 : vector<640x512xf32>
      %max3A_107 = vector.broadcast %broadcast_in_dim3A_91 : vector<640x1xf32> to vector<640x512xf32>
      %max3A_108 = arith.maximumf %max3A_107, %concatenate3A_18 : vector<640x512xf32>
      %min3A = vector.broadcast %broadcast_in_dim3A_97 : vector<640x1xf32> to vector<640x512xf32>
      %min3A_109 = arith.minimumf %min3A, %concatenate3A_25 : vector<640x512xf32>
      %min3A_110 = vector.broadcast %broadcast_in_dim3A_103 : vector<640x1xf32> to vector<640x512xf32>
      %min3A_111 = arith.minimumf %min3A_110, %concatenate3A_32 : vector<640x512xf32>
      %sub3A_112 = arith.subf %min3A_109, %max3A_106 : vector<640x512xf32>
      %max3A_113 = arith.constant 0.000000e+00 : f32
      %max3A_114 = vector.broadcast %max3A_113 : f32 to vector<640x512xf32>
      %max3A_115 = arith.maximumf %sub3A_112, %max3A_114 : vector<640x512xf32>
      %sub3A_116 = arith.subf %min3A_111, %max3A_108 : vector<640x512xf32>
      %max3A_117 = arith.constant 0.000000e+00 : f32
      %max3A_118 = vector.broadcast %max3A_117 : f32 to vector<640x512xf32>
      %max3A_119 = arith.maximumf %sub3A_116, %max3A_118 : vector<640x512xf32>
      %mul3A_120 = arith.mulf %max3A_115, %max3A_119 : vector<640x512xf32>
      %sub3A_121 = arith.subf %broadcast_in_dim3A_97, %broadcast_in_dim3A_85 : vector<640x1xf32>
      %sub3A_122 = arith.subf %broadcast_in_dim3A_103, %broadcast_in_dim3A_91 : vector<640x1xf32>
      %mul3A_123 = arith.mulf %sub3A_121, %sub3A_122 : vector<640x1xf32>
      %add3A_124 = vector.broadcast %mul3A_123 : vector<640x1xf32> to vector<640x512xf32>
      %add3A_125 = arith.addf %add3A_124, %mul3A : vector<640x512xf32>
      %sub3A_126 = arith.subf %add3A_125, %mul3A_120 : vector<640x512xf32>
      %add3A_127 = arith.constant 9.99999971E-10 : f32
      %add3A_128 = vector.broadcast %add3A_127 : f32 to vector<640x512xf32>
      %add3A_129 = arith.addf %sub3A_126, %add3A_128 : vector<640x512xf32>
      %div3A = arith.divf %mul3A_120, %add3A_129 : vector<640x512xf32>
      %gt3A_130 = arith.constant 6.500000e-01 : f32
      %gt3A_131 = vector.broadcast %gt3A_130 : f32 to vector<640x512xf32>
      %gt3A_132 = arith.cmpf ogt, %div3A, %gt3A_131 : vector<640x512xf32>
      %or3A = arith.ori %gt3A_132, %eq3A_80 : vector<640x512xi1>
      %jit3A_133 = arith.constant -1.000000e+00 : f32
      %broadcast_in_dim3A_134 = vector.broadcast %jit3A_133 : f32 to vector<640x512xf32>
      %select_n3A_135 = arith.select %or3A, %broadcast_in_dim3A_134, %scan3A_67 : vector<640x512xi1>, vector<640x512xf32>
      %eq3A_136 = vector.broadcast %scan3A_66 : i32 to vector<1x128xi32>
      %eq3A_137 = arith.cmpi eq, %iota3A_34, %eq3A_136 : vector<1x128xi32>
      %jit3A_138 = arith.constant -1.000000e+00 : f32
      %broadcast_in_dim3A_139 = vector.broadcast %jit3A_138 : f32 to vector<640x1xf32>
      %select_n3A_140 = arith.select %gt3A_105, %broadcast_in_dim3A_74, %broadcast_in_dim3A_139 : vector<640x1xi1>, vector<640x1xf32>
      %broadcast_in_dim3A_141 = vector.shape_cast %eq3A_137 : vector<1x128xi1> to vector<1x128xi1>
      %broadcast_in_dim3A_142 = vector.broadcast %broadcast_in_dim3A_141 : vector<1x128xi1> to vector<640x128xi1>
      %broadcast_in_dim3A_143 = vector.shape_cast %select_n3A_140 : vector<640x1xf32> to vector<640x1xf32>
      %broadcast_in_dim3A_144 = vector.broadcast %broadcast_in_dim3A_143 : vector<640x1xf32> to vector<640x128xf32>
      %select_n3A_145 = arith.select %broadcast_in_dim3A_142, %broadcast_in_dim3A_144, %scan3A_68 : vector<640x128xi1>, vector<640x128xf32>
      %jit3A_146 = arith.constant 0.000000e+00 : f32
      %broadcast_in_dim3A_147 = vector.broadcast %jit3A_146 : f32 to vector<640x1xf32>
      %select_n3A_148 = arith.select %gt3A_105, %broadcast_in_dim3A_85, %broadcast_in_dim3A_147 : vector<640x1xi1>, vector<640x1xf32>
      %broadcast_in_dim3A_149 = vector.shape_cast %eq3A_137 : vector<1x128xi1> to vector<1x128xi1>
      %broadcast_in_dim3A_150 = vector.broadcast %broadcast_in_dim3A_149 : vector<1x128xi1> to vector<640x128xi1>
      %broadcast_in_dim3A_151 = vector.shape_cast %select_n3A_148 : vector<640x1xf32> to vector<640x1xf32>
      %broadcast_in_dim3A_152 = vector.broadcast %broadcast_in_dim3A_151 : vector<640x1xf32> to vector<640x128xf32>
      %select_n3A_153 = arith.select %broadcast_in_dim3A_150, %broadcast_in_dim3A_152, %scan3A_69 : vector<640x128xi1>, vector<640x128xf32>
      %jit3A_154 = arith.constant 0.000000e+00 : f32
      %broadcast_in_dim3A_155 = vector.broadcast %jit3A_154 : f32 to vector<640x1xf32>
      %select_n3A_156 = arith.select %gt3A_105, %broadcast_in_dim3A_91, %broadcast_in_dim3A_155 : vector<640x1xi1>, vector<640x1xf32>
      %broadcast_in_dim3A_157 = vector.shape_cast %eq3A_137 : vector<1x128xi1> to vector<1x128xi1>
      %broadcast_in_dim3A_158 = vector.broadcast %broadcast_in_dim3A_157 : vector<1x128xi1> to vector<640x128xi1>
      %broadcast_in_dim3A_159 = vector.shape_cast %select_n3A_156 : vector<640x1xf32> to vector<640x1xf32>
      %broadcast_in_dim3A_160 = vector.broadcast %broadcast_in_dim3A_159 : vector<640x1xf32> to vector<640x128xf32>
      %select_n3A_161 = arith.select %broadcast_in_dim3A_158, %broadcast_in_dim3A_160, %scan3A_70 : vector<640x128xi1>, vector<640x128xf32>
      %jit3A_162 = arith.constant 0.000000e+00 : f32
      %broadcast_in_dim3A_163 = vector.broadcast %jit3A_162 : f32 to vector<640x1xf32>
      %select_n3A_164 = arith.select %gt3A_105, %broadcast_in_dim3A_97, %broadcast_in_dim3A_163 : vector<640x1xi1>, vector<640x1xf32>
      %broadcast_in_dim3A_165 = vector.shape_cast %eq3A_137 : vector<1x128xi1> to vector<1x128xi1>
      %broadcast_in_dim3A_166 = vector.broadcast %broadcast_in_dim3A_165 : vector<1x128xi1> to vector<640x128xi1>
      %broadcast_in_dim3A_167 = vector.shape_cast %select_n3A_164 : vector<640x1xf32> to vector<640x1xf32>
      %broadcast_in_dim3A_168 = vector.broadcast %broadcast_in_dim3A_167 : vector<640x1xf32> to vector<640x128xf32>
      %select_n3A_169 = arith.select %broadcast_in_dim3A_166, %broadcast_in_dim3A_168, %scan3A_71 : vector<640x128xi1>, vector<640x128xf32>
      %jit3A_170 = arith.constant 0.000000e+00 : f32
      %broadcast_in_dim3A_171 = vector.broadcast %jit3A_170 : f32 to vector<640x1xf32>
      %select_n3A_172 = arith.select %gt3A_105, %broadcast_in_dim3A_103, %broadcast_in_dim3A_171 : vector<640x1xi1>, vector<640x1xf32>
      %broadcast_in_dim3A_173 = vector.shape_cast %eq3A_137 : vector<1x128xi1> to vector<1x128xi1>
      %broadcast_in_dim3A_174 = vector.broadcast %broadcast_in_dim3A_173 : vector<1x128xi1> to vector<640x128xi1>
      %broadcast_in_dim3A_175 = vector.shape_cast %select_n3A_172 : vector<640x1xf32> to vector<640x1xf32>
      %broadcast_in_dim3A_176 = vector.broadcast %broadcast_in_dim3A_175 : vector<640x1xf32> to vector<640x128xf32>
      %select_n3A_177 = arith.select %broadcast_in_dim3A_174, %broadcast_in_dim3A_176, %scan3A_72 : vector<640x128xi1>, vector<640x128xf32>
      scf.yield %select_n3A_135, %select_n3A_145, %select_n3A_153, %select_n3A_161, %select_n3A_169, %select_n3A_177 : vector<640x512xf32>, vector<640x128xf32>, vector<640x128xf32>, vector<640x128xf32>, vector<640x128xf32>, vector<640x128xf32>
    }
    %scan3A_42 = arith.constant 100 : i32
    %reshape3A = vector.shape_cast %scan3A_41#1 : vector<640x128xf32> to vector<8x80x128xf32>
    %reshape3A_43 = vector.shape_cast %scan3A_41#2 : vector<640x128xf32> to vector<8x80x128xf32>
    %reshape3A_44 = vector.shape_cast %scan3A_41#3 : vector<640x128xf32> to vector<8x80x128xf32>
    %reshape3A_45 = vector.shape_cast %scan3A_41#4 : vector<640x128xf32> to vector<8x80x128xf32>
    %reshape3A_46 = vector.shape_cast %scan3A_41#5 : vector<640x128xf32> to vector<8x80x128xf32>
    %iota3A_47 = tpu.iota {dimensions = array<i32: 1>} : vector<8x80x128xi32>
    %mul3A_48 = arith.constant 128 : i32
    %mul3A_49 = vector.broadcast %mul3A_48 : i32 to vector<8x80x128xi32>
    %mul3A_50 = arith.muli %iota3A_47, %mul3A_49 : vector<8x80x128xi32>
    %iota3A_51 = tpu.iota {dimensions = array<i32: 2>} : vector<8x80x128xi32>
    %add3A = arith.addi %mul3A_50, %iota3A_51 : vector<8x80x128xi32>
    %convert_element_type3A_52 = arith.sitofp %add3A : vector<8x80x128xi32> to vector<8x80x128xf32>
    %iota3A_53 = tpu.iota {dimensions = array<i32: 2>} : vector<1x1x8xi32>
    %iota3A_54 = tpu.iota {dimensions = array<i32: 1>} : vector<1x100x1xi32>
    %broadcast_in_dim3A_55 = arith.constant 0.000000e+00 : f32
    %broadcast_in_dim3A_56 = vector.broadcast %broadcast_in_dim3A_55 : f32 to vector<8x100x8xf32>
    %scan3A_57 = arith.constant 0 : i32
    %scan3A_58 = arith.constant 100 : i32
    %scan3A_59 = arith.addi %scan3A_57, %scan3A_58 : i32
    %scan3A_60 = arith.constant 1 : i32
    %scan3A_61:2 = scf.for %scan3A_66 = %scan3A_57 to %scan3A_59 step %scan3A_60 iter_args(%scan3A_67 = %reshape3A, %scan3A_68 = %broadcast_in_dim3A_56) -> (vector<8x80x128xf32>, vector<8x100x8xf32>)  : i32 {
      %reduce_max3A = arith.constant dense<0xFF800000> : vector<8xf32>
      %reduce_max3A_69 = vector.multi_reduction <maximumf>, %scan3A_67, %reduce_max3A [1, 2] : vector<8x80x128xf32> to vector<8xf32>
      %broadcast_in_dim3A_70 = vector.shape_cast %reduce_max3A_69 : vector<8xf32> to vector<8x1x1xf32>
      %eq3A = vector.broadcast %broadcast_in_dim3A_70 : vector<8x1x1xf32> to vector<8x80x128xf32>
      %eq3A_71 = arith.cmpf oeq, %scan3A_67, %eq3A : vector<8x80x128xf32>
      %jit3A = arith.constant 3.000000e+07 : f32
      %broadcast_in_dim3A_72 = vector.broadcast %jit3A : f32 to vector<8x80x128xf32>
      %select_n3A = arith.select %eq3A_71, %convert_element_type3A_52, %broadcast_in_dim3A_72 : vector<8x80x128xi1>, vector<8x80x128xf32>
      %reduce_min3A = arith.constant dense<0x7F800000> : vector<8xf32>
      %reduce_min3A_73 = vector.multi_reduction <minimumf>, %select_n3A, %reduce_min3A [1, 2] : vector<8x80x128xf32> to vector<8xf32>
      %broadcast_in_dim3A_74 = vector.shape_cast %reduce_min3A_73 : vector<8xf32> to vector<8x1x1xf32>
      %eq3A_75 = vector.broadcast %broadcast_in_dim3A_74 : vector<8x1x1xf32> to vector<8x80x128xf32>
      %eq3A_76 = arith.cmpf oeq, %convert_element_type3A_52, %eq3A_75 : vector<8x80x128xf32>
      %jit3A_77 = arith.constant 0.000000e+00 : f32
      %broadcast_in_dim3A_78 = vector.broadcast %jit3A_77 : f32 to vector<8x80x128xf32>
      %select_n3A_79 = arith.select %eq3A_76, %reshape3A_43, %broadcast_in_dim3A_78 : vector<8x80x128xi1>, vector<8x80x128xf32>
      %reduce_sum3A = arith.constant dense<0.000000e+00> : vector<8xf32>
      %reduce_sum3A_80 = vector.multi_reduction <add>, %select_n3A_79, %reduce_sum3A [1, 2] : vector<8x80x128xf32> to vector<8xf32>
      %broadcast_in_dim3A_81 = vector.shape_cast %reduce_sum3A_80 : vector<8xf32> to vector<8x1x1xf32>
      %jit3A_82 = arith.constant 0.000000e+00 : f32
      %broadcast_in_dim3A_83 = vector.broadcast %jit3A_82 : f32 to vector<8x80x128xf32>
      %select_n3A_84 = arith.select %eq3A_76, %reshape3A_44, %broadcast_in_dim3A_83 : vector<8x80x128xi1>, vector<8x80x128xf32>
      %reduce_sum3A_85 = arith.constant dense<0.000000e+00> : vector<8xf32>
      %reduce_sum3A_86 = vector.multi_reduction <add>, %select_n3A_84, %reduce_sum3A_85 [1, 2] : vector<8x80x128xf32> to vector<8xf32>
      %broadcast_in_dim3A_87 = vector.shape_cast %reduce_sum3A_86 : vector<8xf32> to vector<8x1x1xf32>
      %jit3A_88 = arith.constant 0.000000e+00 : f32
      %broadcast_in_dim3A_89 = vector.broadcast %jit3A_88 : f32 to vector<8x80x128xf32>
      %select_n3A_90 = arith.select %eq3A_76, %reshape3A_45, %broadcast_in_dim3A_89 : vector<8x80x128xi1>, vector<8x80x128xf32>
      %reduce_sum3A_91 = arith.constant dense<0.000000e+00> : vector<8xf32>
      %reduce_sum3A_92 = vector.multi_reduction <add>, %select_n3A_90, %reduce_sum3A_91 [1, 2] : vector<8x80x128xf32> to vector<8xf32>
      %broadcast_in_dim3A_93 = vector.shape_cast %reduce_sum3A_92 : vector<8xf32> to vector<8x1x1xf32>
      %jit3A_94 = arith.constant 0.000000e+00 : f32
      %broadcast_in_dim3A_95 = vector.broadcast %jit3A_94 : f32 to vector<8x80x128xf32>
      %select_n3A_96 = arith.select %eq3A_76, %reshape3A_46, %broadcast_in_dim3A_95 : vector<8x80x128xi1>, vector<8x80x128xf32>
      %reduce_sum3A_97 = arith.constant dense<0.000000e+00> : vector<8xf32>
      %reduce_sum3A_98 = vector.multi_reduction <add>, %select_n3A_96, %reduce_sum3A_97 [1, 2] : vector<8x80x128xf32> to vector<8xf32>
      %broadcast_in_dim3A_99 = vector.shape_cast %reduce_sum3A_98 : vector<8xf32> to vector<8x1x1xf32>
      %div3A = arith.constant 1.280000e+02 : f32
      %div3A_100 = vector.broadcast %div3A : f32 to vector<8x1x1xf32>
      %div3A_101 = arith.divf %broadcast_in_dim3A_74, %div3A_100 : vector<8x1x1xf32>
      %floor3A = math.floor %div3A_101 : vector<8x1x1xf32>
      %gt3A = arith.constant 0.00999999977 : f32
      %gt3A_102 = vector.broadcast %gt3A : f32 to vector<8x1x1xf32>
      %gt3A_103 = arith.cmpf ogt, %broadcast_in_dim3A_70, %gt3A_102 : vector<8x1x1xf32>
      %jit3A_104 = arith.constant -1.000000e+00 : f32
      %broadcast_in_dim3A_105 = vector.broadcast %jit3A_104 : f32 to vector<8x1x1xf32>
      %select_n3A_106 = arith.select %gt3A_103, %broadcast_in_dim3A_70, %broadcast_in_dim3A_105 : vector<8x1x1xi1>, vector<8x1x1xf32>
      %jit3A_107 = arith.constant -1.000000e+00 : f32
      %broadcast_in_dim3A_108 = vector.broadcast %jit3A_107 : f32 to vector<8x1x1xf32>
      %select_n3A_109 = arith.select %gt3A_103, %floor3A, %broadcast_in_dim3A_108 : vector<8x1x1xi1>, vector<8x1x1xf32>
      %eq3A_110 = arith.constant 0 : i32
      %eq3A_111 = vector.broadcast %eq3A_110 : i32 to vector<1x1x8xi32>
      %eq3A_112 = arith.cmpi eq, %iota3A_53, %eq3A_111 : vector<1x1x8xi32>
      %eq3A_113 = arith.constant 1 : i32
      %eq3A_114 = vector.broadcast %eq3A_113 : i32 to vector<1x1x8xi32>
      %eq3A_115 = arith.cmpi eq, %iota3A_53, %eq3A_114 : vector<1x1x8xi32>
      %eq3A_116 = arith.constant 2 : i32
      %eq3A_117 = vector.broadcast %eq3A_116 : i32 to vector<1x1x8xi32>
      %eq3A_118 = arith.cmpi eq, %iota3A_53, %eq3A_117 : vector<1x1x8xi32>
      %eq3A_119 = arith.constant 3 : i32
      %eq3A_120 = vector.broadcast %eq3A_119 : i32 to vector<1x1x8xi32>
      %eq3A_121 = arith.cmpi eq, %iota3A_53, %eq3A_120 : vector<1x1x8xi32>
      %eq3A_122 = arith.constant 4 : i32
      %eq3A_123 = vector.broadcast %eq3A_122 : i32 to vector<1x1x8xi32>
      %eq3A_124 = arith.cmpi eq, %iota3A_53, %eq3A_123 : vector<1x1x8xi32>
      %broadcast_in_dim3A_125 = vector.shape_cast %eq3A_124 : vector<1x1x8xi1> to vector<1x1x8xi1>
      %broadcast_in_dim3A_126 = vector.broadcast %broadcast_in_dim3A_125 : vector<1x1x8xi1> to vector<8x1x8xi1>
      %broadcast_in_dim3A_127 = vector.shape_cast %select_n3A_106 : vector<8x1x1xf32> to vector<8x1x1xf32>
      %broadcast_in_dim3A_128 = vector.broadcast %broadcast_in_dim3A_127 : vector<8x1x1xf32> to vector<8x1x8xf32>
      %broadcast_in_dim3A_129 = vector.shape_cast %select_n3A_109 : vector<8x1x1xf32> to vector<8x1x1xf32>
      %broadcast_in_dim3A_130 = vector.broadcast %broadcast_in_dim3A_129 : vector<8x1x1xf32> to vector<8x1x8xf32>
      %select_n3A_131 = arith.select %broadcast_in_dim3A_126, %broadcast_in_dim3A_128, %broadcast_in_dim3A_130 : vector<8x1x8xi1>, vector<8x1x8xf32>
      %broadcast_in_dim3A_132 = vector.shape_cast %eq3A_121 : vector<1x1x8xi1> to vector<1x1x8xi1>
      %broadcast_in_dim3A_133 = vector.broadcast %broadcast_in_dim3A_132 : vector<1x1x8xi1> to vector<8x1x8xi1>
      %broadcast_in_dim3A_134 = vector.shape_cast %broadcast_in_dim3A_99 : vector<8x1x1xf32> to vector<8x1x1xf32>
      %broadcast_in_dim3A_135 = vector.broadcast %broadcast_in_dim3A_134 : vector<8x1x1xf32> to vector<8x1x8xf32>
      %select_n3A_136 = arith.select %broadcast_in_dim3A_133, %broadcast_in_dim3A_135, %select_n3A_131 : vector<8x1x8xi1>, vector<8x1x8xf32>
      %broadcast_in_dim3A_137 = vector.shape_cast %eq3A_118 : vector<1x1x8xi1> to vector<1x1x8xi1>
      %broadcast_in_dim3A_138 = vector.broadcast %broadcast_in_dim3A_137 : vector<1x1x8xi1> to vector<8x1x8xi1>
      %broadcast_in_dim3A_139 = vector.shape_cast %broadcast_in_dim3A_93 : vector<8x1x1xf32> to vector<8x1x1xf32>
      %broadcast_in_dim3A_140 = vector.broadcast %broadcast_in_dim3A_139 : vector<8x1x1xf32> to vector<8x1x8xf32>
      %select_n3A_141 = arith.select %broadcast_in_dim3A_138, %broadcast_in_dim3A_140, %select_n3A_136 : vector<8x1x8xi1>, vector<8x1x8xf32>
      %broadcast_in_dim3A_142 = vector.shape_cast %eq3A_115 : vector<1x1x8xi1> to vector<1x1x8xi1>
      %broadcast_in_dim3A_143 = vector.broadcast %broadcast_in_dim3A_142 : vector<1x1x8xi1> to vector<8x1x8xi1>
      %broadcast_in_dim3A_144 = vector.shape_cast %broadcast_in_dim3A_87 : vector<8x1x1xf32> to vector<8x1x1xf32>
      %broadcast_in_dim3A_145 = vector.broadcast %broadcast_in_dim3A_144 : vector<8x1x1xf32> to vector<8x1x8xf32>
      %select_n3A_146 = arith.select %broadcast_in_dim3A_143, %broadcast_in_dim3A_145, %select_n3A_141 : vector<8x1x8xi1>, vector<8x1x8xf32>
      %broadcast_in_dim3A_147 = vector.shape_cast %eq3A_112 : vector<1x1x8xi1> to vector<1x1x8xi1>
      %broadcast_in_dim3A_148 = vector.broadcast %broadcast_in_dim3A_147 : vector<1x1x8xi1> to vector<8x1x8xi1>
      %broadcast_in_dim3A_149 = vector.shape_cast %broadcast_in_dim3A_81 : vector<8x1x1xf32> to vector<8x1x1xf32>
      %broadcast_in_dim3A_150 = vector.broadcast %broadcast_in_dim3A_149 : vector<8x1x1xf32> to vector<8x1x8xf32>
      %select_n3A_151 = arith.select %broadcast_in_dim3A_148, %broadcast_in_dim3A_150, %select_n3A_146 : vector<8x1x8xi1>, vector<8x1x8xf32>
      %eq3A_152 = vector.broadcast %scan3A_66 : i32 to vector<1x100x1xi32>
      %eq3A_153 = arith.cmpi eq, %iota3A_54, %eq3A_152 : vector<1x100x1xi32>
      %broadcast_in_dim3A_154 = vector.shape_cast %eq3A_153 : vector<1x100x1xi1> to vector<1x100x1xi1>
      %broadcast_in_dim3A_155 = vector.broadcast %broadcast_in_dim3A_154 : vector<1x100x1xi1> to vector<8x100x8xi1>
      %broadcast_in_dim3A_156 = vector.shape_cast %select_n3A_151 : vector<8x1x8xf32> to vector<8x1x8xf32>
      %broadcast_in_dim3A_157 = vector.broadcast %broadcast_in_dim3A_156 : vector<8x1x8xf32> to vector<8x100x8xf32>
      %select_n3A_158 = arith.select %broadcast_in_dim3A_155, %broadcast_in_dim3A_157, %scan3A_68 : vector<8x100x8xi1>, vector<8x100x8xf32>
      %jit3A_159 = arith.constant -2.000000e+00 : f32
      %broadcast_in_dim3A_160 = vector.broadcast %jit3A_159 : f32 to vector<8x80x128xf32>
      %select_n3A_161 = arith.select %eq3A_76, %broadcast_in_dim3A_160, %scan3A_67 : vector<8x80x128xi1>, vector<8x80x128xf32>
      scf.yield %select_n3A_161, %select_n3A_158 : vector<8x80x128xf32>, vector<8x100x8xf32>
    }
    %scan3A_62 = arith.constant 100 : i32
    %slice3A = vector.extract_strided_slice %scan3A_61#1 {offsets = [0, 0, 0], sizes = [8, 100, 6], strides = [1, 1, 1]} : vector<8x100x8xf32> to vector<8x100x6xf32>
    %swap3A = arith.constant 0 : index
    %swap3A_63 = arith.constant 0 : index
    %swap3A_64 = arith.constant 0 : index
    %swap3A_65 = vector.load %arg10[%swap3A, %swap3A_63, %swap3A_64] : memref<8x100x6xf32, #tpu.memory_space<vmem>>, vector<8x100x6xf32>
    tpu.vector_store %arg10[%swap3A, %swap3A_63, %swap3A_64], %slice3A {strides = array<i32>} : memref<8x100x6xf32, #tpu.memory_space<vmem>>, vector<8x100x6xf32>,
    return
  }
}

</mosaic_0001>

<sc_bundles>
// kernel: kernel.10.cloned.1.call-start
scs
__scs_entry_jumppad:
0x0: {  	(pc) =	sbr.rel $0x88, $3  }
0x1: {  	(tag) =	ssettag $0x0;
	lr =	simm.s32 $0x1  }
0x2: {  	[smem:$0x3F9E] =	sst lr;
	_ =	strace $0xD0000000  }
0x3: {  	_ = 	snop  }
0x4: {  	_ = 	snop  }
0x5: {  	_ = 	snop  }
0x6: {  	_ = 	snop  }
0x7: {  	_ = 	snop  }
__scs_overlays_trampoline_lowered:
0x8: {  	[smem:$0x3FAD] =	sst s0  }
0x9: {  	[smem:$0x3FAE] =	sst s1  }
0xa: {  	[smem:$0x3FAF] =	sst s2  }
0xb: {  	[smem:$0x3FB0] =	sst s3  }
0xc: {  	[smem:$0x3FB1] =	sst s4  }
0xd: {  	[smem:$0x3FB2] =	sst s5  }
0xe: {  	[smem:$0x3FB3] =	sst s6  }
0xf: {  	[smem:$0x3FB4] =	sst s7  }
0x10: {  	[smem:$0x3FB5] =	sst s8  }
0x11: {  	[smem:$0x3FB6] =	sst s9;
	s0 =	simm.s32 @!p0 $0x0  }
0x12: {  	s1 =	sld [smem:$0x3F9C];
	s0 =	simm.s32 @p0 $0x1  }
0x13: {  	[smem:$0x3FB7] =	sst s0;
	s0 =	simm.s32 @!p1 $0x0  }
0x14: {  	s2 =	sld [smem:$0x3F9B];
	s0 =	simm.s32 @p1 $0x1  }
0x15: {  	[smem:$0x3FB8] =	sst s0;
	s0 =	simm.s32 @!p2 $0x0  }
0x16: {  	s3 =	sld [smem:$0x3FDB];
	s0 =	simm.s32 @p2 $0x1  }
0x17: {  	s4 =	simm.s32 $0x1BF5;
	[smem:$0x3FBA] =	sst s0  }
0x18: {  	s0 =	sld [smem:$0x3F9D];
	_ =	swait.ge [sflag:s4], $0x0  }
0x19: {  	s7 =	sld [smem:$0x3F9E]  }
0x1a: {  	s8 =	sadd.s32 $0xFFFFE003, lr  }
0x1b: {  	s9 =	sadd.s32 $0xFFFFFEF7, lr;
	s5 =	simm.s32 $0xFFFFFFFF;
	p2 =	slt.u32 s8, $0xFFFFF086  }
0x1c: {  	p1 =	slt.u32 s9, $0xF7A;
	s5 =	simm.s32 @!p2 $0x0  }
0x1d: {  	s5 =	simm.s32 @p1 $0x1;
	p0 =	seq.s32 s7, s2  }
0x1e: {  	s7 =	smul.u32 @!p0 $0xF7A, s2;
	p2 =	seq.s32 @!p0 s5, $0x0  }
0x1f: {  	s9 =	smul.u32 $0xF7A, s1;
	s8 =	simm.s32 @!p0 $0x1BF5;
	p2 =	por !p2, p0  }
0x20: {  	[sflag:s8] =	ssyncset.s32 @!p0 $0xFFFFF086;
	s6 =	sadd.s32 @!p0 s3, s7;
	s7 =	simm.s32 @!p0 $0x108  }
0x21: {  	s3 =	sadd.s32 s3, s9;
	s6 =	sadd.s32 @!p0 $0x88, s6;
	s7 =	simm.s32 @p2 $0x1082  }
0x22: {  	[simem:s7], [sflag:s8] =	dma.local @!p0 [hbm:s6], $0xF7A  }
0x23: {  	s9 =	sor.u32 $0xD0000000, s2;
	s6 =	simm.s32 $0x108;
	_ =	swait.ge @!p0 [sflag:s8], $0x0  }
0x24: {  	s3 =	sadd.s32 $0x88, s3;
	s6 =	simm.s32 @!p1 $0x1082;
	[sflag:s4] =	ssyncset.s32 $0xFFFFF086  }
0x25: {  	[simem:s6], [sflag:s4] =	dma.local [hbm:s3], $0xF7A  }
0x26: {  	[smem:$0x3F9E] =	sst s1;
	(tag) =	ssettag s2;
	_ =	strace s9  }
0x27: {  	s1 =	sld [smem:$0x3FAE]  }
0x28: {  	s2 =	sld [smem:$0x3FAF]  }
0x29: {  	s4 =	sld [smem:$0x3FB1]  }
0x2a: {  	p0 =	seq.s32 s5, $0x0;
	s5 =	sld [smem:$0x3FB2]  }
0x2b: {  	s6 =	sld [smem:$0x3FB3]  }
0x2c: {  	s7 =	sld [smem:$0x3FB4]  }
0x2d: {  	s3 =	simm.s32 $0x108;
	s8 =	sld [smem:$0x3FB5]  }
0x2e: {  	s3 =	simm.s32 @!p0 $0x1082;
	s9 =	sld [smem:$0x3FB6]  }
0x2f: {  	lr =	sadd.s32 s0, s3;
	s0 =	sld [smem:$0x3FAD]  }
0x30: {  	s3 =	sld [smem:$0x3FB0]  }
0x31: {  	[smem:$0x3FB9] =	sst s10  }
0x32: {  	s10 =	sld [smem:$0x3FB7];
	_ =	sdelay $0x3  }
0x33: {  	p0 =	seq.s32 s10, $0x1;
	s10 =	sld [smem:$0x3FB9];
	_ =	sdelay $0x3  }
0x34: {  	[smem:$0x3FB9] =	sst s10  }
0x35: {  	s10 =	sld [smem:$0x3FB8];
	_ =	sdelay $0x3  }
0x36: {  	p1 =	seq.s32 s10, $0x1;
	s10 =	sld [smem:$0x3FB9];
	_ =	sdelay $0x3  }
0x37: {  	[smem:$0x3FB9] =	sst s10  }
0x38: {  	s10 =	sld [smem:$0x3FBA]  }
0x39: {  	_ = 	snop;
	(pc) =	sbr.ind lr, $3  }
0x3a: {  	_ = 	snop  }
0x3b: {  	_ = 	snop  }
0x3c: {  	p2 =	seq.s32 s10, $0x1;
	s10 =	sld [smem:$0x3FB9]  }
0x3d: {  	_ =	shalt  }
0x3e: {  	_ =	shalt  }
0x3f: {  	_ =	shalt  }
0x40: {  	_ =	shalt  }
0x41: {  	_ =	shalt  }
0x42: {  	_ =	shalt  }
0x43: {  	_ =	shalt  }
0x44: {  	_ =	shalt  }
0x45: {  	_ =	shalt  }
0x46: {  	_ =	shalt  }
0x47: {  	_ =	shalt  }
0x48: {  	_ =	shalt  }
0x49: {  	_ =	shalt  }
0x4a: {  	_ =	shalt  }
0x4b: {  	_ =	shalt  }
0x4c: {  	_ =	shalt  }
0x4d: {  	_ =	shalt  }
0x4e: {  	_ =	shalt  }
0x4f: {  	_ =	shalt  }
0x50: {  	_ =	shalt  }
0x51: {  	_ =	shalt  }
0x52: {  	_ =	shalt  }
0x53: {  	_ =	shalt  }
0x54: {  	_ =	shalt  }
0x55: {  	_ =	shalt  }
0x56: {  	_ =	shalt  }
0x57: {  	_ =	shalt  }
0x58: {  	_ =	shalt  }
0x59: {  	_ =	shalt  }
0x5a: {  	_ =	shalt  }
0x5b: {  	_ =	shalt  }
0x5c: {  	_ =	shalt  }
0x5d: {  	_ =	shalt  }
0x5e: {  	_ =	shalt  }
0x5f: {  	_ =	shalt  }
0x60: {  	_ =	shalt  }
0x61: {  	_ =	shalt  }
0x62: {  	_ =	shalt  }
0x63: {  	_ =	shalt  }
0x64: {  	_ =	shalt  }
0x65: {  	_ =	shalt  }
0x66: {  	_ =	shalt  }
0x67: {  	_ =	shalt  }
0x68: {  	_ =	shalt  }
0x69: {  	_ =	shalt  }
0x6a: {  	_ =	shalt  }
0x6b: {  	_ =	shalt  }
0x6c: {  	_ =	shalt  }
0x6d: {  	_ =	shalt  }
0x6e: {  	_ =	shalt  }
0x6f: {  	_ =	shalt  }
0x70: {  	_ =	shalt  }
0x71: {  	_ =	shalt  }
0x72: {  	_ =	shalt  }
0x73: {  	_ =	shalt  }
0x74: {  	_ =	shalt  }
0x75: {  	_ =	shalt  }
0x76: {  	_ =	shalt  }
0x77: {  	_ =	shalt  }
0x78: {  	_ =	shalt  }
0x79: {  	_ =	shalt  }
0x7a: {  	_ =	shalt  }
0x7b: {  	_ =	shalt  }
0x7c: {  	_ =	shalt  }
0x7d: {  	_ =	shalt  }
0x7e: {  	_ =	shalt  }
0x7f: {  	_ =	shalt  }
0x80: {  	_ =	shalt  }
0x81: {  	_ =	shalt  }
0x82: {  	_ =	shalt  }
0x83: {  	_ =	shalt  }
0x84: {  	_ =	shalt  }
0x85: {  	_ =	shalt  }
0x86: {  	_ =	shalt  }
0x87: {  	_ =	shalt  }
.Lfunc_end0:
.L_simem_size_0:
called_computation.1_lowered:
.L_overlay_start_0:
0x88: {  	s2 =	sld [smem:$0x3FD9]  }
0x89: {  	s3 =	sld [smem:$0x3FFE];
	_ =	sdelay $0x1  }
0x8a: {  	s1 =	srdreg.scid  }
0x8b: {  	s0 =	sand.u32 $0x1, s1  }
0x8c: {  	s16 =	sshll.u32 s0, $0xA;
	s2 =	sadd.s32 s3, s2  }
0x8d: {  	s2 =	sadd.s32 s2, s16  }
0x8e: {  	[smem:$0x3FC5] =	sst s2  }
0x8f: {  	_ = 	snop  }
0x90: {  	(tm) =	ssettm $0x1  }
0x91: {  	s17 =	sld [smem:$0x3FFB];
	_ =	sdelay $0x3  }
0x92: {  	_ =	strace s17  }
0x93: {  	s2 =	sld [smem:$0x3FFC];
	_ =	sdelay $0x3  }
0x94: {  	_ =	strace s2  }
0x95: {  	s2 =	sld [smem:$0x3FFD];
	_ =	sdelay $0x3  }
0x96: {  	_ =	strace s2  }
0x97: {  	_ =	strace $0x8FFFFFFF  }
0x98: {  	s18 =	sld [smem:$0x3FDB];
	_ =	sdelay $0x1  }
0x99: {  	s19 =	simm.s32 $_scs_section_size  }
0x9a: {  	s4 =	simm.s32 $_size__tile_overlayer_lowered;
	s5 =	simm.s32 $_tile_overlayer_lowered  }
0x9b: {  	s22 =	simm.s32 $0x1BFF;
	s21 =	sshll.u32 s5, $0x1;
	s2 =	sadd.s32 s19, s18  }
0x9c: {  	s6 =	simm.s32 $0x0;
	s20 =	sshll.u32 s4, $0x1;
	s4 =	sadd.s32 s21, s2  }
0x9d: {  	[timem:s6], [sflag:s22] =	dma.local [hbm:s4], s20  }
0x9e: {  	_ =	swait.ge [sflag:s22], s20  }
0x9f: {  	s3 =	ssub.s32 $0x0, s20;
	[sflag:s22] =	ssyncset.done $0x0  }
0xa0: {  	[sflag:s22] =	ssyncadd.s32 s3;
	_ =	sdelay $0x1  }
0xa1: {  	s23 =	simm.s32 $0x1B8B  }
0xa2: {  	_ =	swait.ge [sflag:s23], $0x1  }
0xa3: {  	[sflag:s23] =	ssyncset.done $0x0  }
0xa4: {  	s25 =	simm.s32 $0x1B8E;
	s24 =	sld [smem:$0x3FFE];
	[sflag:s23] =	ssyncadd.s32 $0xFFFFFFFF  }
0xa5: {  	s26 =	simm.s32 $execute0_lowered;
	[smem:$0x3FD2] =	sst s25  }
0xa6: {  	s4 =	sshll.u32 s26, $0x1;
	_ =	strace $0x80000046;
	[dreg:$0x1] =	wrdreg $0xFFFFFFFF  }
0xa7: {  	s28 =	simm.s32 $_size_execute0_lowered;
	s2 =	sadd.s32 s2, s4;
	[dreg:$0x0] =	wrdreg $0x0  }
0xa8: {  	s4 =	sshll.u32 s28, $0x1;
	[dreg:$0x2] =	wrdreg s2  }
0xa9: {  	[dreg:$0x3] =	wrdreg s4  }
0xaa: {  	[dreg:$0x4] =	wrdreg $0xC0  }
0xab: {  	_ =	task [dreg:s6], $0x5FFFF  }
0xac: {  	[dreg:$0x1] =	wrdreg $0xFFFFFFFF  }
0xad: {  	[dreg:$0x0] =	wrdreg $0x60  }
0xae: {  	[dreg:$0x2] =	wrdreg s24  }
0xaf: {  	[dreg:$0x3] =	wrdreg $0xA  }
0xb0: {  	_ =	task.clear_ibuf [dreg:s6], $0x4FFFF;
	_ =	strace $0x90000046  }
0xb1: {  	s29 =	simm.s32 $0xA;
	_ =	strace $0x80000048  }
0xb2: {  	_ =	swait.ge [sflag:s29], $0x1  }
0xb3: {  	[sflag:s29] =	ssyncadd.s32 $0xFFFFFFFF  }
0xb4: {  	_ =	strace $0x90000048  }
0xb5: {  	_ =	sfence  }
0xb6: {  	s30 =	sld [smem:$0x0];
	_ =	sdelay $0x2  }
0xb7: {  	s31 =	sshll.u32 s1, $0xD;
	s1 =	sshrl.u32 s1, $0x2  }
0xb8: {  	s3 =	sand.u32 $0x4000, s31;
	s1 =	sadd.s32 s1, s30  }
0xb9: {  	s0 =	sor.u32 s3, s0;
	s1 =	sshll.u32 s1, $0x11  }
0xba: {  	s0 =	sor.u32 s1, s0  }
0xbb: {  	s0 =	sadd.s32 $0x8F2B, s0  }
0xbc: {  	[sflag:s0] =	ssyncadd.remote.s32 $0x1  }
0xbd: {  	_ =	sfence.sel $0xFFFF  }
0xbe: {  	[dreg:$0x0] =	wrdreg $0xFFFFFFFF;
	(pc) =	sbr.abs _section_cstart, $3  }
0xbf: {  	[dreg:$0x1] =	wrdreg $0xFFFFFFFF  }
0xc0: {  	_ =	task.clear_ibuf [dreg:s6], $0x2FFFF;
	_ =	strace $0x9FFFFFFF  }
0xc1: {  	(tm) =	ssettm $0x7FFFFFFF  }
tec
execute0_lowered:
.L_overlay_start_1:
0x0: {  	(tag) =	ssettag $0x1  }
0x1: {  	s0 =	rddreg [dreg:$0x0];
	s2 =	simm.s32 $0x0  }
0x2: {  	s4 =	stileid.u32;
	s1 =	srdreg.scid;
	s16 =	simm.s32 $0x2A00  }
0x3: {  	s17 =	simm.s32 $0x1;
	s18 =	simm.s32 $0x3F00;
	s19 =	simm.s32 $0x5400  }
0x4: {  	s20 =	simm.s32 $0x6900;
	s21 =	simm.s32 $0x1500;
	s22 =	simm.s32 $0x7E00  }
0x5: {  	s29 =	simm.s32 $0x0;
	s3 =	sshrl.u32 s4, $0x2;
	s1 =	sand.u32 $0x1, s1  }
0x6: {  	s4 =	sshll.u32 s4, $0x1;
	[smem:$0x7FF] =	sst s2;
	s5 =	smul.u32 $0x2A0, s3  }
0x7: {  	s6 =	sor.u32 s1, s4;
	_ =	strace $0x80000047;
	s1 =	ssub.s32 $0x2, s1  }
0x8: {  	s3 =	sadd.s32 $0x6000, s0;
	s7 =	smul.u32 $0x280, s6;
	s8 =	sshrl.u32 s1, $0x1  }
0x9: {  	s4 =	sadd.s32 $0x3A800, s0;
	s9 =	sadd.s32 s5, s0;
	s1 =	ssub.s32 s1, s8  }
0xa: {  	s5 =	smul.u32 $0xA, s6;
	s0 =	sadd.s32 s7, s0;
	s6 =	sadd.s32 $0x3000, s9  }
0xb: {  	s7 =	sadd.s32 $0x3C00, s9;
	s8 =	sadd.s32 $0x4800, s9;
	s9 =	sadd.s32 $0x5400, s9  }
0xc: {  	s15 =	smax.u32 s1, $0x1;
	s10 =	sadd.s32 $0x6F000, s0;
	s11 =	sadd.s32 $0x74000, s0  }
0xd: {  	v0 =	vlaneseq.u32;
	s12 =	sadd.s32 $0x79000, s0;
	s13 =	sadd.s32 $0x7E000, s0;
	s14 =	sadd.s32 $0x83000, s0  }
.LBB2_1:
0xe: {  	[tilespmem:s16], [sflag:$0x1] =	stream.linear.gather [hbm4b:s6+s2], $0x1500, $0x38;
	[tilespmem:$0xE400] =	vst v63  }
0xf: {  	_ =	swait.ge [sflag:s17], $0x1500  }
0x10: {  	[sflag:s17] =	ssyncset.done $0x0  }
0x11: {  	[sflag:s17] =	ssyncadd.s32 $0xFFFFEB00  }
0x12: {  	[tilespmem:s18], [sflag:$0x1] =	stream.linear.gather [hbm4b:s7+s2], $0x1500, $0x38;
	[tilespmem:$0xE400] =	vst v63  }
0x13: {  	_ =	swait.ge [sflag:s17], $0x1500  }
0x14: {  	[sflag:s17] =	ssyncset.done $0x0  }
0x15: {  	[sflag:s17] =	ssyncadd.s32 $0xFFFFEB00  }
0x16: {  	[tilespmem:s19], [sflag:$0x1] =	stream.linear.gather [hbm4b:s8+s2], $0x1500, $0x38;
	[tilespmem:$0xE400] =	vst v63  }
0x17: {  	_ =	swait.ge [sflag:s17], $0x1500  }
0x18: {  	[sflag:s17] =	ssyncset.done $0x0  }
0x19: {  	[sflag:s17] =	ssyncadd.s32 $0xFFFFEB00  }
0x1a: {  	[tilespmem:s20], [sflag:$0x1] =	stream.linear.gather [hbm4b:s9+s2], $0x1500, $0x38;
	[tilespmem:$0xE400] =	vst v63  }
0x1b: {  	s30 =	simm.s32 $0xBC40;
	s31 =	simm.s32 $0xA870;
	_ =	swait.ge [sflag:s17], $0x1500  }
0x1c: {  	s0 =	simm.s32 $0x9470;
	s1 =	simm.s32 $0x8070;
	[sflag:s17] =	ssyncset.done $0x0  }
0x1d: {  	s23 =	simm.s32 $0xD040;
	s24 =	simm.s32 $0x0;
	[sflag:s17] =	ssyncadd.s32 $0xFFFFEB00  }
.LBB2_2:
0x1e: {  	s25 =	sadd.s32 s5, s24  }
0x1f: {  	s25 =	smul.u32 $0x2A0, s25;
	_ =	sdelay $0x1  }
0x20: {  	s26 =	sadd.s32 s3, s25  }
0x21: {  	[tilespmem:s2], [sflag:$0x1] =	stream.linear.gather [hbm4b:s26+s2], $0x1500, $0x38;
	[tilespmem:$0xE400] =	vst v63  }
0x22: {  	_ =	swait.ge [sflag:s17], $0x1500  }
0x23: {  	[sflag:s17] =	ssyncset.done $0x0  }
0x24: {  	s25 =	sadd.s32 s4, s25;
	[sflag:s17] =	ssyncadd.s32 $0xFFFFEB00  }
0x25: {  	[tilespmem:s21], [sflag:$0x1] =	stream.linear.gather [hbm4b:s25+s2], $0x1500, $0x38;
	[tilespmem:$0xE400] =	vst v63  }
0x26: {  	_ =	swait.ge [sflag:s17], $0x1500  }
0x27: {  	[sflag:s17] =	ssyncset.done $0x0  }
0x28: {  	s26 =	simm.s32 $0x40;
	s25 =	simm.s32 $0x70;
	[sflag:s17] =	ssyncadd.s32 $0xFFFFEB00  }
.LBB2_3:
0x29: {  	v1 =	vld [tilespmem:s26+$0xFFFFFFC0];
	_ =	sdelay $0x4  }
0x2a: {  	vm0 =	vgt.s32 v1, $0xFFFFFFFF;
	vm1 =	vgt.s32 v1, $0x0  }
0x2b: {  	v1 =	vnsel vm1, $0x0, v1;
	_ =	sdelay $0x2  }
0x2c: {  	s28 =	sadd.s32 $0xFFFFFF90, s25  }
0x2d: {  	v2 =	vor.u32 s28, v0  }
0x2e: {  	[tilespmem:v1+s22+$0x0] =	vst.idx.msk vm0, v2  }
0x2f: {  	v1 =	vld [tilespmem:s26+$0xFFFFFFD0];
	_ =	sdelay $0x4  }
0x30: {  	vm14 =	vgt.s32 v1, $0xFFFFFFFF;
	vm15 =	vgt.s32 v1, $0x0  }
0x31: {  	v1 =	vnsel vm15, $0x0, v1;
	_ =	sdelay $0x2  }
0x32: {  	s28 =	sadd.s32 $0xFFFFFFA0, s25  }
0x33: {  	v2 =	vor.u32 s28, v0  }
0x34: {  	[tilespmem:v1+s22+$0x0] =	vst.idx.msk vm14, v2  }
0x35: {  	v1 =	vld [tilespmem:s26+$0xFFFFFFE0];
	_ =	sdelay $0x4  }
0x36: {  	vm4 =	vgt.s32 v1, $0xFFFFFFFF;
	vm5 =	vgt.s32 v1, $0x0  }
0x37: {  	v1 =	vnsel vm5, $0x0, v1;
	_ =	sdelay $0x2  }
0x38: {  	s28 =	sadd.s32 $0xFFFFFFB0, s25  }
0x39: {  	v2 =	vor.u32 s28, v0  }
0x3a: {  	[tilespmem:v1+s22+$0x0] =	vst.idx.msk vm4, v2  }
0x3b: {  	v1 =	vld [tilespmem:s26+$0xFFFFFFF0];
	_ =	sdelay $0x4  }
0x3c: {  	vm6 =	vgt.s32 v1, $0xFFFFFFFF;
	vm7 =	vgt.s32 v1, $0x0  }
0x3d: {  	v1 =	vnsel vm7, $0x0, v1;
	_ =	sdelay $0x2  }
0x3e: {  	s28 =	sadd.s32 $0xFFFFFFC0, s25  }
0x3f: {  	v2 =	vor.u32 s28, v0  }
0x40: {  	[tilespmem:v1+s22+$0x0] =	vst.idx.msk vm6, v2  }
0x41: {  	v1 =	vld [tilespmem:s26+$0x0];
	_ =	sdelay $0x4  }
0x42: {  	vm8 =	vgt.s32 v1, $0xFFFFFFFF;
	vm9 =	vgt.s32 v1, $0x0  }
0x43: {  	v1 =	vnsel vm9, $0x0, v1;
	_ =	sdelay $0x2  }
0x44: {  	s28 =	sadd.s32 $0xFFFFFFD0, s25  }
0x45: {  	v2 =	vor.u32 s28, v0  }
0x46: {  	[tilespmem:v1+s22+$0x0] =	vst.idx.msk vm8, v2  }
0x47: {  	v1 =	vld [tilespmem:s26+$0x10];
	_ =	sdelay $0x4  }
0x48: {  	vm10 =	vgt.s32 v1, $0xFFFFFFFF;
	vm11 =	vgt.s32 v1, $0x0  }
0x49: {  	v1 =	vnsel vm11, $0x0, v1;
	_ =	sdelay $0x2  }
0x4a: {  	s28 =	sadd.s32 $0xFFFFFFE0, s25  }
0x4b: {  	v2 =	vor.u32 s28, v0  }
0x4c: {  	[tilespmem:v1+s22+$0x0] =	vst.idx.msk vm10, v2  }
0x4d: {  	v1 =	vld [tilespmem:s26+$0x20];
	_ =	sdelay $0x4  }
0x4e: {  	vm12 =	vgt.s32 v1, $0xFFFFFFFF;
	vm13 =	vgt.s32 v1, $0x0  }
0x4f: {  	v1 =	vnsel vm13, $0x0, v1;
	_ =	sdelay $0x2  }
0x50: {  	s28 =	sadd.s32 $0xFFFFFFF0, s25  }
0x51: {  	v2 =	vor.u32 s28, v0  }
0x52: {  	[tilespmem:v1+s22+$0x0] =	vst.idx.msk vm12, v2  }
0x53: {  	v1 =	vld [tilespmem:s26+$0x30];
	_ =	sdelay $0x4  }
0x54: {  	vm14 =	vgt.s32 v1, $0xFFFFFFFF;
	vm15 =	vgt.s32 v1, $0x0  }
0x55: {  	p0 =	sne.s32 s25, $0x14F0;
	v1 =	vnsel vm15, $0x0, v1  }
.Ltmp0:
0x56: {  	_ = 	snop;
	(pc) =	sbr.rel @p0 .LBB2_3-.Ltmp0, $3  }
0x57: {  	_ =	sdelay $0x1  }
0x58: {  	v2 =	vor.u32 s25, v0  }
0x59: {  	s25 =	sadd.s32 $0x80, s25;
	s26 =	sadd.s32 $0x80, s26;
	[tilespmem:v1+s22+$0x0] =	vst.idx.msk vm14, v2  }
0x5a: {  	v1 =	vmov s1;
	v2 =	vmov s0  }
0x5b: {  	s25 =	simm.s32 $0x0;
	v3 =	vmov s31;
	v4 =	vmov s30;
	v5 =	vmov s23  }
.LBB2_5:
0x5c: {  	s26 =	sshra.s32 s25, $0x2  }
0x5d: {  	v6 =	vld [tilespmem:s26+$0x7E00];
	_ =	sdelay $0x7  }
0x5e: {  	v7 =	vld.idx.msk [tilespmem:v6+s21+$0x0], $0xffff;
	_ =	sdelay $0x4  }
0x5f: {  	[tilespmem:v1+s26+$0xFFFFFF90 ss:$0x1] =	vst.idx.msk $0xffff, v7  }
0x60: {  	v7 =	vld.idx.msk [tilespmem:v6+s16+$0x0], $0xffff;
	_ =	sdelay $0x4  }
0x61: {  	[tilespmem:v2+s26+$0xFFFFFF90 ss:$0x1] =	vst.idx.msk $0xffff, v7  }
0x62: {  	v7 =	vld.idx.msk [tilespmem:v6+s18+$0x0], $0xffff;
	_ =	sdelay $0x4  }
0x63: {  	[tilespmem:v3+s26+$0xFFFFFF90 ss:$0x1] =	vst.idx.msk $0xffff, v7  }
0x64: {  	v7 =	vld.idx.msk [tilespmem:v6+s19+$0x0], $0xffff;
	_ =	sdelay $0x4  }
0x65: {  	[tilespmem:v4+s26+$0xFFFFFFC0 ss:$0x1] =	vst.idx.msk $0xffff, v7  }
0x66: {  	v6 =	vld.idx.msk [tilespmem:v6+s20+$0x0], $0xffff;
	_ =	sdelay $0x4  }
0x67: {  	[tilespmem:v5+s26+$0xFFFFFFC0 ss:$0x1] =	vst.idx.msk $0xffff, v6  }
0x68: {  	v6 =	vld [tilespmem:s26+$0x7E10];
	_ =	sdelay $0x7  }
0x69: {  	v7 =	vld.idx.msk [tilespmem:v6+s21+$0x0], $0xffff;
	_ =	sdelay $0x4  }
0x6a: {  	[tilespmem:v1+s26+$0xFFFFFFA0 ss:$0x1] =	vst.idx.msk $0xffff, v7  }
0x6b: {  	v7 =	vld.idx.msk [tilespmem:v6+s16+$0x0], $0xffff;
	_ =	sdelay $0x4  }
0x6c: {  	[tilespmem:v2+s26+$0xFFFFFFA0 ss:$0x1] =	vst.idx.msk $0xffff, v7  }
0x6d: {  	v7 =	vld.idx.msk [tilespmem:v6+s18+$0x0], $0xffff;
	_ =	sdelay $0x4  }
0x6e: {  	[tilespmem:v3+s26+$0xFFFFFFA0 ss:$0x1] =	vst.idx.msk $0xffff, v7  }
0x6f: {  	v7 =	vld.idx.msk [tilespmem:v6+s19+$0x0], $0xffff;
	_ =	sdelay $0x4  }
0x70: {  	[tilespmem:v4+s26+$0xFFFFFFD0 ss:$0x1] =	vst.idx.msk $0xffff, v7  }
0x71: {  	v6 =	vld.idx.msk [tilespmem:v6+s20+$0x0], $0xffff;
	_ =	sdelay $0x4  }
0x72: {  	[tilespmem:v5+s26+$0xFFFFFFD0 ss:$0x1] =	vst.idx.msk $0xffff, v6  }
0x73: {  	v6 =	vld [tilespmem:s26+$0x7E20];
	_ =	sdelay $0x7  }
0x74: {  	v7 =	vld.idx.msk [tilespmem:v6+s21+$0x0], $0xffff;
	_ =	sdelay $0x4  }
0x75: {  	[tilespmem:v1+s26+$0xFFFFFFB0 ss:$0x1] =	vst.idx.msk $0xffff, v7  }
0x76: {  	v7 =	vld.idx.msk [tilespmem:v6+s16+$0x0], $0xffff;
	_ =	sdelay $0x4  }
0x77: {  	[tilespmem:v2+s26+$0xFFFFFFB0 ss:$0x1] =	vst.idx.msk $0xffff, v7  }
0x78: {  	v7 =	vld.idx.msk [tilespmem:v6+s18+$0x0], $0xffff;
	_ =	sdelay $0x4  }
0x79: {  	[tilespmem:v3+s26+$0xFFFFFFB0 ss:$0x1] =	vst.idx.msk $0xffff, v7  }
0x7a: {  	v7 =	vld.idx.msk [tilespmem:v6+s19+$0x0], $0xffff;
	_ =	sdelay $0x4  }
0x7b: {  	[tilespmem:v4+s26+$0xFFFFFFE0 ss:$0x1] =	vst.idx.msk $0xffff, v7  }
0x7c: {  	v6 =	vld.idx.msk [tilespmem:v6+s20+$0x0], $0xffff;
	_ =	sdelay $0x4  }
0x7d: {  	[tilespmem:v5+s26+$0xFFFFFFE0 ss:$0x1] =	vst.idx.msk $0xffff, v6  }
0x7e: {  	v6 =	vld [tilespmem:s26+$0x7E30];
	_ =	sdelay $0x7  }
0x7f: {  	v7 =	vld.idx.msk [tilespmem:v6+s21+$0x0], $0xffff;
	_ =	sdelay $0x4  }
0x80: {  	[tilespmem:v1+s26+$0xFFFFFFC0 ss:$0x1] =	vst.idx.msk $0xffff, v7  }
0x81: {  	v7 =	vld.idx.msk [tilespmem:v6+s16+$0x0], $0xffff;
	_ =	sdelay $0x4  }
0x82: {  	[tilespmem:v2+s26+$0xFFFFFFC0 ss:$0x1] =	vst.idx.msk $0xffff, v7  }
0x83: {  	v7 =	vld.idx.msk [tilespmem:v6+s18+$0x0], $0xffff;
	_ =	sdelay $0x4  }
0x84: {  	[tilespmem:v3+s26+$0xFFFFFFC0 ss:$0x1] =	vst.idx.msk $0xffff, v7  }
0x85: {  	v7 =	vld.idx.msk [tilespmem:v6+s19+$0x0], $0xffff;
	_ =	sdelay $0x4  }
0x86: {  	[tilespmem:v4+s26+$0xFFFFFFF0 ss:$0x1] =	vst.idx.msk $0xffff, v7  }
0x87: {  	v6 =	vld.idx.msk [tilespmem:v6+s20+$0x0], $0xffff;
	_ =	sdelay $0x4  }
0x88: {  	[tilespmem:v5+s26+$0xFFFFFFF0 ss:$0x1] =	vst.idx.msk $0xffff, v6  }
0x89: {  	v6 =	vld [tilespmem:s26+$0x7E40];
	_ =	sdelay $0x7  }
0x8a: {  	v7 =	vld.idx.msk [tilespmem:v6+s21+$0x0], $0xffff;
	_ =	sdelay $0x4  }
0x8b: {  	[tilespmem:v1+s26+$0xFFFFFFD0 ss:$0x1] =	vst.idx.msk $0xffff, v7  }
0x8c: {  	v7 =	vld.idx.msk [tilespmem:v6+s16+$0x0], $0xffff;
	_ =	sdelay $0x4  }
0x8d: {  	[tilespmem:v2+s26+$0xFFFFFFD0 ss:$0x1] =	vst.idx.msk $0xffff, v7  }
0x8e: {  	v7 =	vld.idx.msk [tilespmem:v6+s18+$0x0], $0xffff;
	_ =	sdelay $0x4  }
0x8f: {  	[tilespmem:v3+s26+$0xFFFFFFD0 ss:$0x1] =	vst.idx.msk $0xffff, v7  }
0x90: {  	v7 =	vld.idx.msk [tilespmem:v6+s19+$0x0], $0xffff;
	_ =	sdelay $0x4  }
0x91: {  	[tilespmem:v4+s26+$0x0 ss:$0x1] =	vst.idx.msk $0xffff, v7  }
0x92: {  	v6 =	vld.idx.msk [tilespmem:v6+s20+$0x0], $0xffff;
	_ =	sdelay $0x4  }
0x93: {  	[tilespmem:v5+s26+$0x0 ss:$0x1] =	vst.idx.msk $0xffff, v6  }
0x94: {  	v6 =	vld [tilespmem:s26+$0x7E50];
	_ =	sdelay $0x7  }
0x95: {  	v7 =	vld.idx.msk [tilespmem:v6+s21+$0x0], $0xffff;
	_ =	sdelay $0x4  }
0x96: {  	[tilespmem:v1+s26+$0xFFFFFFE0 ss:$0x1] =	vst.idx.msk $0xffff, v7  }
0x97: {  	v7 =	vld.idx.msk [tilespmem:v6+s16+$0x0], $0xffff;
	_ =	sdelay $0x4  }
0x98: {  	[tilespmem:v2+s26+$0xFFFFFFE0 ss:$0x1] =	vst.idx.msk $0xffff, v7  }
0x99: {  	v7 =	vld.idx.msk [tilespmem:v6+s18+$0x0], $0xffff;
	_ =	sdelay $0x4  }
0x9a: {  	[tilespmem:v3+s26+$0xFFFFFFE0 ss:$0x1] =	vst.idx.msk $0xffff, v7  }
0x9b: {  	v7 =	vld.idx.msk [tilespmem:v6+s19+$0x0], $0xffff;
	_ =	sdelay $0x4  }
0x9c: {  	[tilespmem:v4+s26+$0x10 ss:$0x1] =	vst.idx.msk $0xffff, v7  }
0x9d: {  	v6 =	vld.idx.msk [tilespmem:v6+s20+$0x0], $0xffff;
	_ =	sdelay $0x4  }
0x9e: {  	[tilespmem:v5+s26+$0x10 ss:$0x1] =	vst.idx.msk $0xffff, v6  }
0x9f: {  	v6 =	vld [tilespmem:s26+$0x7E60];
	_ =	sdelay $0x7  }
0xa0: {  	v7 =	vld.idx.msk [tilespmem:v6+s21+$0x0], $0xffff;
	_ =	sdelay $0x4  }
0xa1: {  	[tilespmem:v1+s26+$0xFFFFFFF0 ss:$0x1] =	vst.idx.msk $0xffff, v7  }
0xa2: {  	v7 =	vld.idx.msk [tilespmem:v6+s16+$0x0], $0xffff;
	_ =	sdelay $0x4  }
0xa3: {  	[tilespmem:v2+s26+$0xFFFFFFF0 ss:$0x1] =	vst.idx.msk $0xffff, v7  }
0xa4: {  	v7 =	vld.idx.msk [tilespmem:v6+s18+$0x0], $0xffff;
	_ =	sdelay $0x4  }
0xa5: {  	[tilespmem:v3+s26+$0xFFFFFFF0 ss:$0x1] =	vst.idx.msk $0xffff, v7  }
0xa6: {  	v7 =	vld.idx.msk [tilespmem:v6+s19+$0x0], $0xffff;
	_ =	sdelay $0x4  }
0xa7: {  	[tilespmem:v4+s26+$0x20 ss:$0x1] =	vst.idx.msk $0xffff, v7  }
0xa8: {  	v6 =	vld.idx.msk [tilespmem:v6+s20+$0x0], $0xffff;
	_ =	sdelay $0x4  }
0xa9: {  	[tilespmem:v5+s26+$0x20 ss:$0x1] =	vst.idx.msk $0xffff, v6  }
0xaa: {  	v6 =	vld [tilespmem:s26+$0x7E70];
	_ =	sdelay $0x7  }
0xab: {  	v7 =	vld.idx.msk [tilespmem:v6+s21+$0x0], $0xffff;
	_ =	sdelay $0x4  }
0xac: {  	[tilespmem:v1+s26+$0x0 ss:$0x1] =	vst.idx.msk $0xffff, v7  }
0xad: {  	v7 =	vld.idx.msk [tilespmem:v6+s16+$0x0], $0xffff;
	_ =	sdelay $0x4  }
0xae: {  	[tilespmem:v2+s26+$0x0 ss:$0x1] =	vst.idx.msk $0xffff, v7  }
0xaf: {  	v7 =	vld.idx.msk [tilespmem:v6+s18+$0x0], $0xffff;
	_ =	sdelay $0x4  }
0xb0: {  	[tilespmem:v3+s26+$0x0 ss:$0x1] =	vst.idx.msk $0xffff, v7  }
0xb1: {  	v7 =	vld.idx.msk [tilespmem:v6+s19+$0x0], $0xffff;
	_ =	sdelay $0x4  }
0xb2: {  	[tilespmem:v4+s26+$0x30 ss:$0x1] =	vst.idx.msk $0xffff, v7  }
0xb3: {  	p0 =	sne.s32 s25, $0x600;
	v6 =	vld.idx.msk [tilespmem:v6+s20+$0x0], $0xffff  }
.Ltmp1:
0xb4: {  	_ = 	snop;
	(pc) =	sbr.rel @p0 .LBB2_5-.Ltmp1, $2  }
0xb5: {  	_ =	sdelay $0x2  }
0xb6: {  	s25 =	sadd.s32 $0x200, s25;
	[tilespmem:v5+s26+$0x30 ss:$0x1] =	vst.idx.msk $0xffff, v6  }
0xb7: {  	s24 =	sadd.s32 $0x1, s24  }
0xb8: {  	p0 =	sne.s32 s24, $0xA  }
.Ltmp2:
0xb9: {  	_ = 	snop;
	(pc) =	sbr.rel @p0 .LBB2_2-.Ltmp2, $3  }
0xba: {  	_ =	sdelay $0x1  }
0xbb: {  	s30 =	sadd.s32 $0x200, s30;
	s31 =	sadd.s32 $0x200, s31  }
0xbc: {  	s0 =	sadd.s32 $0x200, s0;
	s1 =	sadd.s32 $0x200, s1;
	s23 =	sadd.s32 $0x200, s23  }
0xbd: {  	s0 =	simm.s32 $0x8000  }
0xbe: {  	[hbm4b:s10+s2] =	stream.linear.scatter [tilespmem:s0], [sflag:$0x1], $0x1400, $0x38;
	[tilespmem:$0xE400] =	vst v63  }
0xbf: {  	_ =	swait.ge [sflag:s17], $0x1400  }
0xc0: {  	[sflag:s17] =	ssyncset.done $0x0  }
0xc1: {  	s26 =	simm.s32 $0x9400;
	[sflag:s17] =	ssyncadd.s32 $0xFFFFEC00  }
0xc2: {  	[hbm4b:s11+s2] =	stream.linear.scatter [tilespmem:s26], [sflag:$0x1], $0x1400, $0x38;
	[tilespmem:$0xE400] =	vst v63  }
0xc3: {  	_ =	swait.ge [sflag:s17], $0x1400  }
0xc4: {  	[sflag:s17] =	ssyncset.done $0x0  }
0xc5: {  	s28 =	simm.s32 $0xA800;
	[sflag:s17] =	ssyncadd.s32 $0xFFFFEC00  }
0xc6: {  	[hbm4b:s12+s2] =	stream.linear.scatter [tilespmem:s28], [sflag:$0x1], $0x1400, $0x38;
	[tilespmem:$0xE400] =	vst v63  }
0xc7: {  	_ =	swait.ge [sflag:s17], $0x1400  }
0xc8: {  	[sflag:s17] =	ssyncset.done $0x0  }
0xc9: {  	s30 =	simm.s32 $0xBC00;
	[sflag:s17] =	ssyncadd.s32 $0xFFFFEC00  }
0xca: {  	[hbm4b:s13+s2] =	stream.linear.scatter [tilespmem:s30], [sflag:$0x1], $0x1400, $0x38;
	[tilespmem:$0xE400] =	vst v63  }
0xcb: {  	s29 =	sadd.s32 $0x1, s29;
	_ =	swait.ge [sflag:s17], $0x1400  }
0xcc: {  	p0 =	sne.s32 s29, s15;
	[sflag:s17] =	ssyncset.done $0x0  }
.Ltmp3:
0xcd: {  	s31 =	simm.s32 $0xD000;
	[sflag:s17] =	ssyncadd.s32 $0xFFFFEC00;
	(pc) =	sbr.rel @p0 .LBB2_1-.Ltmp3, $4  }
0xce: {  	[hbm4b:s14+s2] =	stream.linear.scatter [tilespmem:s31], [sflag:$0x1], $0x1400, $0x38;
	[tilespmem:$0xE400] =	vst v63  }
0xcf: {  	_ =	swait.ge [sflag:s17], $0x1400  }
0xd0: {  	[sflag:s17] =	ssyncset.done $0x0  }
0xd1: {  	[sflag:s17] =	ssyncadd.s32 $0xFFFFEC00  }
0xd2: {  	_ =	sfence.sel $0x180000  }
0xd3: {  	[bflag:$0x0] =	sbarrier.arrive $0xFFFF  }
0xd4: {  	_ =	strace $0x90000047  }
0xd5: {  	s0 =	stileid.u32;
	[bflag:$0x2] =	sbarrier.arrive $0xFFFF  }
0xd6: {  	p0 =	sne.s32 s0, $0x0;
	s0 =	rddreg [dreg:$0x1]  }
0xd7: {  	s0 =	sadd.s32 @!p0 $0x100000, s0  }
0xd8: {  	[sflag:s0] =	ssyncadd.tile.s32 @!p0 $0x1;
	_ =	shalt  }
.Lfunc_end2:
_tile_overlayer_lowered:
.L_overlay_start_2:
0xd9: {  	(tag) =	ssettag $0x2  }
0xda: {  	s0 =	rddreg [dreg:$0x0];
	s2 =	stileid.u32  }
0xdb: {  	s1 =	rddreg [dreg:$0x1];
	p0 =	sne.s32 s2, $0x0  }
0xdc: {  	s3 =	rddreg [dreg:$0x2];
	[bflag:$0x3] =	sbarrier.arrive $0xFFFF;
	s2 =	simm.s32 @!p0 $0x1C01  }
0xdd: {  	[timem:s3], [sflag:s2] =	dma.local @!p0 [hbm:s0], s1  }
0xde: {  	s0 =	simm.s32 @!p0 $0x1  }
0xdf: {  	_ =	swait.ge @!p0 [sflag:s0], s1  }
0xe0: {  	s1 =	ssub.s32 @!p0 $0x0, s1;
	[sflag:s0] =	ssyncset.done @!p0 $0x0  }
0xe1: {  	[sflag:s0] =	ssyncadd.s32 @!p0 s1  }
0xe2: {  	[bflag:$0x3] =	sbarrier.arrive $0xFFFF  }
0xe3: {  	_ =	shalt  }

// kernel: kernel.7.cloned.1.call-start
scs
__scs_entry_jumppad:
0x0: {  	(pc) =	sbr.rel $0x88, $3  }
0x1: {  	(tag) =	ssettag $0x0;
	lr =	simm.s32 $0x1  }
0x2: {  	[smem:$0x3F9E] =	sst lr;
	_ =	strace $0xD0000000  }
0x3: {  	_ = 	snop  }
0x4: {  	_ = 	snop  }
0x5: {  	_ = 	snop  }
0x6: {  	_ = 	snop  }
0x7: {  	_ = 	snop  }
__scs_overlays_trampoline_lowered:
0x8: {  	[smem:$0x3FAD] =	sst s0  }
0x9: {  	[smem:$0x3FAE] =	sst s1  }
0xa: {  	[smem:$0x3FAF] =	sst s2  }
0xb: {  	[smem:$0x3FB0] =	sst s3  }
0xc: {  	[smem:$0x3FB1] =	sst s4  }
0xd: {  	[smem:$0x3FB2] =	sst s5  }
0xe: {  	[smem:$0x3FB3] =	sst s6  }
0xf: {  	[smem:$0x3FB4] =	sst s7  }
0x10: {  	[smem:$0x3FB5] =	sst s8  }
0x11: {  	[smem:$0x3FB6] =	sst s9;
	s0 =	simm.s32 @!p0 $0x0  }
0x12: {  	s1 =	sld [smem:$0x3F9C];
	s0 =	simm.s32 @p0 $0x1  }
0x13: {  	[smem:$0x3FB7] =	sst s0;
	s0 =	simm.s32 @!p1 $0x0  }
0x14: {  	s2 =	sld [smem:$0x3F9B];
	s0 =	simm.s32 @p1 $0x1  }
0x15: {  	[smem:$0x3FB8] =	sst s0;
	s0 =	simm.s32 @!p2 $0x0  }
0x16: {  	s3 =	sld [smem:$0x3FDB];
	s0 =	simm.s32 @p2 $0x1  }
0x17: {  	s4 =	simm.s32 $0x1BF5;
	[smem:$0x3FBA] =	sst s0  }
0x18: {  	s0 =	sld [smem:$0x3F9D];
	_ =	swait.ge [sflag:s4], $0x0  }
0x19: {  	s7 =	sld [smem:$0x3F9E]  }
0x1a: {  	s8 =	sadd.s32 $0xFFFFE003, lr  }
0x1b: {  	s9 =	sadd.s32 $0xFFFFFEF7, lr;
	s5 =	simm.s32 $0xFFFFFFFF;
	p2 =	slt.u32 s8, $0xFFFFF086  }
0x1c: {  	p1 =	slt.u32 s9, $0xF7A;
	s5 =	simm.s32 @!p2 $0x0  }
0x1d: {  	s5 =	simm.s32 @p1 $0x1;
	p0 =	seq.s32 s7, s2  }
0x1e: {  	s7 =	smul.u32 @!p0 $0xF7A, s2;
	p2 =	seq.s32 @!p0 s5, $0x0  }
0x1f: {  	s9 =	smul.u32 $0xF7A, s1;
	s8 =	simm.s32 @!p0 $0x1BF5;
	p2 =	por !p2, p0  }
0x20: {  	[sflag:s8] =	ssyncset.s32 @!p0 $0xFFFFF086;
	s6 =	sadd.s32 @!p0 s3, s7;
	s7 =	simm.s32 @!p0 $0x108  }
0x21: {  	s3 =	sadd.s32 s3, s9;
	s6 =	sadd.s32 @!p0 $0x88, s6;
	s7 =	simm.s32 @p2 $0x1082  }
0x22: {  	[simem:s7], [sflag:s8] =	dma.local @!p0 [hbm:s6], $0xF7A  }
0x23: {  	s9 =	sor.u32 $0xD0000000, s2;
	s6 =	simm.s32 $0x108;
	_ =	swait.ge @!p0 [sflag:s8], $0x0  }
0x24: {  	s3 =	sadd.s32 $0x88, s3;
	s6 =	simm.s32 @!p1 $0x1082;
	[sflag:s4] =	ssyncset.s32 $0xFFFFF086  }
0x25: {  	[simem:s6], [sflag:s4] =	dma.local [hbm:s3], $0xF7A  }
0x26: {  	[smem:$0x3F9E] =	sst s1;
	(tag) =	ssettag s2;
	_ =	strace s9  }
0x27: {  	s1 =	sld [smem:$0x3FAE]  }
0x28: {  	s2 =	sld [smem:$0x3FAF]  }
0x29: {  	s4 =	sld [smem:$0x3FB1]  }
0x2a: {  	p0 =	seq.s32 s5, $0x0;
	s5 =	sld [smem:$0x3FB2]  }
0x2b: {  	s6 =	sld [smem:$0x3FB3]  }
0x2c: {  	s7 =	sld [smem:$0x3FB4]  }
0x2d: {  	s3 =	simm.s32 $0x108;
	s8 =	sld [smem:$0x3FB5]  }
0x2e: {  	s3 =	simm.s32 @!p0 $0x1082;
	s9 =	sld [smem:$0x3FB6]  }
0x2f: {  	lr =	sadd.s32 s0, s3;
	s0 =	sld [smem:$0x3FAD]  }
0x30: {  	s3 =	sld [smem:$0x3FB0]  }
0x31: {  	[smem:$0x3FB9] =	sst s10  }
0x32: {  	s10 =	sld [smem:$0x3FB7];
	_ =	sdelay $0x3  }
0x33: {  	p0 =	seq.s32 s10, $0x1;
	s10 =	sld [smem:$0x3FB9];
	_ =	sdelay $0x3  }
0x34: {  	[smem:$0x3FB9] =	sst s10  }
0x35: {  	s10 =	sld [smem:$0x3FB8];
	_ =	sdelay $0x3  }
0x36: {  	p1 =	seq.s32 s10, $0x1;
	s10 =	sld [smem:$0x3FB9];
	_ =	sdelay $0x3  }
0x37: {  	[smem:$0x3FB9] =	sst s10  }
0x38: {  	s10 =	sld [smem:$0x3FBA]  }
0x39: {  	_ = 	snop;
	(pc) =	sbr.ind lr, $3  }
0x3a: {  	_ = 	snop  }
0x3b: {  	_ = 	snop  }
0x3c: {  	p2 =	seq.s32 s10, $0x1;
	s10 =	sld [smem:$0x3FB9]  }
0x3d: {  	_ =	shalt  }
0x3e: {  	_ =	shalt  }
0x3f: {  	_ =	shalt  }
0x40: {  	_ =	shalt  }
0x41: {  	_ =	shalt  }
0x42: {  	_ =	shalt  }
0x43: {  	_ =	shalt  }
0x44: {  	_ =	shalt  }
0x45: {  	_ =	shalt  }
0x46: {  	_ =	shalt  }
0x47: {  	_ =	shalt  }
0x48: {  	_ =	shalt  }
0x49: {  	_ =	shalt  }
0x4a: {  	_ =	shalt  }
0x4b: {  	_ =	shalt  }
0x4c: {  	_ =	shalt  }
0x4d: {  	_ =	shalt  }
0x4e: {  	_ =	shalt  }
0x4f: {  	_ =	shalt  }
0x50: {  	_ =	shalt  }
0x51: {  	_ =	shalt  }
0x52: {  	_ =	shalt  }
0x53: {  	_ =	shalt  }
0x54: {  	_ =	shalt  }
0x55: {  	_ =	shalt  }
0x56: {  	_ =	shalt  }
0x57: {  	_ =	shalt  }
0x58: {  	_ =	shalt  }
0x59: {  	_ =	shalt  }
0x5a: {  	_ =	shalt  }
0x5b: {  	_ =	shalt  }
0x5c: {  	_ =	shalt  }
0x5d: {  	_ =	shalt  }
0x5e: {  	_ =	shalt  }
0x5f: {  	_ =	shalt  }
0x60: {  	_ =	shalt  }
0x61: {  	_ =	shalt  }
0x62: {  	_ =	shalt  }
0x63: {  	_ =	shalt  }
0x64: {  	_ =	shalt  }
0x65: {  	_ =	shalt  }
0x66: {  	_ =	shalt  }
0x67: {  	_ =	shalt  }
0x68: {  	_ =	shalt  }
0x69: {  	_ =	shalt  }
0x6a: {  	_ =	shalt  }
0x6b: {  	_ =	shalt  }
0x6c: {  	_ =	shalt  }
0x6d: {  	_ =	shalt  }
0x6e: {  	_ =	shalt  }
0x6f: {  	_ =	shalt  }
0x70: {  	_ =	shalt  }
0x71: {  	_ =	shalt  }
0x72: {  	_ =	shalt  }
0x73: {  	_ =	shalt  }
0x74: {  	_ =	shalt  }
0x75: {  	_ =	shalt  }
0x76: {  	_ =	shalt  }
0x77: {  	_ =	shalt  }
0x78: {  	_ =	shalt  }
0x79: {  	_ =	shalt  }
0x7a: {  	_ =	shalt  }
0x7b: {  	_ =	shalt  }
0x7c: {  	_ =	shalt  }
0x7d: {  	_ =	shalt  }
0x7e: {  	_ =	shalt  }
0x7f: {  	_ =	shalt  }
0x80: {  	_ =	shalt  }
0x81: {  	_ =	shalt  }
0x82: {  	_ =	shalt  }
0x83: {  	_ =	shalt  }
0x84: {  	_ =	shalt  }
0x85: {  	_ =	shalt  }
0x86: {  	_ =	shalt  }
0x87: {  	_ =	shalt  }
.Lfunc_end0:
.L_simem_size_0:
called_computation_lowered:
.L_overlay_start_0:
0x88: {  	s2 =	sld [smem:$0x3FD9]  }
0x89: {  	s3 =	sld [smem:$0x3FFE];
	_ =	sdelay $0x1  }
0x8a: {  	s1 =	srdreg.scid  }
0x8b: {  	s0 =	sand.u32 $0x1, s1  }
0x8c: {  	s17 =	sshll.u32 s0, $0xA;
	s2 =	sadd.s32 s3, s2  }
0x8d: {  	s2 =	sadd.s32 s2, s17  }
0x8e: {  	[smem:$0x3FC5] =	sst s2  }
0x8f: {  	_ = 	snop  }
0x90: {  	(tm) =	ssettm $0x1  }
0x91: {  	s18 =	sld [smem:$0x3FFB];
	_ =	sdelay $0x3  }
0x92: {  	_ =	strace s18  }
0x93: {  	s2 =	sld [smem:$0x3FFC];
	_ =	sdelay $0x3  }
0x94: {  	_ =	strace s2  }
0x95: {  	s2 =	sld [smem:$0x3FFD];
	_ =	sdelay $0x3  }
0x96: {  	_ =	strace s2  }
0x97: {  	_ =	strace $0x8FFFFFFF  }
0x98: {  	s19 =	sld [smem:$0x3FDB];
	_ =	sdelay $0x1  }
0x99: {  	s20 =	simm.s32 $_scs_section_size  }
0x9a: {  	s4 =	simm.s32 $_size__tile_overlayer_lowered;
	s5 =	simm.s32 $_tile_overlayer_lowered  }
0x9b: {  	s6 =	simm.s32 $0x1BFF;
	s21 =	sshll.u32 s5, $0x1;
	s3 =	sadd.s32 s20, s19  }
0x9c: {  	s22 =	simm.s32 $0x0;
	s4 =	sshll.u32 s4, $0x1;
	s5 =	sadd.s32 s21, s3  }
0x9d: {  	[timem:s22], [sflag:s6] =	dma.local [hbm:s5], s4  }
0x9e: {  	_ =	swait.ge [sflag:s6], s4  }
0x9f: {  	s4 =	ssub.s32 $0x0, s4;
	[sflag:s6] =	ssyncset.done $0x0  }
0xa0: {  	[sflag:s6] =	ssyncadd.s32 s4;
	_ =	sdelay $0x1  }
0xa1: {  	s23 =	simm.s32 $0x1B8B  }
0xa2: {  	_ =	swait.ge [sflag:s23], $0x1  }
0xa3: {  	[sflag:s23] =	ssyncset.done $0x0  }
0xa4: {  	[sflag:s23] =	ssyncadd.s32 $0xFFFFFFFF  }
0xa5: {  	s4 =	sld [smem:$0x0]  }
0xa6: {  	s5 =	sand.u32 $0xFFFFFFFE, s1  }
0xa7: {  	p0 =	sne.s32 s1, s5  }
0xa8: {  	s5 =	sshll.u32 @p0 s5, $0xE  }
0xa9: {  	s5 =	sadd.s32 @p0 $0x11B8D, s5;
	s6 =	sshll.u32 @p0 s4, $0x11  }
0xaa: {  	s5 =	sor.u32 @p0 s6, s5  }
0xab: {  	[sflag:s5] =	ssyncadd.remote.s32 @p0 $0x1;
	_ =	sdelay $0x1  }
0xac: {  	s5 =	simm.s32 @p0 $0x1B8D  }
0xad: {  	_ =	swait.eq @p0 [sflag:s5], $0x1  }
0xae: {  	[sflag:s5] =	ssyncadd.s32 @p0 $0xFFFFFFFF  }
0xaf: {  	s6 =	sshll.u32 @!p0 s1, $0xE  }
0xb0: {  	s6 =	sor.u32 @!p0 $0x4000, s6;
	s5 =	simm.s32 @!p0 $0x1B8D  }
0xb1: {  	s4 =	sshll.u32 @!p0 s4, $0x11;
	s6 =	sadd.s32 @!p0 $0x11B8D, s6;
	_ =	swait.eq @!p0 [sflag:s5], $0x1  }
0xb2: {  	s4 =	sor.u32 @!p0 s4, s6;
	[sflag:s5] =	ssyncadd.s32 @!p0 $0xFFFFFFFF  }
0xb3: {  	s25 =	simm.s32 $0x1B8E;
	s24 =	sld [smem:$0x3FFE];
	[sflag:s4] =	ssyncadd.remote.s32 @!p0 $0x1  }
0xb4: {  	s26 =	simm.s32 $execute0_lowered;
	[smem:$0x3FD2] =	sst s25  }
0xb5: {  	s5 =	sshll.u32 s26, $0x1;
	_ =	strace $0x80000049;
	[dreg:$0x1] =	wrdreg $0xFFFFFFFF  }
0xb6: {  	s28 =	simm.s32 $_size_execute0_lowered;
	s3 =	sadd.s32 s3, s5;
	[dreg:$0x0] =	wrdreg $0x0  }
0xb7: {  	s5 =	sshll.u32 s28, $0x1;
	[dreg:$0x2] =	wrdreg s3  }
0xb8: {  	[dreg:$0x3] =	wrdreg s5  }
0xb9: {  	[dreg:$0x4] =	wrdreg $0xC0  }
0xba: {  	_ =	task [dreg:s22], $0x5FFFF  }
0xbb: {  	[dreg:$0x1] =	wrdreg $0xFFFFFFFF  }
0xbc: {  	[dreg:$0x0] =	wrdreg $0x60  }
0xbd: {  	[dreg:$0x2] =	wrdreg s24  }
0xbe: {  	[dreg:$0x3] =	wrdreg $0x9  }
0xbf: {  	_ =	task.clear_ibuf [dreg:s22], $0x4FFFF;
	_ =	strace $0x90000049  }
0xc0: {  	s29 =	simm.s32 $0x9;
	_ =	strace $0x8000004B  }
0xc1: {  	_ =	swait.ge [sflag:s29], $0x1  }
0xc2: {  	[sflag:s29] =	ssyncadd.s32 $0xFFFFFFFF  }
0xc3: {  	_ =	strace $0x9000004B  }
0xc4: {  	_ =	sfence  }
0xc5: {  	s30 =	sld [smem:$0x0];
	_ =	sdelay $0x2  }
0xc6: {  	s31 =	sshll.u32 s1, $0xD;
	s1 =	sshrl.u32 s1, $0x2  }
0xc7: {  	s4 =	sand.u32 $0x4000, s31;
	s1 =	sadd.s32 s1, s30  }
0xc8: {  	s0 =	sor.u32 s4, s0;
	s1 =	sshll.u32 s1, $0x11  }
0xc9: {  	s0 =	sor.u32 s1, s0  }
0xca: {  	s0 =	sadd.s32 $0x8F2B, s0  }
0xcb: {  	[sflag:s0] =	ssyncadd.remote.s32 $0x1  }
0xcc: {  	_ =	sfence.sel $0xFFFF  }
0xcd: {  	[dreg:$0x0] =	wrdreg $0xFFFFFFFF;
	(pc) =	sbr.abs _section_cstart, $3  }
0xce: {  	[dreg:$0x1] =	wrdreg $0xFFFFFFFF  }
0xcf: {  	_ =	task.clear_ibuf [dreg:s22], $0x2FFFF;
	_ =	strace $0x9FFFFFFF  }
0xd0: {  	(tm) =	ssettm $0x7FFFFFFF  }
0xd1: {  	_ =	shalt  }
tec
execute0_lowered:
.L_overlay_start_1:
0x0: {  	(tag) =	ssettag $0x1  }
0x1: {  	s0 =	rddreg [dreg:$0x0];
	s2 =	simm.s32 $0x0  }
0x2: {  	s4 =	stileid.u32;
	s1 =	srdreg.scid;
	s16 =	simm.s32 $0x2A00  }
0x3: {  	s17 =	simm.s32 $0x1;
	s18 =	simm.s32 $0x3F00;
	s19 =	simm.s32 $0x5400  }
0x4: {  	s20 =	simm.s32 $0x6900;
	s21 =	simm.s32 $0x1500;
	s22 =	simm.s32 $0x7E00  }
0x5: {  	s29 =	simm.s32 $0x0;
	s3 =	sshrl.u32 s4, $0x2;
	s1 =	sand.u32 $0x1, s1  }
0x6: {  	s4 =	sshll.u32 s4, $0x1;
	[smem:$0x7FF] =	sst s2;
	s5 =	smul.u32 $0x2A0, s3  }
0x7: {  	s6 =	sor.u32 s1, s4;
	_ =	strace $0x8000004A;
	s1 =	ssub.s32 $0x2, s1  }
0x8: {  	s3 =	sadd.s32 $0x8B000, s0;
	s7 =	smul.u32 $0x280, s6;
	s8 =	sshrl.u32 s1, $0x1  }
0x9: {  	s4 =	sadd.s32 $0xBF800, s0;
	s9 =	sadd.s32 s5, s0;
	s1 =	ssub.s32 s1, s8  }
0xa: {  	s5 =	smul.u32 $0xA, s6;
	s0 =	sadd.s32 s7, s0;
	s6 =	sadd.s32 $0x88000, s9  }
0xb: {  	s7 =	sadd.s32 $0x88C00, s9;
	s8 =	sadd.s32 $0x89800, s9;
	s9 =	sadd.s32 $0x8A400, s9  }
0xc: {  	s15 =	smax.u32 s1, $0x1;
	s10 =	sadd.s32 $0xF4000, s0;
	s11 =	sadd.s32 $0xF9000, s0  }
0xd: {  	v0 =	vlaneseq.u32;
	s12 =	sadd.s32 $0xFE000, s0;
	s13 =	sadd.s32 $0x103000, s0;
	s14 =	sadd.s32 $0x108000, s0  }
.LBB2_1:
0xe: {  	[tilespmem:s16], [sflag:$0x1] =	stream.linear.gather [hbm4b:s6+s2], $0x1500, $0x38;
	[tilespmem:$0xE400] =	vst v63  }
0xf: {  	_ =	swait.ge [sflag:s17], $0x1500  }
0x10: {  	[sflag:s17] =	ssyncset.done $0x0  }
0x11: {  	[sflag:s17] =	ssyncadd.s32 $0xFFFFEB00  }
0x12: {  	[tilespmem:s18], [sflag:$0x1] =	stream.linear.gather [hbm4b:s7+s2], $0x1500, $0x38;
	[tilespmem:$0xE400] =	vst v63  }
0x13: {  	_ =	swait.ge [sflag:s17], $0x1500  }
0x14: {  	[sflag:s17] =	ssyncset.done $0x0  }
0x15: {  	[sflag:s17] =	ssyncadd.s32 $0xFFFFEB00  }
0x16: {  	[tilespmem:s19], [sflag:$0x1] =	stream.linear.gather [hbm4b:s8+s2], $0x1500, $0x38;
	[tilespmem:$0xE400] =	vst v63  }
0x17: {  	_ =	swait.ge [sflag:s17], $0x1500  }
0x18: {  	[sflag:s17] =	ssyncset.done $0x0  }
0x19: {  	[sflag:s17] =	ssyncadd.s32 $0xFFFFEB00  }
0x1a: {  	[tilespmem:s20], [sflag:$0x1] =	stream.linear.gather [hbm4b:s9+s2], $0x1500, $0x38;
	[tilespmem:$0xE400] =	vst v63  }
0x1b: {  	s30 =	simm.s32 $0xBC40;
	s31 =	simm.s32 $0xA870;
	_ =	swait.ge [sflag:s17], $0x1500  }
0x1c: {  	s0 =	simm.s32 $0x9470;
	s1 =	simm.s32 $0x8070;
	[sflag:s17] =	ssyncset.done $0x0  }
0x1d: {  	s23 =	simm.s32 $0xD040;
	s24 =	simm.s32 $0x0;
	[sflag:s17] =	ssyncadd.s32 $0xFFFFEB00  }
.LBB2_2:
0x1e: {  	s25 =	sadd.s32 s5, s24  }
0x1f: {  	s25 =	smul.u32 $0x2A0, s25;
	_ =	sdelay $0x1  }
0x20: {  	s26 =	sadd.s32 s3, s25  }
0x21: {  	[tilespmem:s2], [sflag:$0x1] =	stream.linear.gather [hbm4b:s26+s2], $0x1500, $0x38;
	[tilespmem:$0xE400] =	vst v63  }
0x22: {  	_ =	swait.ge [sflag:s17], $0x1500  }
0x23: {  	[sflag:s17] =	ssyncset.done $0x0  }
0x24: {  	s25 =	sadd.s32 s4, s25;
	[sflag:s17] =	ssyncadd.s32 $0xFFFFEB00  }
0x25: {  	[tilespmem:s21], [sflag:$0x1] =	stream.linear.gather [hbm4b:s25+s2], $0x1500, $0x38;
	[tilespmem:$0xE400] =	vst v63  }
0x26: {  	_ =	swait.ge [sflag:s17], $0x1500  }
0x27: {  	[sflag:s17] =	ssyncset.done $0x0  }
0x28: {  	s26 =	simm.s32 $0x40;
	s25 =	simm.s32 $0x70;
	[sflag:s17] =	ssyncadd.s32 $0xFFFFEB00  }
.LBB2_3:
0x29: {  	v1 =	vld [tilespmem:s26+$0xFFFFFFC0];
	_ =	sdelay $0x4  }
0x2a: {  	vm0 =	vgt.s32 v1, $0xFFFFFFFF;
	vm1 =	vgt.s32 v1, $0x0  }
0x2b: {  	v1 =	vnsel vm1, $0x0, v1;
	_ =	sdelay $0x2  }
0x2c: {  	s28 =	sadd.s32 $0xFFFFFF90, s25  }
0x2d: {  	v2 =	vor.u32 s28, v0  }
0x2e: {  	[tilespmem:v1+s22+$0x0] =	vst.idx.msk vm0, v2  }
0x2f: {  	v1 =	vld [tilespmem:s26+$0xFFFFFFD0];
	_ =	sdelay $0x4  }
0x30: {  	vm14 =	vgt.s32 v1, $0xFFFFFFFF;
	vm15 =	vgt.s32 v1, $0x0  }
0x31: {  	v1 =	vnsel vm15, $0x0, v1;
	_ =	sdelay $0x2  }
0x32: {  	s28 =	sadd.s32 $0xFFFFFFA0, s25  }
0x33: {  	v2 =	vor.u32 s28, v0  }
0x34: {  	[tilespmem:v1+s22+$0x0] =	vst.idx.msk vm14, v2  }
0x35: {  	v1 =	vld [tilespmem:s26+$0xFFFFFFE0];
	_ =	sdelay $0x4  }
0x36: {  	vm4 =	vgt.s32 v1, $0xFFFFFFFF;
	vm5 =	vgt.s32 v1, $0x0  }
0x37: {  	v1 =	vnsel vm5, $0x0, v1;
	_ =	sdelay $0x2  }
0x38: {  	s28 =	sadd.s32 $0xFFFFFFB0, s25  }
0x39: {  	v2 =	vor.u32 s28, v0  }
0x3a: {  	[tilespmem:v1+s22+$0x0] =	vst.idx.msk vm4, v2  }
0x3b: {  	v1 =	vld [tilespmem:s26+$0xFFFFFFF0];
	_ =	sdelay $0x4  }
0x3c: {  	vm6 =	vgt.s32 v1, $0xFFFFFFFF;
	vm7 =	vgt.s32 v1, $0x0  }
0x3d: {  	v1 =	vnsel vm7, $0x0, v1;
	_ =	sdelay $0x2  }
0x3e: {  	s28 =	sadd.s32 $0xFFFFFFC0, s25  }
0x3f: {  	v2 =	vor.u32 s28, v0  }
0x40: {  	[tilespmem:v1+s22+$0x0] =	vst.idx.msk vm6, v2  }
0x41: {  	v1 =	vld [tilespmem:s26+$0x0];
	_ =	sdelay $0x4  }
0x42: {  	vm8 =	vgt.s32 v1, $0xFFFFFFFF;
	vm9 =	vgt.s32 v1, $0x0  }
0x43: {  	v1 =	vnsel vm9, $0x0, v1;
	_ =	sdelay $0x2  }
0x44: {  	s28 =	sadd.s32 $0xFFFFFFD0, s25  }
0x45: {  	v2 =	vor.u32 s28, v0  }
0x46: {  	[tilespmem:v1+s22+$0x0] =	vst.idx.msk vm8, v2  }
0x47: {  	v1 =	vld [tilespmem:s26+$0x10];
	_ =	sdelay $0x4  }
0x48: {  	vm10 =	vgt.s32 v1, $0xFFFFFFFF;
	vm11 =	vgt.s32 v1, $0x0  }
0x49: {  	v1 =	vnsel vm11, $0x0, v1;
	_ =	sdelay $0x2  }
0x4a: {  	s28 =	sadd.s32 $0xFFFFFFE0, s25  }
0x4b: {  	v2 =	vor.u32 s28, v0  }
0x4c: {  	[tilespmem:v1+s22+$0x0] =	vst.idx.msk vm10, v2  }
0x4d: {  	v1 =	vld [tilespmem:s26+$0x20];
	_ =	sdelay $0x4  }
0x4e: {  	vm12 =	vgt.s32 v1, $0xFFFFFFFF;
	vm13 =	vgt.s32 v1, $0x0  }
0x4f: {  	v1 =	vnsel vm13, $0x0, v1;
	_ =	sdelay $0x2  }
0x50: {  	s28 =	sadd.s32 $0xFFFFFFF0, s25  }
0x51: {  	v2 =	vor.u32 s28, v0  }
0x52: {  	[tilespmem:v1+s22+$0x0] =	vst.idx.msk vm12, v2  }
0x53: {  	v1 =	vld [tilespmem:s26+$0x30];
	_ =	sdelay $0x4  }
0x54: {  	vm14 =	vgt.s32 v1, $0xFFFFFFFF;
	vm15 =	vgt.s32 v1, $0x0  }
0x55: {  	p0 =	sne.s32 s25, $0x14F0;
	v1 =	vnsel vm15, $0x0, v1  }
.Ltmp0:
0x56: {  	_ = 	snop;
	(pc) =	sbr.rel @p0 .LBB2_3-.Ltmp0, $3  }
0x57: {  	_ =	sdelay $0x1  }
0x58: {  	v2 =	vor.u32 s25, v0  }
0x59: {  	s25 =	sadd.s32 $0x80, s25;
	s26 =	sadd.s32 $0x80, s26;
	[tilespmem:v1+s22+$0x0] =	vst.idx.msk vm14, v2  }
0x5a: {  	v1 =	vmov s1;
	v2 =	vmov s0  }
0x5b: {  	s25 =	simm.s32 $0x0;
	v3 =	vmov s31;
	v4 =	vmov s30;
	v5 =	vmov s23  }
.LBB2_5:
0x5c: {  	s26 =	sshra.s32 s25, $0x2  }
0x5d: {  	v6 =	vld [tilespmem:s26+$0x7E00];
	_ =	sdelay $0x7  }
0x5e: {  	v7 =	vld.idx.msk [tilespmem:v6+s21+$0x0], $0xffff;
	_ =	sdelay $0x4  }
0x5f: {  	[tilespmem:v1+s26+$0xFFFFFF90 ss:$0x1] =	vst.idx.msk $0xffff, v7  }
0x60: {  	v7 =	vld.idx.msk [tilespmem:v6+s16+$0x0], $0xffff;
	_ =	sdelay $0x4  }
0x61: {  	[tilespmem:v2+s26+$0xFFFFFF90 ss:$0x1] =	vst.idx.msk $0xffff, v7  }
0x62: {  	v7 =	vld.idx.msk [tilespmem:v6+s18+$0x0], $0xffff;
	_ =	sdelay $0x4  }
0x63: {  	[tilespmem:v3+s26+$0xFFFFFF90 ss:$0x1] =	vst.idx.msk $0xffff, v7  }
0x64: {  	v7 =	vld.idx.msk [tilespmem:v6+s19+$0x0], $0xffff;
	_ =	sdelay $0x4  }
0x65: {  	[tilespmem:v4+s26+$0xFFFFFFC0 ss:$0x1] =	vst.idx.msk $0xffff, v7  }
0x66: {  	v6 =	vld.idx.msk [tilespmem:v6+s20+$0x0], $0xffff;
	_ =	sdelay $0x4  }
0x67: {  	[tilespmem:v5+s26+$0xFFFFFFC0 ss:$0x1] =	vst.idx.msk $0xffff, v6  }
0x68: {  	v6 =	vld [tilespmem:s26+$0x7E10];
	_ =	sdelay $0x7  }
0x69: {  	v7 =	vld.idx.msk [tilespmem:v6+s21+$0x0], $0xffff;
	_ =	sdelay $0x4  }
0x6a: {  	[tilespmem:v1+s26+$0xFFFFFFA0 ss:$0x1] =	vst.idx.msk $0xffff, v7  }
0x6b: {  	v7 =	vld.idx.msk [tilespmem:v6+s16+$0x0], $0xffff;
	_ =	sdelay $0x4  }
0x6c: {  	[tilespmem:v2+s26+$0xFFFFFFA0 ss:$0x1] =	vst.idx.msk $0xffff, v7  }
0x6d: {  	v7 =	vld.idx.msk [tilespmem:v6+s18+$0x0], $0xffff;
	_ =	sdelay $0x4  }
0x6e: {  	[tilespmem:v3+s26+$0xFFFFFFA0 ss:$0x1] =	vst.idx.msk $0xffff, v7  }
0x6f: {  	v7 =	vld.idx.msk [tilespmem:v6+s19+$0x0], $0xffff;
	_ =	sdelay $0x4  }
0x70: {  	[tilespmem:v4+s26+$0xFFFFFFD0 ss:$0x1] =	vst.idx.msk $0xffff, v7  }
0x71: {  	v6 =	vld.idx.msk [tilespmem:v6+s20+$0x0], $0xffff;
	_ =	sdelay $0x4  }
0x72: {  	[tilespmem:v5+s26+$0xFFFFFFD0 ss:$0x1] =	vst.idx.msk $0xffff, v6  }
0x73: {  	v6 =	vld [tilespmem:s26+$0x7E20];
	_ =	sdelay $0x7  }
0x74: {  	v7 =	vld.idx.msk [tilespmem:v6+s21+$0x0], $0xffff;
	_ =	sdelay $0x4  }
0x75: {  	[tilespmem:v1+s26+$0xFFFFFFB0 ss:$0x1] =	vst.idx.msk $0xffff, v7  }
0x76: {  	v7 =	vld.idx.msk [tilespmem:v6+s16+$0x0], $0xffff;
	_ =	sdelay $0x4  }
0x77: {  	[tilespmem:v2+s26+$0xFFFFFFB0 ss:$0x1] =	vst.idx.msk $0xffff, v7  }
0x78: {  	v7 =	vld.idx.msk [tilespmem:v6+s18+$0x0], $0xffff;
	_ =	sdelay $0x4  }
0x79: {  	[tilespmem:v3+s26+$0xFFFFFFB0 ss:$0x1] =	vst.idx.msk $0xffff, v7  }
0x7a: {  	v7 =	vld.idx.msk [tilespmem:v6+s19+$0x0], $0xffff;
	_ =	sdelay $0x4  }
0x7b: {  	[tilespmem:v4+s26+$0xFFFFFFE0 ss:$0x1] =	vst.idx.msk $0xffff, v7  }
0x7c: {  	v6 =	vld.idx.msk [tilespmem:v6+s20+$0x0], $0xffff;
	_ =	sdelay $0x4  }
0x7d: {  	[tilespmem:v5+s26+$0xFFFFFFE0 ss:$0x1] =	vst.idx.msk $0xffff, v6  }
0x7e: {  	v6 =	vld [tilespmem:s26+$0x7E30];
	_ =	sdelay $0x7  }
0x7f: {  	v7 =	vld.idx.msk [tilespmem:v6+s21+$0x0], $0xffff;
	_ =	sdelay $0x4  }
0x80: {  	[tilespmem:v1+s26+$0xFFFFFFC0 ss:$0x1] =	vst.idx.msk $0xffff, v7  }
0x81: {  	v7 =	vld.idx.msk [tilespmem:v6+s16+$0x0], $0xffff;
	_ =	sdelay $0x4  }
0x82: {  	[tilespmem:v2+s26+$0xFFFFFFC0 ss:$0x1] =	vst.idx.msk $0xffff, v7  }
0x83: {  	v7 =	vld.idx.msk [tilespmem:v6+s18+$0x0], $0xffff;
	_ =	sdelay $0x4  }
0x84: {  	[tilespmem:v3+s26+$0xFFFFFFC0 ss:$0x1] =	vst.idx.msk $0xffff, v7  }
0x85: {  	v7 =	vld.idx.msk [tilespmem:v6+s19+$0x0], $0xffff;
	_ =	sdelay $0x4  }
0x86: {  	[tilespmem:v4+s26+$0xFFFFFFF0 ss:$0x1] =	vst.idx.msk $0xffff, v7  }
0x87: {  	v6 =	vld.idx.msk [tilespmem:v6+s20+$0x0], $0xffff;
	_ =	sdelay $0x4  }
0x88: {  	[tilespmem:v5+s26+$0xFFFFFFF0 ss:$0x1] =	vst.idx.msk $0xffff, v6  }
0x89: {  	v6 =	vld [tilespmem:s26+$0x7E40];
	_ =	sdelay $0x7  }
0x8a: {  	v7 =	vld.idx.msk [tilespmem:v6+s21+$0x0], $0xffff;
	_ =	sdelay $0x4  }
0x8b: {  	[tilespmem:v1+s26+$0xFFFFFFD0 ss:$0x1] =	vst.idx.msk $0xffff, v7  }
0x8c: {  	v7 =	vld.idx.msk [tilespmem:v6+s16+$0x0], $0xffff;
	_ =	sdelay $0x4  }
0x8d: {  	[tilespmem:v2+s26+$0xFFFFFFD0 ss:$0x1] =	vst.idx.msk $0xffff, v7  }
0x8e: {  	v7 =	vld.idx.msk [tilespmem:v6+s18+$0x0], $0xffff;
	_ =	sdelay $0x4  }
0x8f: {  	[tilespmem:v3+s26+$0xFFFFFFD0 ss:$0x1] =	vst.idx.msk $0xffff, v7  }
0x90: {  	v7 =	vld.idx.msk [tilespmem:v6+s19+$0x0], $0xffff;
	_ =	sdelay $0x4  }
0x91: {  	[tilespmem:v4+s26+$0x0 ss:$0x1] =	vst.idx.msk $0xffff, v7  }
0x92: {  	v6 =	vld.idx.msk [tilespmem:v6+s20+$0x0], $0xffff;
	_ =	sdelay $0x4  }
0x93: {  	[tilespmem:v5+s26+$0x0 ss:$0x1] =	vst.idx.msk $0xffff, v6  }
0x94: {  	v6 =	vld [tilespmem:s26+$0x7E50];
	_ =	sdelay $0x7  }
0x95: {  	v7 =	vld.idx.msk [tilespmem:v6+s21+$0x0], $0xffff;
	_ =	sdelay $0x4  }
0x96: {  	[tilespmem:v1+s26+$0xFFFFFFE0 ss:$0x1] =	vst.idx.msk $0xffff, v7  }
0x97: {  	v7 =	vld.idx.msk [tilespmem:v6+s16+$0x0], $0xffff;
	_ =	sdelay $0x4  }
0x98: {  	[tilespmem:v2+s26+$0xFFFFFFE0 ss:$0x1] =	vst.idx.msk $0xffff, v7  }
0x99: {  	v7 =	vld.idx.msk [tilespmem:v6+s18+$0x0], $0xffff;
	_ =	sdelay $0x4  }
0x9a: {  	[tilespmem:v3+s26+$0xFFFFFFE0 ss:$0x1] =	vst.idx.msk $0xffff, v7  }
0x9b: {  	v7 =	vld.idx.msk [tilespmem:v6+s19+$0x0], $0xffff;
	_ =	sdelay $0x4  }
0x9c: {  	[tilespmem:v4+s26+$0x10 ss:$0x1] =	vst.idx.msk $0xffff, v7  }
0x9d: {  	v6 =	vld.idx.msk [tilespmem:v6+s20+$0x0], $0xffff;
	_ =	sdelay $0x4  }
0x9e: {  	[tilespmem:v5+s26+$0x10 ss:$0x1] =	vst.idx.msk $0xffff, v6  }
0x9f: {  	v6 =	vld [tilespmem:s26+$0x7E60];
	_ =	sdelay $0x7  }
0xa0: {  	v7 =	vld.idx.msk [tilespmem:v6+s21+$0x0], $0xffff;
	_ =	sdelay $0x4  }
0xa1: {  	[tilespmem:v1+s26+$0xFFFFFFF0 ss:$0x1] =	vst.idx.msk $0xffff, v7  }
0xa2: {  	v7 =	vld.idx.msk [tilespmem:v6+s16+$0x0], $0xffff;
	_ =	sdelay $0x4  }
0xa3: {  	[tilespmem:v2+s26+$0xFFFFFFF0 ss:$0x1] =	vst.idx.msk $0xffff, v7  }
0xa4: {  	v7 =	vld.idx.msk [tilespmem:v6+s18+$0x0], $0xffff;
	_ =	sdelay $0x4  }
0xa5: {  	[tilespmem:v3+s26+$0xFFFFFFF0 ss:$0x1] =	vst.idx.msk $0xffff, v7  }
0xa6: {  	v7 =	vld.idx.msk [tilespmem:v6+s19+$0x0], $0xffff;
	_ =	sdelay $0x4  }
0xa7: {  	[tilespmem:v4+s26+$0x20 ss:$0x1] =	vst.idx.msk $0xffff, v7  }
0xa8: {  	v6 =	vld.idx.msk [tilespmem:v6+s20+$0x0], $0xffff;
	_ =	sdelay $0x4  }
0xa9: {  	[tilespmem:v5+s26+$0x20 ss:$0x1] =	vst.idx.msk $0xffff, v6  }
0xaa: {  	v6 =	vld [tilespmem:s26+$0x7E70];
	_ =	sdelay $0x7  }
0xab: {  	v7 =	vld.idx.msk [tilespmem:v6+s21+$0x0], $0xffff;
	_ =	sdelay $0x4  }
0xac: {  	[tilespmem:v1+s26+$0x0 ss:$0x1] =	vst.idx.msk $0xffff, v7  }
0xad: {  	v7 =	vld.idx.msk [tilespmem:v6+s16+$0x0], $0xffff;
	_ =	sdelay $0x4  }
0xae: {  	[tilespmem:v2+s26+$0x0 ss:$0x1] =	vst.idx.msk $0xffff, v7  }
0xaf: {  	v7 =	vld.idx.msk [tilespmem:v6+s18+$0x0], $0xffff;
	_ =	sdelay $0x4  }
0xb0: {  	[tilespmem:v3+s26+$0x0 ss:$0x1] =	vst.idx.msk $0xffff, v7  }
0xb1: {  	v7 =	vld.idx.msk [tilespmem:v6+s19+$0x0], $0xffff;
	_ =	sdelay $0x4  }
0xb2: {  	[tilespmem:v4+s26+$0x30 ss:$0x1] =	vst.idx.msk $0xffff, v7  }
0xb3: {  	p0 =	sne.s32 s25, $0x600;
	v6 =	vld.idx.msk [tilespmem:v6+s20+$0x0], $0xffff  }
.Ltmp1:
0xb4: {  	_ = 	snop;
	(pc) =	sbr.rel @p0 .LBB2_5-.Ltmp1, $2  }
0xb5: {  	_ =	sdelay $0x2  }
0xb6: {  	s25 =	sadd.s32 $0x200, s25;
	[tilespmem:v5+s26+$0x30 ss:$0x1] =	vst.idx.msk $0xffff, v6  }
0xb7: {  	s24 =	sadd.s32 $0x1, s24  }
0xb8: {  	p0 =	sne.s32 s24, $0xA  }
.Ltmp2:
0xb9: {  	_ = 	snop;
	(pc) =	sbr.rel @p0 .LBB2_2-.Ltmp2, $3  }
0xba: {  	_ =	sdelay $0x1  }
0xbb: {  	s30 =	sadd.s32 $0x200, s30;
	s31 =	sadd.s32 $0x200, s31  }
0xbc: {  	s0 =	sadd.s32 $0x200, s0;
	s1 =	sadd.s32 $0x200, s1;
	s23 =	sadd.s32 $0x200, s23  }
0xbd: {  	s0 =	simm.s32 $0x8000  }
0xbe: {  	[hbm4b:s10+s2] =	stream.linear.scatter [tilespmem:s0], [sflag:$0x1], $0x1400, $0x38;
	[tilespmem:$0xE400] =	vst v63  }
0xbf: {  	_ =	swait.ge [sflag:s17], $0x1400  }
0xc0: {  	[sflag:s17] =	ssyncset.done $0x0  }
0xc1: {  	s26 =	simm.s32 $0x9400;
	[sflag:s17] =	ssyncadd.s32 $0xFFFFEC00  }
0xc2: {  	[hbm4b:s11+s2] =	stream.linear.scatter [tilespmem:s26], [sflag:$0x1], $0x1400, $0x38;
	[tilespmem:$0xE400] =	vst v63  }
0xc3: {  	_ =	swait.ge [sflag:s17], $0x1400  }
0xc4: {  	[sflag:s17] =	ssyncset.done $0x0  }
0xc5: {  	s28 =	simm.s32 $0xA800;
	[sflag:s17] =	ssyncadd.s32 $0xFFFFEC00  }
0xc6: {  	[hbm4b:s12+s2] =	stream.linear.scatter [tilespmem:s28], [sflag:$0x1], $0x1400, $0x38;
	[tilespmem:$0xE400] =	vst v63  }
0xc7: {  	_ =	swait.ge [sflag:s17], $0x1400  }
0xc8: {  	[sflag:s17] =	ssyncset.done $0x0  }
0xc9: {  	s30 =	simm.s32 $0xBC00;
	[sflag:s17] =	ssyncadd.s32 $0xFFFFEC00  }
0xca: {  	[hbm4b:s13+s2] =	stream.linear.scatter [tilespmem:s30], [sflag:$0x1], $0x1400, $0x38;
	[tilespmem:$0xE400] =	vst v63  }
0xcb: {  	s29 =	sadd.s32 $0x1, s29;
	_ =	swait.ge [sflag:s17], $0x1400  }
0xcc: {  	p0 =	sne.s32 s29, s15;
	[sflag:s17] =	ssyncset.done $0x0  }
.Ltmp3:
0xcd: {  	s31 =	simm.s32 $0xD000;
	[sflag:s17] =	ssyncadd.s32 $0xFFFFEC00;
	(pc) =	sbr.rel @p0 .LBB2_1-.Ltmp3, $4  }
0xce: {  	[hbm4b:s14+s2] =	stream.linear.scatter [tilespmem:s31], [sflag:$0x1], $0x1400, $0x38;
	[tilespmem:$0xE400] =	vst v63  }
0xcf: {  	_ =	swait.ge [sflag:s17], $0x1400  }
0xd0: {  	[sflag:s17] =	ssyncset.done $0x0  }
0xd1: {  	[sflag:s17] =	ssyncadd.s32 $0xFFFFEC00  }
0xd2: {  	_ =	sfence.sel $0x180000  }
0xd3: {  	[bflag:$0x0] =	sbarrier.arrive $0xFFFF  }
0xd4: {  	_ =	strace $0x9000004A  }
0xd5: {  	s0 =	stileid.u32;
	[bflag:$0x2] =	sbarrier.arrive $0xFFFF  }
0xd6: {  	p0 =	sne.s32 s0, $0x0;
	s0 =	rddreg [dreg:$0x1]  }
0xd7: {  	s0 =	sadd.s32 @!p0 $0x100000, s0  }
0xd8: {  	[sflag:s0] =	ssyncadd.tile.s32 @!p0 $0x1;
	_ =	shalt  }
.Lfunc_end2:
_tile_overlayer_lowered:
.L_overlay_start_2:
0xd9: {  	(tag) =	ssettag $0x2  }
0xda: {  	s0 =	rddreg [dreg:$0x0];
	s2 =	stileid.u32  }
0xdb: {  	s1 =	rddreg [dreg:$0x1];
	p0 =	sne.s32 s2, $0x0  }
0xdc: {  	s3 =	rddreg [dreg:$0x2];
	[bflag:$0x3] =	sbarrier.arrive $0xFFFF;
	s2 =	simm.s32 @!p0 $0x1C01  }
0xdd: {  	[timem:s3], [sflag:s2] =	dma.local @!p0 [hbm:s0], s1  }
0xde: {  	s0 =	simm.s32 @!p0 $0x1  }
0xdf: {  	_ =	swait.ge @!p0 [sflag:s0], s1  }
0xe0: {  	s1 =	ssub.s32 @!p0 $0x0, s1;
	[sflag:s0] =	ssyncset.done @!p0 $0x0  }
0xe1: {  	[sflag:s0] =	ssyncadd.s32 @!p0 s1  }
0xe2: {  	[bflag:$0x3] =	sbarrier.arrive $0xFFFF  }
0xe3: {  	_ =	shalt  }

</sc_bundles>
